<compile_context>
chip_gen: v7x
topology: tpu7x:2x2x1
jax: 0.10.2.dev20260603
libtpu: 0.0.44.dev20260713+nightly
codegen_flags: <defaults>
</compile_context>

<pallas_src>
import jax
import jax.numpy as jnp
import numpy as np
from jax.experimental import pallas as pl


def _fps_single(xyz, K):
    N = xyz.shape[0]
    def body(i, state):
        idxs, dists = state
        last = xyz[idxs[i - 1]]
        d = jnp.sum((xyz - last) ** 2, axis=-1)
        dists = jnp.minimum(dists, d)
        idxs = idxs.at[i].set(jnp.argmax(dists).astype(jnp.int32))
        return (idxs, dists)
    idxs0 = jnp.zeros((K,), jnp.int32)
    dists0 = jnp.full((N,), jnp.inf, dtype=jnp.float32)
    idxs, _ = jax.lax.fori_loop(1, K, body, (idxs0, dists0))
    return idxs


def _sample_farthest_points(xyz, K):
    idx = jax.vmap(lambda p: _fps_single(p, K))(jax.lax.stop_gradient(xyz))
    new_xyz = jax.vmap(lambda p, i: p[i])(xyz, idx)
    return new_xyz, idx


def _query_ball_point(radius, nsample, xyz, new_xyz):
    d2 = jnp.sum((new_xyz[:, :, None, :] - xyz[:, None, :, :]) ** 2, axis=-1)
    dist = jnp.sqrt(jnp.maximum(d2, 0.0))
    group_idx = jnp.argsort(dist, axis=-1)[:, :, :nsample]
    gd = jnp.take_along_axis(dist, group_idx, axis=-1)
    mask = gd > radius
    group_first = jnp.broadcast_to(group_idx[:, :, :1], group_idx.shape)
    return jnp.where(mask, group_first, group_idx)


def _index_points(points, idx):
    return jax.vmap(lambda p, i: p[i])(points, idx)


def _bn(x, gamma, beta, axes):
    mean = jnp.mean(x, axis=axes, keepdims=True)
    var = jnp.mean((x - mean) ** 2, axis=axes, keepdims=True)
    xh = (x - mean) / jnp.sqrt(var + 1e-5)
    shape = [1] * x.ndim
    shape[1] = -1
    return xh * gamma.reshape(shape) + beta.reshape(shape)


def _sa(p, npoint, radius, nsample, xyz, points):
    new_xyz, _ = _sample_farthest_points(xyz, npoint)
    gidx = _query_ball_point(radius, nsample, xyz, new_xyz)
    gxyz = _index_points(xyz, gidx) - new_xyz[:, :, None, :]
    if points is not None:
        gpts = _index_points(points, gidx)
        feat = jnp.concatenate([gxyz, gpts], axis=-1)
    else:
        feat = gxyz
    x = jnp.transpose(feat, (0, 3, 1, 2))
    for W, b, g, be in zip(p["W"], p["b"], p["gamma"], p["beta"]):
        x = jnp.einsum('bcsk,oc->bosk', x, W) + b[None, :, None, None]
        x = jax.nn.relu(_bn(x, g, be, (0, 2, 3)))
    x = jnp.max(x, axis=-1)
    return new_xyz, jnp.transpose(x, (0, 2, 1))


def _three_nn_interp(xyz_src, xyz_dst, feats_dst):
    def one(xs, xd, fd):
        d = jnp.sum((xs[:, None, :] - xd[None, :, :]) ** 2, axis=-1)
        idx = jnp.argsort(d, axis=-1)[:, :3]
        dk = jnp.take_along_axis(d, idx, axis=-1)
        w = 1.0 / (dk + 1e-8)
        w = w / jnp.sum(w, axis=1, keepdims=True)
        f3 = fd[:, idx]
        return jnp.sum(f3 * w[None], axis=-1)
    return jax.vmap(one)(xyz_src, xyz_dst, feats_dst)


def _fp(p, xyz1, xyz2, feat1, feat2):
    if xyz2.shape[1] == 1:
        interp = jnp.repeat(feat2, xyz1.shape[1], axis=2)
    else:
        interp = _three_nn_interp(xyz1, xyz2, feat2)
    nf = jnp.concatenate([feat1, interp], axis=1) if feat1 is not None else interp
    for W, b, g, be in zip(p["W"], p["b"], p["gamma"], p["beta"]):
        nf = jnp.einsum('bcn,oc->bon', nf, W) + b[None, :, None]
        nf = jax.nn.relu(_bn(nf, g, be, (0, 2)))
    return nf


def _identity_k(x_ref, o_ref):
    o_ref[...] = x_ref[...]


def kernel(xyz, params):
    l1_xyz, l1_pts = _sa(params["sa1"], 4096, 0.2, 32, xyz, None)
    l2_xyz, l2_pts = _sa(params["sa2"], 1024, 0.4, 64, l1_xyz, l1_pts)
    l3_xyz, l3_pts = _sa(params["sa3"], 512, 0.6, 128, l2_xyz, l2_pts)
    f1 = jnp.transpose(l1_pts, (0, 2, 1))
    f2 = jnp.transpose(l2_pts, (0, 2, 1))
    f3 = jnp.transpose(l3_pts, (0, 2, 1))
    f2u = _fp(params["fp3"], l2_xyz, l3_xyz, f2, f3)
    f1u = _fp(params["fp2"], l1_xyz, l2_xyz, f1, f2u)
    out = _fp(params["fp1"], xyz, l1_xyz, None, f1u)
    return pl.pallas_call(
        _identity_k,
        out_shape=jax.ShapeDtypeStruct(out.shape, out.dtype),
    )(out)

# --- scband reference (transcript-rebuilt; emitter-appended) ---
"""Pipeline reference for scband-point-net2-feature-extractor-with-fp-52304111730782 (READ-ONLY COPY).

The authoritative reference and input builder live on the scoring server;
editing this copy changes nothing except your own understanding.
"""

import jax, jax.numpy as jnp
import numpy as np


def _mlp_params(key, in_ch, chs):
    Ws, bs, gs, betas = [], [], [], []
    c = in_ch
    for o in chs:
        key, k = jax.random.split(key)
        Ws.append(jax.random.normal(k, (o, c), jnp.float32) / np.sqrt(c))
        bs.append(jnp.zeros((o,), jnp.float32))
        gs.append(jnp.ones((o,), jnp.float32))
        betas.append(jnp.zeros((o,), jnp.float32))
        c = o
    return {"W": Ws, "b": bs, "gamma": gs, "beta": betas}


def setup_inputs(seed: int = 0):
    key = jax.random.key(seed)
    k_x, k1, k2, k3, k4, k5, k6 = jax.random.split(key, 7)
    B, N = 2, 8192
    xyz = jax.random.normal(k_x, (B, N, 3), jnp.float32)
    params = {
        "sa1": _mlp_params(k1, 3, [64, 64, 128]),
        "sa2": _mlp_params(k2, 131, [128, 128, 256]),
        "sa3": _mlp_params(k3, 259, [256, 256, 512]),
        "fp3": _mlp_params(k4, 768, [512, 256]),
        "fp2": _mlp_params(k5, 384, [256, 128]),
        "fp1": _mlp_params(k6, 128, [128, 64]),
    }
    return {"xyz": xyz, "params": params}


def _fps_single(xyz, K):
    N = xyz.shape[0]
    def body(i, state):
        idxs, dists = state
        last = xyz[idxs[i - 1]]
        d = jnp.sum((xyz - last) ** 2, axis=-1)
        dists = jnp.minimum(dists, d)
        idxs = idxs.at[i].set(jnp.argmax(dists).astype(jnp.int32))
        return (idxs, dists)
    idxs0 = jnp.zeros((K,), jnp.int32)
    dists0 = jnp.full((N,), jnp.inf, dtype=jnp.float32)
    idxs, _ = jax.lax.fori_loop(1, K, body, (idxs0, dists0))
    return idxs


def _sample_farthest_points(xyz, K):
    idx = jax.vmap(lambda p: _fps_single(p, K))(jax.lax.stop_gradient(xyz))
    new_xyz = jax.vmap(lambda p, i: p[i])(xyz, idx)
    return new_xyz, idx


def _query_ball_point(radius, nsample, xyz, new_xyz):
    d2 = jnp.sum((new_xyz[:, :, None, :] - xyz[:, None, :, :]) ** 2, axis=-1)
    dist = jnp.sqrt(jnp.maximum(d2, 0.0))
    group_idx = jnp.argsort(dist, axis=-1)[:, :, :nsample]
    gd = jnp.take_along_axis(dist, group_idx, axis=-1)
    mask = gd > radius
    group_first = jnp.broadcast_to(group_idx[:, :, :1], group_idx.shape)
    return jnp.where(mask, group_first, group_idx)


def _index_points(points, idx):
    return jax.vmap(lambda p, i: p[i])(points, idx)


def _bn(x, gamma, beta, axes):
    mean = jnp.mean(x, axis=axes, keepdims=True)
    var = jnp.mean((x - mean) ** 2, axis=axes, keepdims=True)
    xh = (x - mean) / jnp.sqrt(var + 1e-5)
    shape = [1] * x.ndim
    shape[1] = -1
    return xh * gamma.reshape(shape) + beta.reshape(shape)


def _sa(p, npoint, radius, nsample, xyz, points):
    new_xyz, _ = _sample_farthest_points(xyz, npoint)
    gidx = _query_ball_point(radius, nsample, xyz, new_xyz)
    gxyz = _index_points(xyz, gidx) - new_xyz[:, :, None, :]
    if points is not None:
        gpts = _index_points(points, gidx)
        feat = jnp.concatenate([gxyz, gpts], axis=-1)
    else:
        feat = gxyz
    x = jnp.transpose(feat, (0, 3, 1, 2))
    for W, b, g, be in zip(p["W"], p["b"], p["gamma"], p["beta"]):
        x = jnp.einsum('bcsk,oc->bosk', x, W) + b[None, :, None, None]
        x = jax.nn.relu(_bn(x, g, be, (0, 2, 3)))
    x = jnp.max(x, axis=-1)
    return new_xyz, jnp.transpose(x, (0, 2, 1))


def _three_nn_interp(xyz_src, xyz_dst, feats_dst):
    def one(xs, xd, fd):
        d = jnp.sum((xs[:, None, :] - xd[None, :, :]) ** 2, axis=-1)
        idx = jnp.argsort(d, axis=-1)[:, :3]
        dk = jnp.take_along_axis(d, idx, axis=-1)
        w = 1.0 / (dk + 1e-8)
        w = w / jnp.sum(w, axis=1, keepdims=True)
        f3 = fd[:, idx]
        return jnp.sum(f3 * w[None], axis=-1)
    return jax.vmap(one)(xyz_src, xyz_dst, feats_dst)


def _fp(p, xyz1, xyz2, feat1, feat2):
    if xyz2.shape[1] == 1:
        interp = jnp.repeat(feat2, xyz1.shape[1], axis=2)
    else:
        interp = _three_nn_interp(xyz1, xyz2, feat2)
    nf = jnp.concatenate([feat1, interp], axis=1) if feat1 is not None else interp
    for W, b, g, be in zip(p["W"], p["b"], p["gamma"], p["beta"]):
        nf = jnp.einsum('bcn,oc->bon', nf, W) + b[None, :, None]
        nf = jax.nn.relu(_bn(nf, g, be, (0, 2)))
    return nf


def _forward(xyz, params):
    l1_xyz, l1_pts = _sa(params["sa1"], 4096, 0.2, 32, xyz, None)
    l2_xyz, l2_pts = _sa(params["sa2"], 1024, 0.4, 64, l1_xyz, l1_pts)
    l3_xyz, l3_pts = _sa(params["sa3"], 512, 0.6, 128, l2_xyz, l2_pts)
    f1 = jnp.transpose(l1_pts, (0, 2, 1))
    f2 = jnp.transpose(l2_pts, (0, 2, 1))
    f3 = jnp.transpose(l3_pts, (0, 2, 1))
    f2u = _fp(params["fp3"], l2_xyz, l3_xyz, f2, f3)
    f1u = _fp(params["fp2"], l1_xyz, l2_xyz, f1, f2u)
    return _fp(params["fp1"], xyz, l1_xyz, None, f1u)


def reference(xyz, params):
    return _forward(xyz, params)

if __name__ == "__main__":
    import jax
    _d = setup_inputs()
    print(jax.jit(kernel)(*tuple(_d.values())))

</pallas_src>

<mosaic_0001>
module attributes {stable_mosaic.version = 14 : i64} {
  func.func @_identity_k(%arg0: memref<2x64x8192xf32, #tpu.memory_space<vmem>>, %arg1: memref<2x64x8192xf32, #tpu.memory_space<vmem>>) attributes {dimension_semantics = [], scalar_prefetch = 0 : i64, scratch_operands = 0 : i64, tpu.core_type = #tpu.core_type<tc>} {
    %get3A = arith.constant 0 : index
    %get3A_0 = arith.constant 0 : index
    %get3A_1 = arith.constant 0 : index
    %get3A_2 = vector.load %arg0[%get3A, %get3A_0, %get3A_1] : memref<2x64x8192xf32, #tpu.memory_space<vmem>>, vector<2x64x8192xf32>
    %swap3A = arith.constant 0 : index
    %swap3A_3 = arith.constant 0 : index
    %swap3A_4 = arith.constant 0 : index
    %swap3A_5 = vector.load %arg1[%swap3A, %swap3A_3, %swap3A_4] : memref<2x64x8192xf32, #tpu.memory_space<vmem>>, vector<2x64x8192xf32>
    tpu.vector_store %arg1[%swap3A, %swap3A_3, %swap3A_4], %get3A_2 {strides = array<i32>} : memref<2x64x8192xf32, #tpu.memory_space<vmem>>, vector<2x64x8192xf32>,
    return
  }
}

</mosaic_0001>

<sc_bundles>
// kernel: gather_offload_async_start.1
scs
__scs_entry_jumppad:
0x0: {  	(pc) =	sbr.rel $0x88, $3  }
0x1: {  	(tag) =	ssettag $0x0;
	lr =	simm.s32 $0x1  }
0x2: {  	[smem:$0x3F64] =	sst lr;
	_ =	strace $0xD0000000  }
0x3: {  	_ = 	snop  }
0x4: {  	_ = 	snop  }
0x5: {  	_ = 	snop  }
0x6: {  	_ = 	snop  }
0x7: {  	_ = 	snop  }
__scs_overlays_trampoline_lowered:
0x8: {  	[smem:$0x3F73] =	sst s0  }
0x9: {  	[smem:$0x3F74] =	sst s1  }
0xa: {  	[smem:$0x3F75] =	sst s2  }
0xb: {  	[smem:$0x3F76] =	sst s3  }
0xc: {  	[smem:$0x3F77] =	sst s4  }
0xd: {  	[smem:$0x3F78] =	sst s5  }
0xe: {  	[smem:$0x3F79] =	sst s6  }
0xf: {  	[smem:$0x3F7A] =	sst s7  }
0x10: {  	[smem:$0x3F7B] =	sst s8  }
0x11: {  	[smem:$0x3F7C] =	sst s9;
	s0 =	simm.s32 @!p0 $0x0  }
0x12: {  	s1 =	sld [smem:$0x3F62];
	s0 =	simm.s32 @p0 $0x1  }
0x13: {  	[smem:$0x3F7D] =	sst s0;
	s0 =	simm.s32 @!p1 $0x0  }
0x14: {  	s2 =	sld [smem:$0x3F61];
	s0 =	simm.s32 @p1 $0x1  }
0x15: {  	[smem:$0x3F7E] =	sst s0;
	s0 =	simm.s32 @!p2 $0x0  }
0x16: {  	s3 =	sld [smem:$0x3FDB];
	s0 =	simm.s32 @p2 $0x1  }
0x17: {  	s4 =	simm.s32 $0x1BF5;
	[smem:$0x3F80] =	sst s0  }
0x18: {  	s0 =	sld [smem:$0x3F63];
	_ =	swait.ge [sflag:s4], $0x0  }
0x19: {  	s7 =	sld [smem:$0x3F64]  }
0x1a: {  	s8 =	sadd.s32 $0xFFFFE003, lr  }
0x1b: {  	s9 =	sadd.s32 $0xFFFFFEF7, lr;
	s5 =	simm.s32 $0xFFFFFFFF;
	p2 =	slt.u32 s8, $0xFFFFF086  }
0x1c: {  	p1 =	slt.u32 s9, $0xF7A;
	s5 =	simm.s32 @!p2 $0x0  }
0x1d: {  	s5 =	simm.s32 @p1 $0x1;
	p0 =	seq.s32 s7, s2  }
0x1e: {  	s7 =	smul.u32 @!p0 $0xF7A, s2;
	p2 =	seq.s32 @!p0 s5, $0x0  }
0x1f: {  	s9 =	smul.u32 $0xF7A, s1;
	s8 =	simm.s32 @!p0 $0x1BF5;
	p2 =	por !p2, p0  }
0x20: {  	[sflag:s8] =	ssyncset.s32 @!p0 $0xFFFFF086;
	s6 =	sadd.s32 @!p0 s3, s7;
	s7 =	simm.s32 @!p0 $0x108  }
0x21: {  	s3 =	sadd.s32 s3, s9;
	s6 =	sadd.s32 @!p0 $0x88, s6;
	s7 =	simm.s32 @p2 $0x1082  }
0x22: {  	[simem:s7], [sflag:s8] =	dma.local @!p0 [hbm:s6], $0xF7A  }
0x23: {  	s9 =	sor.u32 $0xD0000000, s2;
	s6 =	simm.s32 $0x108;
	_ =	swait.ge @!p0 [sflag:s8], $0x0  }
0x24: {  	s3 =	sadd.s32 $0x88, s3;
	s6 =	simm.s32 @!p1 $0x1082;
	[sflag:s4] =	ssyncset.s32 $0xFFFFF086  }
0x25: {  	[simem:s6], [sflag:s4] =	dma.local [hbm:s3], $0xF7A  }
0x26: {  	[smem:$0x3F64] =	sst s1;
	(tag) =	ssettag s2;
	_ =	strace s9  }
0x27: {  	s1 =	sld [smem:$0x3F74]  }
0x28: {  	s2 =	sld [smem:$0x3F75]  }
0x29: {  	s4 =	sld [smem:$0x3F77]  }
0x2a: {  	p0 =	seq.s32 s5, $0x0;
	s5 =	sld [smem:$0x3F78]  }
0x2b: {  	s6 =	sld [smem:$0x3F79]  }
0x2c: {  	s7 =	sld [smem:$0x3F7A]  }
0x2d: {  	s3 =	simm.s32 $0x108;
	s8 =	sld [smem:$0x3F7B]  }
0x2e: {  	s3 =	simm.s32 @!p0 $0x1082;
	s9 =	sld [smem:$0x3F7C]  }
0x2f: {  	lr =	sadd.s32 s0, s3;
	s0 =	sld [smem:$0x3F73]  }
0x30: {  	s3 =	sld [smem:$0x3F76]  }
0x31: {  	[smem:$0x3F7F] =	sst s10  }
0x32: {  	s10 =	sld [smem:$0x3F7D];
	_ =	sdelay $0x3  }
0x33: {  	p0 =	seq.s32 s10, $0x1;
	s10 =	sld [smem:$0x3F7F];
	_ =	sdelay $0x3  }
0x34: {  	[smem:$0x3F7F] =	sst s10  }
0x35: {  	s10 =	sld [smem:$0x3F7E];
	_ =	sdelay $0x3  }
0x36: {  	p1 =	seq.s32 s10, $0x1;
	s10 =	sld [smem:$0x3F7F];
	_ =	sdelay $0x3  }
0x37: {  	[smem:$0x3F7F] =	sst s10  }
0x38: {  	s10 =	sld [smem:$0x3F80]  }
0x39: {  	_ = 	snop;
	(pc) =	sbr.ind lr, $3  }
0x3a: {  	_ = 	snop  }
0x3b: {  	_ = 	snop  }
0x3c: {  	p2 =	seq.s32 s10, $0x1;
	s10 =	sld [smem:$0x3F7F]  }
0x3d: {  	_ =	shalt  }
0x3e: {  	_ =	shalt  }
0x3f: {  	_ =	shalt  }
0x40: {  	_ =	shalt  }
0x41: {  	_ =	shalt  }
0x42: {  	_ =	shalt  }
0x43: {  	_ =	shalt  }
0x44: {  	_ =	shalt  }
0x45: {  	_ =	shalt  }
0x46: {  	_ =	shalt  }
0x47: {  	_ =	shalt  }
0x48: {  	_ =	shalt  }
0x49: {  	_ =	shalt  }
0x4a: {  	_ =	shalt  }
0x4b: {  	_ =	shalt  }
0x4c: {  	_ =	shalt  }
0x4d: {  	_ =	shalt  }
0x4e: {  	_ =	shalt  }
0x4f: {  	_ =	shalt  }
0x50: {  	_ =	shalt  }
0x51: {  	_ =	shalt  }
0x52: {  	_ =	shalt  }
0x53: {  	_ =	shalt  }
0x54: {  	_ =	shalt  }
0x55: {  	_ =	shalt  }
0x56: {  	_ =	shalt  }
0x57: {  	_ =	shalt  }
0x58: {  	_ =	shalt  }
0x59: {  	_ =	shalt  }
0x5a: {  	_ =	shalt  }
0x5b: {  	_ =	shalt  }
0x5c: {  	_ =	shalt  }
0x5d: {  	_ =	shalt  }
0x5e: {  	_ =	shalt  }
0x5f: {  	_ =	shalt  }
0x60: {  	_ =	shalt  }
0x61: {  	_ =	shalt  }
0x62: {  	_ =	shalt  }
0x63: {  	_ =	shalt  }
0x64: {  	_ =	shalt  }
0x65: {  	_ =	shalt  }
0x66: {  	_ =	shalt  }
0x67: {  	_ =	shalt  }
0x68: {  	_ =	shalt  }
0x69: {  	_ =	shalt  }
0x6a: {  	_ =	shalt  }
0x6b: {  	_ =	shalt  }
0x6c: {  	_ =	shalt  }
0x6d: {  	_ =	shalt  }
0x6e: {  	_ =	shalt  }
0x6f: {  	_ =	shalt  }
0x70: {  	_ =	shalt  }
0x71: {  	_ =	shalt  }
0x72: {  	_ =	shalt  }
0x73: {  	_ =	shalt  }
0x74: {  	_ =	shalt  }
0x75: {  	_ =	shalt  }
0x76: {  	_ =	shalt  }
0x77: {  	_ =	shalt  }
0x78: {  	_ =	shalt  }
0x79: {  	_ =	shalt  }
0x7a: {  	_ =	shalt  }
0x7b: {  	_ =	shalt  }
0x7c: {  	_ =	shalt  }
0x7d: {  	_ =	shalt  }
0x7e: {  	_ =	shalt  }
0x7f: {  	_ =	shalt  }
0x80: {  	_ =	shalt  }
0x81: {  	_ =	shalt  }
0x82: {  	_ =	shalt  }
0x83: {  	_ =	shalt  }
0x84: {  	_ =	shalt  }
0x85: {  	_ =	shalt  }
0x86: {  	_ =	shalt  }
0x87: {  	_ =	shalt  }
.Lfunc_end0:
.L_simem_size_0:
called_computation.7_lowered:
.L_overlay_start_0:
0x88: {  	s2 =	sld [smem:$0x3FD9]  }
0x89: {  	s3 =	sld [smem:$0x3FFE];
	_ =	sdelay $0x1  }
0x8a: {  	s1 =	srdreg.scid  }
0x8b: {  	s0 =	sand.u32 $0x1, s1  }
0x8c: {  	s16 =	sshll.u32 s0, $0xA;
	s2 =	sadd.s32 s3, s2  }
0x8d: {  	s2 =	sadd.s32 s2, s16  }
0x8e: {  	[smem:$0x3F8B] =	sst s2  }
0x8f: {  	_ = 	snop  }
0x90: {  	(tm) =	ssettm $0x1  }
0x91: {  	s17 =	sld [smem:$0x3FFB];
	_ =	sdelay $0x3  }
0x92: {  	_ =	strace s17  }
0x93: {  	s2 =	sld [smem:$0x3FFC];
	_ =	sdelay $0x3  }
0x94: {  	_ =	strace s2  }
0x95: {  	s2 =	sld [smem:$0x3FFD];
	_ =	sdelay $0x3  }
0x96: {  	_ =	strace s2  }
0x97: {  	_ =	strace $0x8FFFFFFF  }
0x98: {  	s18 =	sld [smem:$0x3FDB];
	_ =	sdelay $0x1  }
0x99: {  	s19 =	simm.s32 $_scs_section_size  }
0x9a: {  	s4 =	simm.s32 $_size__tile_overlayer_lowered;
	s5 =	simm.s32 $_tile_overlayer_lowered  }
0x9b: {  	s22 =	simm.s32 $0x1BFF;
	s21 =	sshll.u32 s5, $0x1;
	s2 =	sadd.s32 s19, s18  }
0x9c: {  	s6 =	simm.s32 $0x0;
	s20 =	sshll.u32 s4, $0x1;
	s4 =	sadd.s32 s21, s2  }
0x9d: {  	[timem:s6], [sflag:s22] =	dma.local [hbm:s4], s20  }
0x9e: {  	_ =	swait.ge [sflag:s22], s20  }
0x9f: {  	s3 =	ssub.s32 $0x0, s20;
	[sflag:s22] =	ssyncset.done $0x0  }
0xa0: {  	[sflag:s22] =	ssyncadd.s32 s3;
	_ =	sdelay $0x1  }
0xa1: {  	s23 =	simm.s32 $0x1B8B  }
0xa2: {  	_ =	swait.ge [sflag:s23], $0x1  }
0xa3: {  	[sflag:s23] =	ssyncset.done $0x0  }
0xa4: {  	s25 =	simm.s32 $0x1B8E;
	s24 =	sld [smem:$0x3FFE];
	[sflag:s23] =	ssyncadd.s32 $0xFFFFFFFF  }
0xa5: {  	s26 =	simm.s32 $execute0_lowered;
	[smem:$0x3FD2] =	sst s25  }
0xa6: {  	s4 =	sshll.u32 s26, $0x1;
	_ =	strace $0x80000064;
	[dreg:$0x1] =	wrdreg $0xFFFFFFFF  }
0xa7: {  	s28 =	simm.s32 $_size_execute0_lowered;
	s2 =	sadd.s32 s2, s4;
	[dreg:$0x0] =	wrdreg $0x0  }
0xa8: {  	s4 =	sshll.u32 s28, $0x1;
	[dreg:$0x2] =	wrdreg s2  }
0xa9: {  	[dreg:$0x3] =	wrdreg s4  }
0xaa: {  	[dreg:$0x4] =	wrdreg $0xC0  }
0xab: {  	_ =	task [dreg:s6], $0x5FFFF  }
0xac: {  	[dreg:$0x1] =	wrdreg $0xFFFFFFFF  }
0xad: {  	[dreg:$0x0] =	wrdreg $0x60  }
0xae: {  	[dreg:$0x2] =	wrdreg s24  }
0xaf: {  	[dreg:$0x3] =	wrdreg $0x9  }
0xb0: {  	_ =	task.clear_ibuf [dreg:s6], $0x4FFFF;
	_ =	strace $0x90000064  }
0xb1: {  	s29 =	simm.s32 $0x9;
	_ =	strace $0x80000066  }
0xb2: {  	_ =	swait.ge [sflag:s29], $0x1  }
0xb3: {  	[sflag:s29] =	ssyncadd.s32 $0xFFFFFFFF  }
0xb4: {  	_ =	strace $0x90000066  }
0xb5: {  	_ =	sfence  }
0xb6: {  	s30 =	sld [smem:$0x0];
	_ =	sdelay $0x2  }
0xb7: {  	s31 =	sshll.u32 s1, $0xD;
	s1 =	sshrl.u32 s1, $0x2  }
0xb8: {  	s3 =	sand.u32 $0x4000, s31;
	s1 =	sadd.s32 s1, s30  }
0xb9: {  	s0 =	sor.u32 s3, s0;
	s1 =	sshll.u32 s1, $0x11  }
0xba: {  	s0 =	sor.u32 s1, s0  }
0xbb: {  	s0 =	sadd.s32 $0x8F2B, s0  }
0xbc: {  	[sflag:s0] =	ssyncadd.remote.s32 $0x1  }
0xbd: {  	_ =	sfence.sel $0xFFFF  }
0xbe: {  	[dreg:$0x0] =	wrdreg $0xFFFFFFFF;
	(pc) =	sbr.abs _section_cstart, $3  }
0xbf: {  	[dreg:$0x1] =	wrdreg $0xFFFFFFFF  }
0xc0: {  	_ =	task.clear_ibuf [dreg:s6], $0x2FFFF;
	_ =	strace $0x9FFFFFFF  }
0xc1: {  	(tm) =	ssettm $0x7FFFFFFF  }
tec
execute0_lowered:
.L_overlay_start_1:
0x0: {  	(tag) =	ssettag $0x1  }
0x1: {  	s0 =	srdreg.scid;
	s5 =	rddreg [dreg:$0x0]  }
0x2: {  	s1 =	stileid.u32;
	s6 =	simm.s32 $0x1;
	s9 =	simm.s32 $0x1  }
0x3: {  	s10 =	simm.s32 $0x3;
	s13 =	simm.s32 $0x0;
	s2 =	sshll.u32 s0, $0xC  }
0x4: {  	s12 =	simm.s32 $0x0;
	s3 =	sshll.u32 s1, $0xD;
	s2 =	sand.u32 $0x1000, s2  }
0x5: {  	s0 =	rddreg [dreg:$0x1];
	_ =	strace $0x80000065;
	s2 =	sor.u32 s3, s2  }
0x6: {  	s4 =	sadd.s32 $0x14F1200, s5;
	[sflag:s6] =	ssyncpa.u1 $0x0;
	s8 =	ssub.s32 $0x40000, s2  }
.Ltmp0:
0x7: {  	s3 =	sadd.s32 $0x63600, s5;
	s7 =	sand.u32 $0x1F000, s8;
	(pc) =	sbr.rel .LBB2_1-.Ltmp0, $4  }
0x8: {  	s5 =	sadd.s32 $0x14F9200, s5;
	s11 =	smov.u32 s2;
	p0 =	sne.s32 s7, $0x0  }
0x9: {  	s8 =	sshrl.u32 s8, $0x11;
	s7 =	simm.s32 $0x2;
	s9 =	simm.s32 @!p0 $0x0  }
0xa: {  	[sflag:s7] =	ssyncpa.u1 $0x0;
	p0 =	por $0x0, $0x0;
	s8 =	sadd.s32 s9, s8  }
0xb: {  	vm0 =	vmmov $0xffff;
	[sflag:s10] =	ssyncpa.u1 $0x0;
	s10 =	simm.s32 $0x0;
	s9 =	sadd.s32 $0x1, s8  }
.LBB2_4:
0xc: {  	v3 =	vshrl.u32 v0, $0x1;
	v4 =	vshrl.u32 v0, $0xD;
	v1 =	vor.u32 v1, v2  }
0xd: {  	v62 =	vshll.u32 v0, $0x19;
	v60 =	vand.u32 $0xFFF, v3;
	v61 =	vand.u32 $0x1FFF, v4  }
0xe: {  	v0 =	vand.u32 $0x2000000, v62;
	v2 =	vsel vm1, $0xFFFFFFFF, v60;
	v3 =	vsel vm1, $0xFFFFFFFF, v61  }
0xf: {  	v0 =	vsel vm1, $0xFE000000, v0;
	v63 =	vand.u32 $0x7F, v3;
	v5 =	vshll.u32 v2, $0xD  }
0x10: {  	v3 =	vshll.u32 v3, $0x3;
	v5 =	vand.u32 $0xFFFF0000, v5;
	v0 =	vor.u32 v0, v63  }
0x11: {  	v2 =	vshll.u32 v2, $0x7;
	v3 =	vand.u32 $0xFFFFFC00, v3;
	v0 =	vadd.s32 v5, v0  }
0x12: {  	v2 =	vand.u32 $0x380, v2;
	v0 =	vadd.s32 v3, v0  }
0x13: {  	v0 =	vor.u32 v2, v0;
	_ =	sdelay $0x1  }
0x14: {  	(ifvalue) =	ssetifvalue $0x7FFFFFFF;
	s14 =	sadd.s32 $0x10, s14  }
0x15: {  	[tilespmem:s14], [sflag:$0x1] =	stream.indirect_vreg.gather [hbm4b:s3+s10], $0x1, v1, vm0, $0x4038;
	[tilespmem:$0x4000] =	vst v63  }
0x16: {  	(ifvalue) =	ssetifvalue $0x7FFFFFFF;
	s14 =	sadd.s32 $0x10, s14  }
0x17: {  	[tilespmem:s14], [sflag:$0x1] =	stream.indirect_vreg.gather [hbm4b:s3+s10], $0x1, v0, vm0, $0x4038;
	[tilespmem:$0x4000] =	vst v63  }
0x18: {  	_ =	swait.ge [sflag:s6], $0x1000  }
0x19: {  	s30 =	sshrl.u32 s13, $0x3;
	[sflag:s6] =	ssyncset.done $0x0  }
0x1a: {  	s31 =	sand.u32 $0x7, s13;
	s14 =	sadd.s32 s5, s30;
	[sflag:s6] =	ssyncadd.s32 $0xFFFFF000  }
0x1b: {  	[hbm4b:s14+s31] =	stream.linear.scatter [tilespmem:s15], [sflag:$0x3], $0x1000, $0x38;
	[tilespmem:$0x4000] =	vst v63  }
.LBB2_5:
0x1c: {  	s15 =	sadd.s32 $0x20000, s11  }
0x1d: {  	p2 =	sgt.s32 s15, $0x3FFFF  }
0x1e: {  	s15 =	smov.u32 @p2 s2;
	p2 =	sne.s32 s12, s9  }
.Ltmp1:
0x1f: {  	p1 =	slt.u32 s12, $0x2;
	(pc) =	sbr.rel @!p2 .LBB2_6-.Ltmp1, $4  }
0x20: {  	s14 =	simm.s32 @!p1 $0x3  }
0x21: {  	s16 =	sadd.s32 $0x1, s12;
	_ =	swait.ge @!p1 [sflag:s14], $0x1000  }
0x22: {  	s13 =	smov.u32 s11;
	p0 =	por !p0, !p0;
	[sflag:s14] =	ssyncset.done @!p1 $0x0  }
0x23: {  	s12 =	smov.u32 s16;
	s11 =	smov.u32 s15;
	[sflag:s14] =	ssyncadd.s32 @!p1 $0xFFFFF000  }
.LBB2_1:
0x24: {  	p1 =	sge.u32 s12, s8  }
0x25: {  	s14 =	sxor.u32 @!p1 $0xFFFFFFFF, s12  }
0x26: {  	s31 =	sadd.s32 $0xFFFFFFFF, s12;
	s15 =	sshrl.u32 @!p1 s11, $0x3;
	s14 =	sshll.u32 @!p1 s14, $0xC  }
0x27: {  	s16 =	sand.u32 @!p1 $0x7, s11;
	s15 =	sadd.s32 @!p1 s4, s15;
	s14 =	sand.u32 @!p1 $0x1000, s14  }
0x28: {  	[tilespmem:s14], [sflag:$0x2] =	stream.linear.gather @!p1 [hbm4b:s15+s16], $0x1000, $0x38;
	[tilespmem:$0x4000] =	vst v63  }
0x29: {  	p1 =	sge.u32 s31, s8  }
.Ltmp2:
0x2a: {  	_ = 	snop;
	(pc) =	sbr.rel @p1 .LBB2_5-.Ltmp2, $1  }
0x2b: {  	_ =	sdelay $0x3  }
0x2c: {  	s14 =	simm.s32 $0x1  }
0x2d: {  	_ =	swait.ge [sflag:s7], $0x1000;
	s14 =	simm.s32 @!p0 $0x0  }
0x2e: {  	[sflag:s7] =	ssyncset.done $0x0;
	s14 =	sshll.u32 s14, $0xC  }
0x2f: {  	[sflag:s7] =	ssyncadd.s32 $0xFFFFF000;
	(ifvalue) =	ssetifvalue $0x7FFFFFFF;
	v0 =	vld.msk [tilespmem:s14+$0x0 ss:$0x1], $0xffff;
	_ =	sdelay $0x4  }
0x30: {  	s15 =	sadd.s32 $0x10, s14;
	vm1 =	veq.s32 v0, $0x80000000;
	v1 =	vshrl.u32 v0, $0x1;
	v2 =	vshrl.u32 v0, $0xD  }
0x31: {  	v3 =	vld.msk [tilespmem:s15+$0x0 ss:$0x1], $0xffff;
	v0 =	vshll.u32 v0, $0x19;
	v1 =	vand.u32 $0xFFF, v1;
	v2 =	vand.u32 $0x1FFF, v2  }
0x32: {  	v0 =	vand.u32 $0x2000000, v0;
	v1 =	vsel vm1, $0xFFFFFFFF, v1;
	v2 =	vsel vm1, $0xFFFFFFFF, v2  }
0x33: {  	v0 =	vsel vm1, $0xFE000000, v0;
	v4 =	vand.u32 $0x7F, v2;
	v5 =	vshll.u32 v1, $0xD  }
0x34: {  	v2 =	vshll.u32 v2, $0x3;
	v5 =	vand.u32 $0xFFFF0000, v5;
	v0 =	vor.u32 v0, v4  }
0x35: {  	v1 =	vshll.u32 v1, $0x7;
	v2 =	vand.u32 $0xFFFFFC00, v2;
	v0 =	vadd.s32 v5, v0  }
0x36: {  	v62 =	vshrl.u32 v3, $0xD;
	v1 =	vand.u32 $0x380, v1;
	v0 =	vadd.s32 v2, v0  }
0x37: {  	s17 =	sadd.s32 $0x10, s15;
	vm1 =	veq.s32 v3, $0x80000000;
	v2 =	vshrl.u32 v3, $0x1;
	v1 =	vor.u32 v1, v0  }
0x38: {  	v4 =	vand.u32 $0x1FFF, v62;
	v3 =	vshll.u32 v3, $0x19;
	v0 =	vld.msk [tilespmem:s17+$0x0 ss:$0x1], $0xffff;
	v2 =	vand.u32 $0xFFF, v2  }
0x39: {  	v4 =	vsel vm1, $0xFFFFFFFF, v4;
	v3 =	vand.u32 $0x2000000, v3;
	v2 =	vsel vm1, $0xFFFFFFFF, v2  }
0x3a: {  	s31 =	sshll.u32 s12, $0xC;
	v63 =	vand.u32 $0x7F, v4;
	v3 =	vsel vm1, $0xFE000000, v3;
	v6 =	vshll.u32 v2, $0xD  }
0x3b: {  	s14 =	sor.u32 $0x2000, s14;
	s15 =	sand.u32 $0x1000, s31;
	v4 =	vshll.u32 v4, $0x3;
	(ifvalue) =	ssetifvalue $0x7FFFFFFF;
	v3 =	vor.u32 v3, v63;
	v6 =	vand.u32 $0xFFFF0000, v6  }
0x3c: {  	v4 =	vand.u32 $0xFFFFFC00, v4;
	[tilespmem:s14], [sflag:$0x1] =	stream.indirect_vreg.gather [hbm4b:s3+s10], $0x1, v1, vm0, $0x4038;
	v1 =	vshll.u32 v2, $0x7;
	v2 =	vadd.s32 v6, v3;
	[tilespmem:$0x4000] =	vst v63  }
0x3d: {  	s16 =	simm.s32 $0x20;
	s15 =	sor.u32 $0x2000, s15;
	s17 =	sadd.s32 $0x10, s17;
	vm1 =	veq.s32 v0, $0x80000000;
	v1 =	vand.u32 $0x380, v1;
	v2 =	vadd.s32 v4, v2  }
.LBB2_3:
0x3e: {  	v3 =	vld.msk [tilespmem:s17+$0x0 ss:$0x1], $0xffff;
	v4 =	vshrl.u32 v0, $0x1;
	v5 =	vshrl.u32 v0, $0xD;
	v1 =	vor.u32 v1, v2;
	s16 =	sadd.s32 $0x10, s16  }
0x3f: {  	v0 =	vshll.u32 v0, $0x19;
	v2 =	vand.u32 $0xFFF, v4;
	v4 =	vand.u32 $0x1FFF, v5;
	p1 =	slt.u32 s16, $0xFF0  }
.Ltmp3:
0x40: {  	v0 =	vand.u32 $0x2000000, v0;
	v2 =	vsel vm1, $0xFFFFFFFF, v2;
	v4 =	vsel vm1, $0xFFFFFFFF, v4;
	(pc) =	sbr.rel @p1 .LBB2_3-.Ltmp3, $4  }
0x41: {  	v0 =	vsel vm1, $0xFE000000, v0;
	v5 =	vand.u32 $0x7F, v4;
	v6 =	vshll.u32 v2, $0xD  }
0x42: {  	s14 =	sadd.s32 $0x10, s14;
	v4 =	vshll.u32 v4, $0x3;
	v6 =	vand.u32 $0xFFFF0000, v6;
	v7 =	vor.u32 v0, v5;
	(ifvalue) =	ssetifvalue $0x7FFFFFFF  }
0x43: {  	v2 =	vshll.u32 v2, $0x7;
	v4 =	vand.u32 $0xFFFFFC00, v4;
	v5 =	vadd.s32 v6, v7;
	[tilespmem:s14], [sflag:$0x1] =	stream.indirect_vreg.gather [hbm4b:s3+s10], $0x1, v1, vm0, $0x4038;
	[tilespmem:$0x4000] =	vst v63  }
0x44: {  	s17 =	sadd.s32 $0x10, s17;
	vm1 =	veq.s32 v3, $0x80000000;
	v1 =	vand.u32 $0x380, v2;
	v0 =	vmovc v3;
	v2 =	vadd.s32 v4, v5  }
.Ltmp4:
0x45: {  	_ = 	snop;
	(pc) =	sbr.rel .LBB2_4-.Ltmp4, $1  }
0x46: {  	_ =	sdelay $0x3  }
.LBB2_6:
0x47: {  	_ =	sfence.sel $0x180000  }
0x48: {  	s2 =	simm.s32 $0x2;
	[bflag:$0x0] =	sbarrier.arrive $0xFFFF  }
0x49: {  	s30 =	simm.s32 $0x3;
	[sflag:s2] =	ssyncpa.u1 $0x1  }
0x4a: {  	s31 =	simm.s32 $0x1;
	[sflag:s30] =	ssyncpa.u1 $0x1  }
0x4b: {  	[sflag:s31] =	ssyncpa.u1 $0x1  }
0x4c: {  	p0 =	sne.s32 s1, $0x0;
	_ =	strace $0x90000065  }
0x4d: {  	s0 =	sadd.s32 @!p0 $0x100000, s0;
	[bflag:$0x2] =	sbarrier.arrive $0xFFFF  }
0x4e: {  	[sflag:s0] =	ssyncadd.tile.s32 @!p0 $0x1;
	_ =	shalt  }
.Lfunc_end2:
_tile_overlayer_lowered:
.L_overlay_start_2:
0x4f: {  	(tag) =	ssettag $0x2  }
0x50: {  	s0 =	rddreg [dreg:$0x0];
	s2 =	stileid.u32  }
0x51: {  	s1 =	rddreg [dreg:$0x1];
	p0 =	sne.s32 s2, $0x0  }
0x52: {  	s3 =	rddreg [dreg:$0x2];
	[bflag:$0x3] =	sbarrier.arrive $0xFFFF;
	s2 =	simm.s32 @!p0 $0x1C01  }
0x53: {  	[timem:s3], [sflag:s2] =	dma.local @!p0 [hbm:s0], s1  }
0x54: {  	s0 =	simm.s32 @!p0 $0x1  }
0x55: {  	_ =	swait.ge @!p0 [sflag:s0], s1  }
0x56: {  	s1 =	ssub.s32 @!p0 $0x0, s1;
	[sflag:s0] =	ssyncset.done @!p0 $0x0  }
0x57: {  	[sflag:s0] =	ssyncadd.s32 @!p0 s1  }
0x58: {  	[bflag:$0x3] =	sbarrier.arrive $0xFFFF  }
0x59: {  	_ =	shalt  }

// kernel: gather_offload_async_start.2
scs
__scs_entry_jumppad:
0x0: {  	(pc) =	sbr.rel $0x88, $3  }
0x1: {  	(tag) =	ssettag $0x0;
	lr =	simm.s32 $0x1  }
0x2: {  	[smem:$0x3F64] =	sst lr;
	_ =	strace $0xD0000000  }
0x3: {  	_ = 	snop  }
0x4: {  	_ = 	snop  }
0x5: {  	_ = 	snop  }
0x6: {  	_ = 	snop  }
0x7: {  	_ = 	snop  }
__scs_overlays_trampoline_lowered:
0x8: {  	[smem:$0x3F73] =	sst s0  }
0x9: {  	[smem:$0x3F74] =	sst s1  }
0xa: {  	[smem:$0x3F75] =	sst s2  }
0xb: {  	[smem:$0x3F76] =	sst s3  }
0xc: {  	[smem:$0x3F77] =	sst s4  }
0xd: {  	[smem:$0x3F78] =	sst s5  }
0xe: {  	[smem:$0x3F79] =	sst s6  }
0xf: {  	[smem:$0x3F7A] =	sst s7  }
0x10: {  	[smem:$0x3F7B] =	sst s8  }
0x11: {  	[smem:$0x3F7C] =	sst s9;
	s0 =	simm.s32 @!p0 $0x0  }
0x12: {  	s1 =	sld [smem:$0x3F62];
	s0 =	simm.s32 @p0 $0x1  }
0x13: {  	[smem:$0x3F7D] =	sst s0;
	s0 =	simm.s32 @!p1 $0x0  }
0x14: {  	s2 =	sld [smem:$0x3F61];
	s0 =	simm.s32 @p1 $0x1  }
0x15: {  	[smem:$0x3F7E] =	sst s0;
	s0 =	simm.s32 @!p2 $0x0  }
0x16: {  	s3 =	sld [smem:$0x3FDB];
	s0 =	simm.s32 @p2 $0x1  }
0x17: {  	s4 =	simm.s32 $0x1BF5;
	[smem:$0x3F80] =	sst s0  }
0x18: {  	s0 =	sld [smem:$0x3F63];
	_ =	swait.ge [sflag:s4], $0x0  }
0x19: {  	s7 =	sld [smem:$0x3F64]  }
0x1a: {  	s8 =	sadd.s32 $0xFFFFE003, lr  }
0x1b: {  	s9 =	sadd.s32 $0xFFFFFEF7, lr;
	s5 =	simm.s32 $0xFFFFFFFF;
	p2 =	slt.u32 s8, $0xFFFFF086  }
0x1c: {  	p1 =	slt.u32 s9, $0xF7A;
	s5 =	simm.s32 @!p2 $0x0  }
0x1d: {  	s5 =	simm.s32 @p1 $0x1;
	p0 =	seq.s32 s7, s2  }
0x1e: {  	s7 =	smul.u32 @!p0 $0xF7A, s2;
	p2 =	seq.s32 @!p0 s5, $0x0  }
0x1f: {  	s9 =	smul.u32 $0xF7A, s1;
	s8 =	simm.s32 @!p0 $0x1BF5;
	p2 =	por !p2, p0  }
0x20: {  	[sflag:s8] =	ssyncset.s32 @!p0 $0xFFFFF086;
	s6 =	sadd.s32 @!p0 s3, s7;
	s7 =	simm.s32 @!p0 $0x108  }
0x21: {  	s3 =	sadd.s32 s3, s9;
	s6 =	sadd.s32 @!p0 $0x88, s6;
	s7 =	simm.s32 @p2 $0x1082  }
0x22: {  	[simem:s7], [sflag:s8] =	dma.local @!p0 [hbm:s6], $0xF7A  }
0x23: {  	s9 =	sor.u32 $0xD0000000, s2;
	s6 =	simm.s32 $0x108;
	_ =	swait.ge @!p0 [sflag:s8], $0x0  }
0x24: {  	s3 =	sadd.s32 $0x88, s3;
	s6 =	simm.s32 @!p1 $0x1082;
	[sflag:s4] =	ssyncset.s32 $0xFFFFF086  }
0x25: {  	[simem:s6], [sflag:s4] =	dma.local [hbm:s3], $0xF7A  }
0x26: {  	[smem:$0x3F64] =	sst s1;
	(tag) =	ssettag s2;
	_ =	strace s9  }
0x27: {  	s1 =	sld [smem:$0x3F74]  }
0x28: {  	s2 =	sld [smem:$0x3F75]  }
0x29: {  	s4 =	sld [smem:$0x3F77]  }
0x2a: {  	p0 =	seq.s32 s5, $0x0;
	s5 =	sld [smem:$0x3F78]  }
0x2b: {  	s6 =	sld [smem:$0x3F79]  }
0x2c: {  	s7 =	sld [smem:$0x3F7A]  }
0x2d: {  	s3 =	simm.s32 $0x108;
	s8 =	sld [smem:$0x3F7B]  }
0x2e: {  	s3 =	simm.s32 @!p0 $0x1082;
	s9 =	sld [smem:$0x3F7C]  }
0x2f: {  	lr =	sadd.s32 s0, s3;
	s0 =	sld [smem:$0x3F73]  }
0x30: {  	s3 =	sld [smem:$0x3F76]  }
0x31: {  	[smem:$0x3F7F] =	sst s10  }
0x32: {  	s10 =	sld [smem:$0x3F7D];
	_ =	sdelay $0x3  }
0x33: {  	p0 =	seq.s32 s10, $0x1;
	s10 =	sld [smem:$0x3F7F];
	_ =	sdelay $0x3  }
0x34: {  	[smem:$0x3F7F] =	sst s10  }
0x35: {  	s10 =	sld [smem:$0x3F7E];
	_ =	sdelay $0x3  }
0x36: {  	p1 =	seq.s32 s10, $0x1;
	s10 =	sld [smem:$0x3F7F];
	_ =	sdelay $0x3  }
0x37: {  	[smem:$0x3F7F] =	sst s10  }
0x38: {  	s10 =	sld [smem:$0x3F80]  }
0x39: {  	_ = 	snop;
	(pc) =	sbr.ind lr, $3  }
0x3a: {  	_ = 	snop  }
0x3b: {  	_ = 	snop  }
0x3c: {  	p2 =	seq.s32 s10, $0x1;
	s10 =	sld [smem:$0x3F7F]  }
0x3d: {  	_ =	shalt  }
0x3e: {  	_ =	shalt  }
0x3f: {  	_ =	shalt  }
0x40: {  	_ =	shalt  }
0x41: {  	_ =	shalt  }
0x42: {  	_ =	shalt  }
0x43: {  	_ =	shalt  }
0x44: {  	_ =	shalt  }
0x45: {  	_ =	shalt  }
0x46: {  	_ =	shalt  }
0x47: {  	_ =	shalt  }
0x48: {  	_ =	shalt  }
0x49: {  	_ =	shalt  }
0x4a: {  	_ =	shalt  }
0x4b: {  	_ =	shalt  }
0x4c: {  	_ =	shalt  }
0x4d: {  	_ =	shalt  }
0x4e: {  	_ =	shalt  }
0x4f: {  	_ =	shalt  }
0x50: {  	_ =	shalt  }
0x51: {  	_ =	shalt  }
0x52: {  	_ =	shalt  }
0x53: {  	_ =	shalt  }
0x54: {  	_ =	shalt  }
0x55: {  	_ =	shalt  }
0x56: {  	_ =	shalt  }
0x57: {  	_ =	shalt  }
0x58: {  	_ =	shalt  }
0x59: {  	_ =	shalt  }
0x5a: {  	_ =	shalt  }
0x5b: {  	_ =	shalt  }
0x5c: {  	_ =	shalt  }
0x5d: {  	_ =	shalt  }
0x5e: {  	_ =	shalt  }
0x5f: {  	_ =	shalt  }
0x60: {  	_ =	shalt  }
0x61: {  	_ =	shalt  }
0x62: {  	_ =	shalt  }
0x63: {  	_ =	shalt  }
0x64: {  	_ =	shalt  }
0x65: {  	_ =	shalt  }
0x66: {  	_ =	shalt  }
0x67: {  	_ =	shalt  }
0x68: {  	_ =	shalt  }
0x69: {  	_ =	shalt  }
0x6a: {  	_ =	shalt  }
0x6b: {  	_ =	shalt  }
0x6c: {  	_ =	shalt  }
0x6d: {  	_ =	shalt  }
0x6e: {  	_ =	shalt  }
0x6f: {  	_ =	shalt  }
0x70: {  	_ =	shalt  }
0x71: {  	_ =	shalt  }
0x72: {  	_ =	shalt  }
0x73: {  	_ =	shalt  }
0x74: {  	_ =	shalt  }
0x75: {  	_ =	shalt  }
0x76: {  	_ =	shalt  }
0x77: {  	_ =	shalt  }
0x78: {  	_ =	shalt  }
0x79: {  	_ =	shalt  }
0x7a: {  	_ =	shalt  }
0x7b: {  	_ =	shalt  }
0x7c: {  	_ =	shalt  }
0x7d: {  	_ =	shalt  }
0x7e: {  	_ =	shalt  }
0x7f: {  	_ =	shalt  }
0x80: {  	_ =	shalt  }
0x81: {  	_ =	shalt  }
0x82: {  	_ =	shalt  }
0x83: {  	_ =	shalt  }
0x84: {  	_ =	shalt  }
0x85: {  	_ =	shalt  }
0x86: {  	_ =	shalt  }
0x87: {  	_ =	shalt  }
.Lfunc_end0:
.L_simem_size_0:
called_computation.8_lowered:
.L_overlay_start_0:
0x88: {  	s2 =	sld [smem:$0x3FD9]  }
0x89: {  	s3 =	sld [smem:$0x3FFE];
	_ =	sdelay $0x1  }
0x8a: {  	s1 =	srdreg.scid  }
0x8b: {  	s0 =	sand.u32 $0x1, s1  }
0x8c: {  	s17 =	sshll.u32 s0, $0xA;
	s2 =	sadd.s32 s3, s2  }
0x8d: {  	s2 =	sadd.s32 s2, s17  }
0x8e: {  	[smem:$0x3F8B] =	sst s2  }
0x8f: {  	_ = 	snop  }
0x90: {  	s2 =	sld [smem:$0x3FD0];
	(tm) =	ssettm $0x1  }
0x91: {  	s18 =	sld [smem:$0x3FFB];
	_ =	sdelay $0x3  }
0x92: {  	_ =	strace s18  }
0x93: {  	s3 =	sld [smem:$0x3FFC];
	_ =	sdelay $0x3  }
0x94: {  	_ =	strace s3  }
0x95: {  	s3 =	sld [smem:$0x3FFD];
	_ =	sdelay $0x3  }
0x96: {  	_ =	strace s3  }
0x97: {  	_ =	strace $0x8FFFFFFF  }
0x98: {  	s19 =	sld [smem:$0x3FDB];
	_ =	sdelay $0x1  }
0x99: {  	s4 =	simm.s32 $_scs_section_size  }
0x9a: {  	s5 =	simm.s32 $_size__tile_overlayer_lowered;
	s6 =	simm.s32 $_tile_overlayer_lowered  }
0x9b: {  	s22 =	simm.s32 $0x1BFF;
	s21 =	sshll.u32 s6, $0x1;
	s3 =	sadd.s32 s4, s19  }
0x9c: {  	s7 =	simm.s32 $0x0;
	s20 =	sshll.u32 s5, $0x1;
	s5 =	sadd.s32 s21, s3  }
0x9d: {  	[timem:s7], [sflag:s22] =	dma.local [hbm:s5], s20  }
0x9e: {  	_ =	swait.ge [sflag:s22], s20  }
0x9f: {  	s4 =	ssub.s32 $0x0, s20;
	[sflag:s22] =	ssyncset.done $0x0  }
0xa0: {  	[sflag:s22] =	ssyncadd.s32 s4;
	_ =	sdelay $0x1  }
0xa1: {  	s23 =	simm.s32 $0x1B8B  }
0xa2: {  	_ =	swait.ge [sflag:s23], $0x1  }
0xa3: {  	[sflag:s23] =	ssyncset.done $0x0  }
0xa4: {  	s25 =	simm.s32 $0x1B8E;
	s24 =	sld [smem:$0x3FFE];
	[sflag:s23] =	ssyncadd.s32 $0xFFFFFFFF  }
0xa5: {  	s26 =	simm.s32 $execute0_lowered;
	[smem:$0x3FD2] =	sst s25  }
0xa6: {  	s5 =	sshll.u32 s26, $0x1;
	_ =	strace $0x80000049;
	[dreg:$0x1] =	wrdreg $0xFFFFFFFF  }
0xa7: {  	s28 =	simm.s32 $_size_execute0_lowered;
	s3 =	sadd.s32 s3, s5;
	[dreg:$0x0] =	wrdreg $0x0  }
0xa8: {  	s5 =	sshll.u32 s28, $0x1;
	[dreg:$0x2] =	wrdreg s3  }
0xa9: {  	[dreg:$0x3] =	wrdreg s5  }
0xaa: {  	[dreg:$0x4] =	wrdreg $0xC0  }
0xab: {  	_ =	task [dreg:s7], $0x5FFFF  }
0xac: {  	[dreg:$0x1] =	wrdreg $0xFFFFFFFF  }
0xad: {  	[dreg:$0x0] =	wrdreg $0x60  }
0xae: {  	[dreg:$0x2] =	wrdreg s24  }
0xaf: {  	[dreg:$0x3] =	wrdreg s2  }
0xb0: {  	[dreg:$0x4] =	wrdreg $0x9  }
0xb1: {  	_ =	task.clear_ibuf [dreg:s7], $0x5FFFF;
	_ =	strace $0x90000049  }
0xb2: {  	s29 =	simm.s32 $0x9;
	_ =	strace $0x8000004B  }
0xb3: {  	_ =	swait.ge [sflag:s29], $0x1  }
0xb4: {  	[sflag:s29] =	ssyncadd.s32 $0xFFFFFFFF  }
0xb5: {  	_ =	strace $0x9000004B  }
0xb6: {  	_ =	sfence  }
0xb7: {  	s30 =	sld [smem:$0x0];
	_ =	sdelay $0x2  }
0xb8: {  	s31 =	sshll.u32 s1, $0xD;
	s1 =	sshrl.u32 s1, $0x2  }
0xb9: {  	s3 =	sand.u32 $0x4000, s31;
	s1 =	sadd.s32 s1, s30  }
0xba: {  	s0 =	sor.u32 s3, s0;
	s1 =	sshll.u32 s1, $0x11  }
0xbb: {  	s0 =	sor.u32 s1, s0  }
0xbc: {  	s0 =	sadd.s32 $0x8F2B, s0  }
0xbd: {  	[sflag:s0] =	ssyncadd.remote.s32 $0x1  }
0xbe: {  	_ =	sfence.sel $0xFFFF  }
0xbf: {  	[dreg:$0x0] =	wrdreg $0xFFFFFFFF;
	(pc) =	sbr.abs _section_cstart, $3  }
0xc0: {  	[dreg:$0x1] =	wrdreg $0xFFFFFFFF  }
0xc1: {  	_ =	task.clear_ibuf [dreg:s7], $0x2FFFF;
	_ =	strace $0x9FFFFFFF  }
0xc2: {  	(tm) =	ssettm $0x7FFFFFFF  }
0xc3: {  	_ =	shalt  }
tec
execute0_lowered:
.L_overlay_start_1:
0x0: {  	(tag) =	ssettag $0x1  }
0x1: {  	s7 =	rddreg [dreg:$0x0]  }
0x2: {  	s2 =	rddreg [dreg:$0x1]  }
0x3: {  	s0 =	rddreg [dreg:$0x2]  }
0x4: {  	s1 =	srdreg.scid;
	_ =	strace $0x8000004A;
	s4 =	simm.s32 $0x1  }
0x5: {  	s9 =	simm.s32 $0x3;
	s12 =	simm.s32 $0x0;
	s5 =	sshll.u32 s1, $0x4  }
.Ltmp0:
0x6: {  	s1 =	stileid.u32;
	s5 =	sand.u32 $0x10, s5;
	(pc) =	sbr.rel .LBB2_1-.Ltmp0, $4  }
0x7: {  	s10 =	simm.s32 $0x0;
	s3 =	sadd.s32 $0x40000, s7;
	s6 =	sor.u32 s1, s5  }
0x8: {  	[sflag:s4] =	ssyncpa.u1 $0x0;
	s5 =	simm.s32 $0x2;
	s6 =	sshll.u32 s6, $0x6  }
0x9: {  	s7 =	sadd.s32 $0x863600, s7;
	[sflag:s5] =	ssyncpa.u1 $0x0;
	s8 =	sadd.s32 $0x40, s6  }
0xa: {  	vm0 =	vmmov $0xff;
	vm1 =	vcmask $0x3F20;
	[sflag:s9] =	ssyncpa.u1 $0x0;
	s9 =	simm.s32 $0x40;
	s11 =	smov.u32 s6  }
.LBB2_9:
0xb: {  	p0 =	seq.s32 s10, $0x2  }
.Ltmp1:
0xc: {  	_ = 	snop;
	(pc) =	sbr.rel @p0 .LBB2_11-.Ltmp1, $1  }
0xd: {  	_ =	sdelay $0x3  }
.LBB2_10:
0xe: {  	s12 =	sadd.s32 $0x40, s11  }
0xf: {  	s13 =	smov.u32 s6;
	p0 =	slt.s32 s12, s8  }
0x10: {  	s13 =	smov.u32 @p0 s12  }
0x11: {  	s10 =	sadd.s32 $0x1, s10;
	s12 =	smov.u32 s11;
	s11 =	smov.u32 s13  }
.LBB2_1:
0x12: {  	p0 =	sne.s32 s10, $0x0  }
.Ltmp2:
0x13: {  	_ = 	snop;
	(pc) =	sbr.rel @!p0 .LBB2_2-.Ltmp2, $1  }
0x14: {  	_ =	sdelay $0x3  }
0x15: {  	s13 =	sand.u32 $0x1, s10  }
0x16: {  	p0 =	seq.s32 s13, $0x0  }
.Ltmp3:
0x17: {  	_ = 	snop;
	(pc) =	sbr.rel @p0 .LBB2_9-.Ltmp3, $1  }
0x18: {  	_ =	sdelay $0x3  }
0x19: {  	_ =	swait.ge [sflag:s5], $0x40  }
0x1a: {  	[sflag:s5] =	ssyncset.done $0x0  }
0x1b: {  	s13 =	simm.s32 $0x0;
	[sflag:s5] =	ssyncadd.s32 $0xFFFFFFC0  }
0x1c: {  	v0 =	vld.msk [tilespmem:s13+$0x40 ss:$0x1], $0xffff;
	_ =	sdelay $0x4  }
0x1d: {  	v1 =	vshll.u32 v0, $0x6  }
0x1e: {  	vm2 =	veq.s32 v0, $0x80000000;
	v0 =	vshll.u32 v0, $0x13;
	v1 =	vand.u32 $0x7FF80, v1  }
0x1f: {  	v0 =	vand.u32 $0x80000, v0;
	v1 =	vsel vm2, $0xFFFFFF80, v1  }
0x20: {  	v0 =	vsel vm2, $0xFFF80000, v0;
	v2 =	vand.u32 $0xFFFFFC00, v1  }
0x21: {  	v1 =	vand.u32 $0x380, v1;
	v0 =	vadd.s32 v0, v2  }
0x22: {  	v0 =	vor.u32 v1, v0  }
0x23: {  	v0 =	vshrl.u32 v0, $0x3;
	_ =	sdelay $0x3  }
0x24: {  	s13 =	simm.s32 $0x2080  }
0x25: {  	[tilespmem:s13], [sflag:$0x1] =	stream.indirect_vreg.gather [hbm:s3], $0x80, v0, vm0, $0x38;
	[tilespmem:$0x4080] =	vst v63  }
0x26: {  	s14 =	simm.s32 $0x2480;
	s31 =	simm.s32 $0x10  }
0x27: {  	[tilespmem:s14], [sflag:$0x1] =	stream.indirect_vreg.gather [hbm:s3], $0x80, v0, vm1, $0x38;
	[tilespmem:$0x4080] =	vst v63  }
0x28: {  	s14 =	simm.s32 $0x80;
	v0 =	vld.msk [tilespmem:s31+$0x40 ss:$0x1], $0xffff  }
.LBB2_5:
0x29: {  	p0 =	sne.s32 s14, $0xC0;
	_ =	sdelay $0x4  }
0x2a: {  	v1 =	vshll.u32 v0, $0x6  }
0x2b: {  	vm2 =	veq.s32 v0, $0x80000000;
	v0 =	vshll.u32 v0, $0x13;
	v1 =	vand.u32 $0x7FF80, v1  }
0x2c: {  	v0 =	vand.u32 $0x80000, v0;
	v1 =	vsel vm2, $0xFFFFFF80, v1  }
0x2d: {  	v0 =	vsel vm2, $0xFFF80000, v0;
	v2 =	vand.u32 $0xFFFFFC00, v1  }
0x2e: {  	v1 =	vand.u32 $0x380, v1;
	v0 =	vadd.s32 v0, v2  }
0x2f: {  	v0 =	vor.u32 v1, v0  }
0x30: {  	v0 =	vshrl.u32 v0, $0x3;
	_ =	sdelay $0x3  }
.Ltmp4:
0x31: {  	s13 =	sadd.s32 $0x800, s13;
	(pc) =	sbr.rel @p0 .LBB2_5-.Ltmp4, $4  }
0x32: {  	[tilespmem:s13], [sflag:$0x1] =	stream.indirect_vreg.gather [hbm:s3], $0x80, v0, vm0, $0x38;
	[tilespmem:$0x4080] =	vst v63  }
0x33: {  	s15 =	sshra.s32 s14, $0x2;
	s16 =	sadd.s32 $0x400, s13  }
0x34: {  	[tilespmem:s16], [sflag:$0x1] =	stream.indirect_vreg.gather [hbm:s3], $0x80, v0, vm1, $0x38;
	[tilespmem:$0x4080] =	vst v63  }
0x35: {  	s14 =	sadd.s32 $0x40, s14;
	v0 =	vld.msk [tilespmem:s15+$0x40 ss:$0x1], $0xffff  }
0x36: {  	_ =	sdelay $0x3  }
0x37: {  	v1 =	vshll.u32 v0, $0x6  }
0x38: {  	vm2 =	veq.s32 v0, $0x80000000;
	v63 =	vshll.u32 v0, $0x13;
	v1 =	vand.u32 $0x7FF80, v1  }
0x39: {  	v0 =	vand.u32 $0x80000, v63;
	v1 =	vsel vm2, $0xFFFFFF80, v1  }
0x3a: {  	v0 =	vsel vm2, $0xFFF80000, v0;
	v2 =	vand.u32 $0xFFFFFC00, v1  }
0x3b: {  	v1 =	vand.u32 $0x380, v1;
	v0 =	vadd.s32 v0, v2  }
0x3c: {  	v0 =	vor.u32 v1, v0  }
0x3d: {  	v0 =	vshrl.u32 v0, $0x3;
	_ =	sdelay $0x3  }
0x3e: {  	s13 =	sadd.s32 $0x800, s13  }
0x3f: {  	[tilespmem:s13], [sflag:$0x1] =	stream.indirect_vreg.gather [hbm:s3], $0x80, v0, vm0, $0x38;
	[tilespmem:$0x4080] =	vst v63  }
0x40: {  	s13 =	sadd.s32 $0x400, s13  }
0x41: {  	[tilespmem:s13], [sflag:$0x1] =	stream.indirect_vreg.gather [hbm:s3], $0x80, v0, vm1, $0x38;
	[tilespmem:$0x4080] =	vst v63  }
0x42: {  	s12 =	sshll.u32 s12, $0x4;
	s14 =	simm.s32 $0x80;
	_ =	swait.ge [sflag:s4], $0x2000  }
0x43: {  	s15 =	simm.s32 $0x2480;
	s12 =	sadd.s32 s12, s7;
	[sflag:s4] =	ssyncset.done $0x0  }
0x44: {  	s16 =	sadd.s32 $0x0, s12;
	s13 =	simm.s32 $0x2080;
	[sflag:s4] =	ssyncadd.s32 $0xFFFFE000  }
.LBB2_7:
0x45: {  	[hbm:s16] =	stream.linear.scatter [tilespmem:s13], [sflag:$0x3], $0x400, $0x38;
	[tilespmem:$0x4080] =	vst v63  }
0x46: {  	s16 =	smov.u32 s14;
	s13 =	smov.u32 s15;
	p0 =	sne.s32 s14, $0x380  }
.Ltmp5:
0x47: {  	s14 =	sadd.s32 $0x80, s14;
	(pc) =	sbr.rel @p0 .LBB2_7-.Ltmp5, $2  }
0x48: {  	_ =	sdelay $0x2  }
0x49: {  	s15 =	sadd.s32 $0x400, s15;
	s16 =	sadd.s32 s16, s12  }
.Ltmp6:
0x4a: {  	(pc) =	sbr.rel .LBB2_9-.Ltmp6, $2  }
0x4b: {  	_ =	sdelay $0x2  }
0x4c: {  	[hbm:s16] =	stream.linear.scatter [tilespmem:s13], [sflag:$0x3], $0x400, $0x38;
	[tilespmem:$0x4080] =	vst v63  }
.LBB2_2:
.Ltmp7:
0x4d: {  	(pc) =	sbr.rel .LBB2_10-.Ltmp7, $4  }
0x4e: {  	_ = 	snop  }
0x4f: {  	s12 =	sshrl.u32 s11, $0x3  }
0x50: {  	s13 =	sand.u32 $0x7, s11;
	s12 =	sadd.s32 s2, s12  }
0x51: {  	[tilespmem:s9], [sflag:$0x2] =	stream.linear.gather [hbm4b:s12+s13], $0x40, $0x38;
	[tilespmem:$0x4080] =	vst v63  }
.LBB2_11:
0x52: {  	s2 =	simm.s32 $0x3  }
0x53: {  	_ =	swait.ge [sflag:s2], $0x2000  }
0x54: {  	[sflag:s2] =	ssyncset.done $0x0  }
0x55: {  	[sflag:s2] =	ssyncadd.s32 $0xFFFFE000  }
0x56: {  	_ =	sfence.sel $0x180000  }
0x57: {  	s3 =	simm.s32 $0x2;
	[bflag:$0x0] =	sbarrier.arrive $0xFFFF  }
0x58: {  	[sflag:s3] =	ssyncpa.u1 $0x1  }
0x59: {  	s31 =	simm.s32 $0x1;
	[sflag:s2] =	ssyncpa.u1 $0x1  }
0x5a: {  	[sflag:s31] =	ssyncpa.u1 $0x1  }
0x5b: {  	p0 =	sne.s32 s1, $0x0;
	_ =	strace $0x9000004A  }
0x5c: {  	s0 =	sadd.s32 @!p0 $0x100000, s0;
	[bflag:$0x2] =	sbarrier.arrive $0xFFFF  }
0x5d: {  	[sflag:s0] =	ssyncadd.tile.s32 @!p0 $0x1;
	_ =	shalt  }
.Lfunc_end2:
_tile_overlayer_lowered:
.L_overlay_start_2:
0x5e: {  	(tag) =	ssettag $0x2  }
0x5f: {  	s0 =	rddreg [dreg:$0x0];
	s2 =	stileid.u32  }
0x60: {  	s1 =	rddreg [dreg:$0x1];
	p0 =	sne.s32 s2, $0x0  }
0x61: {  	s3 =	rddreg [dreg:$0x2];
	[bflag:$0x3] =	sbarrier.arrive $0xFFFF;
	s2 =	simm.s32 @!p0 $0x1C01  }
0x62: {  	[timem:s3], [sflag:s2] =	dma.local @!p0 [hbm:s0], s1  }
0x63: {  	s0 =	simm.s32 @!p0 $0x1  }
0x64: {  	_ =	swait.ge @!p0 [sflag:s0], s1  }
0x65: {  	s1 =	ssub.s32 @!p0 $0x0, s1;
	[sflag:s0] =	ssyncset.done @!p0 $0x0  }
0x66: {  	[sflag:s0] =	ssyncadd.s32 @!p0 s1  }
0x67: {  	[bflag:$0x3] =	sbarrier.arrive $0xFFFF  }
0x68: {  	_ =	shalt  }

// kernel: gather_offload_async_start.3
scs
__scs_entry_jumppad:
0x0: {  	(pc) =	sbr.rel $0x88, $3  }
0x1: {  	(tag) =	ssettag $0x0;
	lr =	simm.s32 $0x1  }
0x2: {  	[smem:$0x3F64] =	sst lr;
	_ =	strace $0xD0000000  }
0x3: {  	_ = 	snop  }
0x4: {  	_ = 	snop  }
0x5: {  	_ = 	snop  }
0x6: {  	_ = 	snop  }
0x7: {  	_ = 	snop  }
__scs_overlays_trampoline_lowered:
0x8: {  	[smem:$0x3F73] =	sst s0  }
0x9: {  	[smem:$0x3F74] =	sst s1  }
0xa: {  	[smem:$0x3F75] =	sst s2  }
0xb: {  	[smem:$0x3F76] =	sst s3  }
0xc: {  	[smem:$0x3F77] =	sst s4  }
0xd: {  	[smem:$0x3F78] =	sst s5  }
0xe: {  	[smem:$0x3F79] =	sst s6  }
0xf: {  	[smem:$0x3F7A] =	sst s7  }
0x10: {  	[smem:$0x3F7B] =	sst s8  }
0x11: {  	[smem:$0x3F7C] =	sst s9;
	s0 =	simm.s32 @!p0 $0x0  }
0x12: {  	s1 =	sld [smem:$0x3F62];
	s0 =	simm.s32 @p0 $0x1  }
0x13: {  	[smem:$0x3F7D] =	sst s0;
	s0 =	simm.s32 @!p1 $0x0  }
0x14: {  	s2 =	sld [smem:$0x3F61];
	s0 =	simm.s32 @p1 $0x1  }
0x15: {  	[smem:$0x3F7E] =	sst s0;
	s0 =	simm.s32 @!p2 $0x0  }
0x16: {  	s3 =	sld [smem:$0x3FDB];
	s0 =	simm.s32 @p2 $0x1  }
0x17: {  	s4 =	simm.s32 $0x1BF5;
	[smem:$0x3F80] =	sst s0  }
0x18: {  	s0 =	sld [smem:$0x3F63];
	_ =	swait.ge [sflag:s4], $0x0  }
0x19: {  	s7 =	sld [smem:$0x3F64]  }
0x1a: {  	s8 =	sadd.s32 $0xFFFFE003, lr  }
0x1b: {  	s9 =	sadd.s32 $0xFFFFFEF7, lr;
	s5 =	simm.s32 $0xFFFFFFFF;
	p2 =	slt.u32 s8, $0xFFFFF086  }
0x1c: {  	p1 =	slt.u32 s9, $0xF7A;
	s5 =	simm.s32 @!p2 $0x0  }
0x1d: {  	s5 =	simm.s32 @p1 $0x1;
	p0 =	seq.s32 s7, s2  }
0x1e: {  	s7 =	smul.u32 @!p0 $0xF7A, s2;
	p2 =	seq.s32 @!p0 s5, $0x0  }
0x1f: {  	s9 =	smul.u32 $0xF7A, s1;
	s8 =	simm.s32 @!p0 $0x1BF5;
	p2 =	por !p2, p0  }
0x20: {  	[sflag:s8] =	ssyncset.s32 @!p0 $0xFFFFF086;
	s6 =	sadd.s32 @!p0 s3, s7;
	s7 =	simm.s32 @!p0 $0x108  }
0x21: {  	s3 =	sadd.s32 s3, s9;
	s6 =	sadd.s32 @!p0 $0x88, s6;
	s7 =	simm.s32 @p2 $0x1082  }
0x22: {  	[simem:s7], [sflag:s8] =	dma.local @!p0 [hbm:s6], $0xF7A  }
0x23: {  	s9 =	sor.u32 $0xD0000000, s2;
	s6 =	simm.s32 $0x108;
	_ =	swait.ge @!p0 [sflag:s8], $0x0  }
0x24: {  	s3 =	sadd.s32 $0x88, s3;
	s6 =	simm.s32 @!p1 $0x1082;
	[sflag:s4] =	ssyncset.s32 $0xFFFFF086  }
0x25: {  	[simem:s6], [sflag:s4] =	dma.local [hbm:s3], $0xF7A  }
0x26: {  	[smem:$0x3F64] =	sst s1;
	(tag) =	ssettag s2;
	_ =	strace s9  }
0x27: {  	s1 =	sld [smem:$0x3F74]  }
0x28: {  	s2 =	sld [smem:$0x3F75]  }
0x29: {  	s4 =	sld [smem:$0x3F77]  }
0x2a: {  	p0 =	seq.s32 s5, $0x0;
	s5 =	sld [smem:$0x3F78]  }
0x2b: {  	s6 =	sld [smem:$0x3F79]  }
0x2c: {  	s7 =	sld [smem:$0x3F7A]  }
0x2d: {  	s3 =	simm.s32 $0x108;
	s8 =	sld [smem:$0x3F7B]  }
0x2e: {  	s3 =	simm.s32 @!p0 $0x1082;
	s9 =	sld [smem:$0x3F7C]  }
0x2f: {  	lr =	sadd.s32 s0, s3;
	s0 =	sld [smem:$0x3F73]  }
0x30: {  	s3 =	sld [smem:$0x3F76]  }
0x31: {  	[smem:$0x3F7F] =	sst s10  }
0x32: {  	s10 =	sld [smem:$0x3F7D];
	_ =	sdelay $0x3  }
0x33: {  	p0 =	seq.s32 s10, $0x1;
	s10 =	sld [smem:$0x3F7F];
	_ =	sdelay $0x3  }
0x34: {  	[smem:$0x3F7F] =	sst s10  }
0x35: {  	s10 =	sld [smem:$0x3F7E];
	_ =	sdelay $0x3  }
0x36: {  	p1 =	seq.s32 s10, $0x1;
	s10 =	sld [smem:$0x3F7F];
	_ =	sdelay $0x3  }
0x37: {  	[smem:$0x3F7F] =	sst s10  }
0x38: {  	s10 =	sld [smem:$0x3F80]  }
0x39: {  	_ = 	snop;
	(pc) =	sbr.ind lr, $3  }
0x3a: {  	_ = 	snop  }
0x3b: {  	_ = 	snop  }
0x3c: {  	p2 =	seq.s32 s10, $0x1;
	s10 =	sld [smem:$0x3F7F]  }
0x3d: {  	_ =	shalt  }
0x3e: {  	_ =	shalt  }
0x3f: {  	_ =	shalt  }
0x40: {  	_ =	shalt  }
0x41: {  	_ =	shalt  }
0x42: {  	_ =	shalt  }
0x43: {  	_ =	shalt  }
0x44: {  	_ =	shalt  }
0x45: {  	_ =	shalt  }
0x46: {  	_ =	shalt  }
0x47: {  	_ =	shalt  }
0x48: {  	_ =	shalt  }
0x49: {  	_ =	shalt  }
0x4a: {  	_ =	shalt  }
0x4b: {  	_ =	shalt  }
0x4c: {  	_ =	shalt  }
0x4d: {  	_ =	shalt  }
0x4e: {  	_ =	shalt  }
0x4f: {  	_ =	shalt  }
0x50: {  	_ =	shalt  }
0x51: {  	_ =	shalt  }
0x52: {  	_ =	shalt  }
0x53: {  	_ =	shalt  }
0x54: {  	_ =	shalt  }
0x55: {  	_ =	shalt  }
0x56: {  	_ =	shalt  }
0x57: {  	_ =	shalt  }
0x58: {  	_ =	shalt  }
0x59: {  	_ =	shalt  }
0x5a: {  	_ =	shalt  }
0x5b: {  	_ =	shalt  }
0x5c: {  	_ =	shalt  }
0x5d: {  	_ =	shalt  }
0x5e: {  	_ =	shalt  }
0x5f: {  	_ =	shalt  }
0x60: {  	_ =	shalt  }
0x61: {  	_ =	shalt  }
0x62: {  	_ =	shalt  }
0x63: {  	_ =	shalt  }
0x64: {  	_ =	shalt  }
0x65: {  	_ =	shalt  }
0x66: {  	_ =	shalt  }
0x67: {  	_ =	shalt  }
0x68: {  	_ =	shalt  }
0x69: {  	_ =	shalt  }
0x6a: {  	_ =	shalt  }
0x6b: {  	_ =	shalt  }
0x6c: {  	_ =	shalt  }
0x6d: {  	_ =	shalt  }
0x6e: {  	_ =	shalt  }
0x6f: {  	_ =	shalt  }
0x70: {  	_ =	shalt  }
0x71: {  	_ =	shalt  }
0x72: {  	_ =	shalt  }
0x73: {  	_ =	shalt  }
0x74: {  	_ =	shalt  }
0x75: {  	_ =	shalt  }
0x76: {  	_ =	shalt  }
0x77: {  	_ =	shalt  }
0x78: {  	_ =	shalt  }
0x79: {  	_ =	shalt  }
0x7a: {  	_ =	shalt  }
0x7b: {  	_ =	shalt  }
0x7c: {  	_ =	shalt  }
0x7d: {  	_ =	shalt  }
0x7e: {  	_ =	shalt  }
0x7f: {  	_ =	shalt  }
0x80: {  	_ =	shalt  }
0x81: {  	_ =	shalt  }
0x82: {  	_ =	shalt  }
0x83: {  	_ =	shalt  }
0x84: {  	_ =	shalt  }
0x85: {  	_ =	shalt  }
0x86: {  	_ =	shalt  }
0x87: {  	_ =	shalt  }
.Lfunc_end0:
.L_simem_size_0:
called_computation.9_lowered:
.L_overlay_start_0:
0x88: {  	s2 =	sld [smem:$0x3FD9]  }
0x89: {  	s3 =	sld [smem:$0x3FFE];
	_ =	sdelay $0x1  }
0x8a: {  	s1 =	srdreg.scid  }
0x8b: {  	s0 =	sand.u32 $0x1, s1  }
0x8c: {  	s17 =	sshll.u32 s0, $0xA;
	s2 =	sadd.s32 s3, s2  }
0x8d: {  	s2 =	sadd.s32 s2, s17  }
0x8e: {  	[smem:$0x3F8B] =	sst s2  }
0x8f: {  	_ = 	snop  }
0x90: {  	(tm) =	ssettm $0x1  }
0x91: {  	s18 =	sld [smem:$0x3FFB];
	_ =	sdelay $0x3  }
0x92: {  	_ =	strace s18  }
0x93: {  	s2 =	sld [smem:$0x3FFC];
	_ =	sdelay $0x3  }
0x94: {  	_ =	strace s2  }
0x95: {  	s2 =	sld [smem:$0x3FFD];
	_ =	sdelay $0x3  }
0x96: {  	_ =	strace s2  }
0x97: {  	_ =	strace $0x8FFFFFFF  }
0x98: {  	s19 =	sld [smem:$0x3FDB];
	_ =	sdelay $0x1  }
0x99: {  	s20 =	simm.s32 $_scs_section_size  }
0x9a: {  	s4 =	simm.s32 $_size__tile_overlayer_lowered;
	s5 =	simm.s32 $_tile_overlayer_lowered  }
0x9b: {  	s6 =	simm.s32 $0x1BFF;
	s21 =	sshll.u32 s5, $0x1;
	s3 =	sadd.s32 s20, s19  }
0x9c: {  	s22 =	simm.s32 $0x0;
	s4 =	sshll.u32 s4, $0x1;
	s5 =	sadd.s32 s21, s3  }
0x9d: {  	[timem:s22], [sflag:s6] =	dma.local [hbm:s5], s4  }
0x9e: {  	_ =	swait.ge [sflag:s6], s4  }
0x9f: {  	s4 =	ssub.s32 $0x0, s4;
	[sflag:s6] =	ssyncset.done $0x0  }
0xa0: {  	[sflag:s6] =	ssyncadd.s32 s4;
	_ =	sdelay $0x1  }
0xa1: {  	s23 =	simm.s32 $0x1B8B  }
0xa2: {  	_ =	swait.ge [sflag:s23], $0x1  }
0xa3: {  	[sflag:s23] =	ssyncset.done $0x0  }
0xa4: {  	[sflag:s23] =	ssyncadd.s32 $0xFFFFFFFF  }
0xa5: {  	s4 =	sld [smem:$0x0]  }
0xa6: {  	s5 =	sand.u32 $0xFFFFFFFE, s1  }
0xa7: {  	p0 =	sne.s32 s1, s5  }
0xa8: {  	s5 =	sshll.u32 @p0 s5, $0xE  }
0xa9: {  	s5 =	sadd.s32 @p0 $0x11B8D, s5;
	s6 =	sshll.u32 @p0 s4, $0x11  }
0xaa: {  	s5 =	sor.u32 @p0 s6, s5  }
0xab: {  	[sflag:s5] =	ssyncadd.remote.s32 @p0 $0x1;
	_ =	sdelay $0x1  }
0xac: {  	s5 =	simm.s32 @p0 $0x1B8D  }
0xad: {  	_ =	swait.eq @p0 [sflag:s5], $0x1  }
0xae: {  	[sflag:s5] =	ssyncadd.s32 @p0 $0xFFFFFFFF  }
0xaf: {  	s6 =	sshll.u32 @!p0 s1, $0xE  }
0xb0: {  	s6 =	sor.u32 @!p0 $0x4000, s6;
	s5 =	simm.s32 @!p0 $0x1B8D  }
0xb1: {  	s4 =	sshll.u32 @!p0 s4, $0x11;
	s6 =	sadd.s32 @!p0 $0x11B8D, s6;
	_ =	swait.eq @!p0 [sflag:s5], $0x1  }
0xb2: {  	s4 =	sor.u32 @!p0 s4, s6;
	[sflag:s5] =	ssyncadd.s32 @!p0 $0xFFFFFFFF  }
0xb3: {  	s25 =	simm.s32 $0x1B8E;
	s24 =	sld [smem:$0x3FFE];
	[sflag:s4] =	ssyncadd.remote.s32 @!p0 $0x1  }
0xb4: {  	s26 =	simm.s32 $execute0_lowered;
	[smem:$0x3FD2] =	sst s25  }
0xb5: {  	s5 =	sshll.u32 s26, $0x1;
	_ =	strace $0x80000058;
	[dreg:$0x1] =	wrdreg $0xFFFFFFFF  }
0xb6: {  	s28 =	simm.s32 $_size_execute0_lowered;
	s3 =	sadd.s32 s3, s5;
	[dreg:$0x0] =	wrdreg $0x0  }
0xb7: {  	s5 =	sshll.u32 s28, $0x1;
	[dreg:$0x2] =	wrdreg s3  }
0xb8: {  	[dreg:$0x3] =	wrdreg s5  }
0xb9: {  	[dreg:$0x4] =	wrdreg $0xC0  }
0xba: {  	_ =	task [dreg:s22], $0x5FFFF  }
0xbb: {  	[dreg:$0x1] =	wrdreg $0xFFFFFFFF  }
0xbc: {  	[dreg:$0x0] =	wrdreg $0x60  }
0xbd: {  	[dreg:$0x2] =	wrdreg s24  }
0xbe: {  	[dreg:$0x3] =	wrdreg $0xB  }
0xbf: {  	_ =	task.clear_ibuf [dreg:s22], $0x4FFFF;
	_ =	strace $0x90000058  }
0xc0: {  	s29 =	simm.s32 $0xB;
	_ =	strace $0x8000005A  }
0xc1: {  	_ =	swait.ge [sflag:s29], $0x1  }
0xc2: {  	[sflag:s29] =	ssyncadd.s32 $0xFFFFFFFF  }
0xc3: {  	_ =	strace $0x9000005A  }
0xc4: {  	_ =	sfence  }
0xc5: {  	s30 =	sld [smem:$0x0];
	_ =	sdelay $0x2  }
0xc6: {  	s31 =	sshll.u32 s1, $0xD;
	s1 =	sshrl.u32 s1, $0x2  }
0xc7: {  	s4 =	sand.u32 $0x4000, s31;
	s1 =	sadd.s32 s1, s30  }
0xc8: {  	s0 =	sor.u32 s4, s0;
	s1 =	sshll.u32 s1, $0x11  }
0xc9: {  	s0 =	sor.u32 s1, s0  }
0xca: {  	s0 =	sadd.s32 $0x8F2B, s0  }
0xcb: {  	[sflag:s0] =	ssyncadd.remote.s32 $0x1  }
0xcc: {  	_ =	sfence.sel $0xFFFF  }
0xcd: {  	[dreg:$0x0] =	wrdreg $0xFFFFFFFF;
	(pc) =	sbr.abs _section_cstart, $3  }
0xce: {  	[dreg:$0x1] =	wrdreg $0xFFFFFFFF  }
0xcf: {  	_ =	task.clear_ibuf [dreg:s22], $0x2FFFF;
	_ =	strace $0x9FFFFFFF  }
0xd0: {  	(tm) =	ssettm $0x7FFFFFFF  }
0xd1: {  	_ =	shalt  }
tec
execute0_lowered:
.L_overlay_start_1:
0x0: {  	(tag) =	ssettag $0x1  }
0x1: {  	s0 =	srdreg.scid;
	s5 =	rddreg [dreg:$0x0]  }
0x2: {  	s1 =	stileid.u32;
	s6 =	simm.s32 $0x1;
	s9 =	simm.s32 $0x1  }
0x3: {  	s10 =	simm.s32 $0x3;
	s13 =	simm.s32 $0x0;
	s2 =	sshll.u32 s0, $0xB  }
0x4: {  	s12 =	simm.s32 $0x0;
	s3 =	sshll.u32 s1, $0xC;
	s4 =	sand.u32 $0x800, s2  }
0x5: {  	s0 =	rddreg [dreg:$0x1];
	_ =	strace $0x80000059;
	s3 =	sor.u32 s3, s4  }
0x6: {  	s2 =	sadd.s32 $0x86BA00, s5;
	[sflag:s6] =	ssyncpa.u1 $0x0;
	s8 =	ssub.s32 $0x20000, s3  }
.Ltmp0:
0x7: {  	s4 =	sadd.s32 $0xCDBA00, s5;
	s7 =	sand.u32 $0xF800, s8;
	(pc) =	sbr.rel .LBB2_1-.Ltmp0, $4  }
0x8: {  	s5 =	sadd.s32 $0xCE4600, s5;
	s11 =	smov.u32 s3;
	p0 =	sne.s32 s7, $0x0  }
0x9: {  	s8 =	sshrl.u32 s8, $0x10;
	s7 =	simm.s32 $0x2;
	s9 =	simm.s32 @!p0 $0x0  }
0xa: {  	[sflag:s7] =	ssyncpa.u1 $0x0;
	p0 =	por $0x0, $0x0;
	s8 =	sadd.s32 s9, s8  }
0xb: {  	vm0 =	vmmov $0xffff;
	[sflag:s10] =	ssyncpa.u1 $0x0;
	s10 =	simm.s32 $0x0;
	s9 =	sadd.s32 $0x1, s8  }
.LBB2_4:
0xc: {  	v3 =	vshrl.u32 v0, $0x1;
	v4 =	vshrl.u32 v0, $0xB;
	v1 =	vor.u32 v1, v2  }
0xd: {  	v62 =	vshll.u32 v0, $0x16;
	v60 =	vand.u32 $0x3FF, v3;
	v61 =	vand.u32 $0xFFF, v4  }
0xe: {  	v0 =	vand.u32 $0x400000, v62;
	v2 =	vsel vm1, $0xFFFFFFFF, v60;
	v3 =	vsel vm1, $0xFFFFFFFF, v61  }
0xf: {  	v0 =	vsel vm1, $0xFFC00000, v0;
	v63 =	vand.u32 $0x7F, v3;
	v5 =	vshll.u32 v2, $0xC  }
0x10: {  	v3 =	vshll.u32 v3, $0x3;
	v5 =	vand.u32 $0xFFFF8000, v5;
	v0 =	vor.u32 v0, v63  }
0x11: {  	v2 =	vshll.u32 v2, $0x7;
	v3 =	vand.u32 $0xFFFFFC00, v3;
	v0 =	vadd.s32 v5, v0  }
0x12: {  	v2 =	vand.u32 $0x380, v2;
	v0 =	vadd.s32 v3, v0  }
0x13: {  	v0 =	vor.u32 v2, v0;
	_ =	sdelay $0x1  }
0x14: {  	(ifvalue) =	ssetifvalue $0x7FFFFFFF;
	s14 =	sadd.s32 $0x10, s14  }
0x15: {  	[tilespmem:s14], [sflag:$0x1] =	stream.indirect_vreg.gather [hbm4b:s2+s10], $0x1, v1, vm0, $0x4038;
	[tilespmem:$0x2000] =	vst v63  }
0x16: {  	(ifvalue) =	ssetifvalue $0x7FFFFFFF;
	s14 =	sadd.s32 $0x10, s14  }
0x17: {  	[tilespmem:s14], [sflag:$0x1] =	stream.indirect_vreg.gather [hbm4b:s2+s10], $0x1, v0, vm0, $0x4038;
	[tilespmem:$0x2000] =	vst v63  }
0x18: {  	_ =	swait.ge [sflag:s6], $0x800  }
0x19: {  	s30 =	sshrl.u32 s13, $0x3;
	[sflag:s6] =	ssyncset.done $0x0  }
0x1a: {  	s31 =	sand.u32 $0x7, s13;
	s14 =	sadd.s32 s5, s30;
	[sflag:s6] =	ssyncadd.s32 $0xFFFFF800  }
0x1b: {  	[hbm4b:s14+s31] =	stream.linear.scatter [tilespmem:s15], [sflag:$0x3], $0x800, $0x38;
	[tilespmem:$0x2000] =	vst v63  }
.LBB2_5:
0x1c: {  	s15 =	sadd.s32 $0x10000, s11  }
0x1d: {  	p2 =	sgt.s32 s15, $0x1FFFF  }
0x1e: {  	s15 =	smov.u32 @p2 s3;
	p2 =	sne.s32 s12, s9  }
.Ltmp1:
0x1f: {  	p1 =	slt.u32 s12, $0x2;
	(pc) =	sbr.rel @!p2 .LBB2_6-.Ltmp1, $4  }
0x20: {  	s14 =	simm.s32 @!p1 $0x3  }
0x21: {  	s16 =	sadd.s32 $0x1, s12;
	_ =	swait.ge @!p1 [sflag:s14], $0x800  }
0x22: {  	s13 =	smov.u32 s11;
	p0 =	por !p0, !p0;
	[sflag:s14] =	ssyncset.done @!p1 $0x0  }
0x23: {  	s12 =	smov.u32 s16;
	s11 =	smov.u32 s15;
	[sflag:s14] =	ssyncadd.s32 @!p1 $0xFFFFF800  }
.LBB2_1:
0x24: {  	p1 =	sge.u32 s12, s8  }
0x25: {  	s14 =	sxor.u32 @!p1 $0xFFFFFFFF, s12  }
0x26: {  	s31 =	sadd.s32 $0xFFFFFFFF, s12;
	s15 =	sshrl.u32 @!p1 s11, $0x3;
	s14 =	sshll.u32 @!p1 s14, $0xB  }
0x27: {  	s16 =	sand.u32 @!p1 $0x7, s11;
	s15 =	sadd.s32 @!p1 s4, s15;
	s14 =	sand.u32 @!p1 $0x800, s14  }
0x28: {  	[tilespmem:s14], [sflag:$0x2] =	stream.linear.gather @!p1 [hbm4b:s15+s16], $0x800, $0x38;
	[tilespmem:$0x2000] =	vst v63  }
0x29: {  	p1 =	sge.u32 s31, s8  }
.Ltmp2:
0x2a: {  	_ = 	snop;
	(pc) =	sbr.rel @p1 .LBB2_5-.Ltmp2, $1  }
0x2b: {  	_ =	sdelay $0x3  }
0x2c: {  	s14 =	simm.s32 $0x1  }
0x2d: {  	_ =	swait.ge [sflag:s7], $0x800;
	s14 =	simm.s32 @!p0 $0x0  }
0x2e: {  	[sflag:s7] =	ssyncset.done $0x0;
	s14 =	sshll.u32 s14, $0xB  }
0x2f: {  	[sflag:s7] =	ssyncadd.s32 $0xFFFFF800;
	(ifvalue) =	ssetifvalue $0x7FFFFFFF;
	v0 =	vld.msk [tilespmem:s14+$0x0 ss:$0x1], $0xffff;
	_ =	sdelay $0x4  }
0x30: {  	s15 =	sadd.s32 $0x10, s14;
	vm1 =	veq.s32 v0, $0x80000000;
	v1 =	vshrl.u32 v0, $0x1;
	v2 =	vshrl.u32 v0, $0xB  }
0x31: {  	v3 =	vld.msk [tilespmem:s15+$0x0 ss:$0x1], $0xffff;
	v0 =	vshll.u32 v0, $0x16;
	v1 =	vand.u32 $0x3FF, v1;
	v2 =	vand.u32 $0xFFF, v2  }
0x32: {  	v0 =	vand.u32 $0x400000, v0;
	v1 =	vsel vm1, $0xFFFFFFFF, v1;
	v2 =	vsel vm1, $0xFFFFFFFF, v2  }
0x33: {  	v0 =	vsel vm1, $0xFFC00000, v0;
	v4 =	vand.u32 $0x7F, v2;
	v5 =	vshll.u32 v1, $0xC  }
0x34: {  	v2 =	vshll.u32 v2, $0x3;
	v5 =	vand.u32 $0xFFFF8000, v5;
	v0 =	vor.u32 v0, v4  }
0x35: {  	v1 =	vshll.u32 v1, $0x7;
	v2 =	vand.u32 $0xFFFFFC00, v2;
	v0 =	vadd.s32 v5, v0  }
0x36: {  	v62 =	vshrl.u32 v3, $0xB;
	v1 =	vand.u32 $0x380, v1;
	v0 =	vadd.s32 v2, v0  }
0x37: {  	s17 =	sadd.s32 $0x10, s15;
	vm1 =	veq.s32 v3, $0x80000000;
	v2 =	vshrl.u32 v3, $0x1;
	v1 =	vor.u32 v1, v0  }
0x38: {  	v4 =	vand.u32 $0xFFF, v62;
	v3 =	vshll.u32 v3, $0x16;
	v0 =	vld.msk [tilespmem:s17+$0x0 ss:$0x1], $0xffff;
	v2 =	vand.u32 $0x3FF, v2  }
0x39: {  	v4 =	vsel vm1, $0xFFFFFFFF, v4;
	v3 =	vand.u32 $0x400000, v3;
	v2 =	vsel vm1, $0xFFFFFFFF, v2  }
0x3a: {  	s31 =	sshll.u32 s12, $0xB;
	v63 =	vand.u32 $0x7F, v4;
	v3 =	vsel vm1, $0xFFC00000, v3;
	v6 =	vshll.u32 v2, $0xC  }
0x3b: {  	s14 =	sor.u32 $0x1000, s14;
	s15 =	sand.u32 $0x800, s31;
	v4 =	vshll.u32 v4, $0x3;
	(ifvalue) =	ssetifvalue $0x7FFFFFFF;
	v3 =	vor.u32 v3, v63;
	v6 =	vand.u32 $0xFFFF8000, v6  }
0x3c: {  	v4 =	vand.u32 $0xFFFFFC00, v4;
	[tilespmem:s14], [sflag:$0x1] =	stream.indirect_vreg.gather [hbm4b:s2+s10], $0x1, v1, vm0, $0x4038;
	v1 =	vshll.u32 v2, $0x7;
	v2 =	vadd.s32 v6, v3;
	[tilespmem:$0x2000] =	vst v63  }
0x3d: {  	s16 =	simm.s32 $0x20;
	s15 =	sor.u32 $0x1000, s15;
	s17 =	sadd.s32 $0x10, s17;
	vm1 =	veq.s32 v0, $0x80000000;
	v1 =	vand.u32 $0x380, v1;
	v2 =	vadd.s32 v4, v2  }
.LBB2_3:
0x3e: {  	v3 =	vld.msk [tilespmem:s17+$0x0 ss:$0x1], $0xffff;
	v4 =	vshrl.u32 v0, $0x1;
	v5 =	vshrl.u32 v0, $0xB;
	v1 =	vor.u32 v1, v2;
	s16 =	sadd.s32 $0x10, s16  }
0x3f: {  	v0 =	vshll.u32 v0, $0x16;
	v2 =	vand.u32 $0x3FF, v4;
	v4 =	vand.u32 $0xFFF, v5;
	p1 =	slt.u32 s16, $0x7F0  }
.Ltmp3:
0x40: {  	v0 =	vand.u32 $0x400000, v0;
	v2 =	vsel vm1, $0xFFFFFFFF, v2;
	v4 =	vsel vm1, $0xFFFFFFFF, v4;
	(pc) =	sbr.rel @p1 .LBB2_3-.Ltmp3, $4  }
0x41: {  	v0 =	vsel vm1, $0xFFC00000, v0;
	v5 =	vand.u32 $0x7F, v4;
	v6 =	vshll.u32 v2, $0xC  }
0x42: {  	s14 =	sadd.s32 $0x10, s14;
	v4 =	vshll.u32 v4, $0x3;
	v6 =	vand.u32 $0xFFFF8000, v6;
	v7 =	vor.u32 v0, v5;
	(ifvalue) =	ssetifvalue $0x7FFFFFFF  }
0x43: {  	v2 =	vshll.u32 v2, $0x7;
	v4 =	vand.u32 $0xFFFFFC00, v4;
	v5 =	vadd.s32 v6, v7;
	[tilespmem:s14], [sflag:$0x1] =	stream.indirect_vreg.gather [hbm4b:s2+s10], $0x1, v1, vm0, $0x4038;
	[tilespmem:$0x2000] =	vst v63  }
0x44: {  	s17 =	sadd.s32 $0x10, s17;
	vm1 =	veq.s32 v3, $0x80000000;
	v1 =	vand.u32 $0x380, v2;
	v0 =	vmovc v3;
	v2 =	vadd.s32 v4, v5  }
.Ltmp4:
0x45: {  	_ = 	snop;
	(pc) =	sbr.rel .LBB2_4-.Ltmp4, $1  }
0x46: {  	_ =	sdelay $0x3  }
.LBB2_6:
0x47: {  	_ =	sfence.sel $0x180000  }
0x48: {  	s2 =	simm.s32 $0x2;
	[bflag:$0x0] =	sbarrier.arrive $0xFFFF  }
0x49: {  	s30 =	simm.s32 $0x3;
	[sflag:s2] =	ssyncpa.u1 $0x1  }
0x4a: {  	s31 =	simm.s32 $0x1;
	[sflag:s30] =	ssyncpa.u1 $0x1  }
0x4b: {  	[sflag:s31] =	ssyncpa.u1 $0x1  }
0x4c: {  	p0 =	sne.s32 s1, $0x0;
	_ =	strace $0x90000059  }
0x4d: {  	s0 =	sadd.s32 @!p0 $0x100000, s0;
	[bflag:$0x2] =	sbarrier.arrive $0xFFFF  }
0x4e: {  	[sflag:s0] =	ssyncadd.tile.s32 @!p0 $0x1;
	_ =	shalt  }
.Lfunc_end2:
_tile_overlayer_lowered:
.L_overlay_start_2:
0x4f: {  	(tag) =	ssettag $0x2  }
0x50: {  	s0 =	rddreg [dreg:$0x0];
	s2 =	stileid.u32  }
0x51: {  	s1 =	rddreg [dreg:$0x1];
	p0 =	sne.s32 s2, $0x0  }
0x52: {  	s3 =	rddreg [dreg:$0x2];
	[bflag:$0x3] =	sbarrier.arrive $0xFFFF;
	s2 =	simm.s32 @!p0 $0x1C01  }
0x53: {  	[timem:s3], [sflag:s2] =	dma.local @!p0 [hbm:s0], s1  }
0x54: {  	s0 =	simm.s32 @!p0 $0x1  }
0x55: {  	_ =	swait.ge @!p0 [sflag:s0], s1  }
0x56: {  	s1 =	ssub.s32 @!p0 $0x0, s1;
	[sflag:s0] =	ssyncset.done @!p0 $0x0  }
0x57: {  	[sflag:s0] =	ssyncadd.s32 @!p0 s1  }
0x58: {  	[bflag:$0x3] =	sbarrier.arrive $0xFFFF  }
0x59: {  	_ =	shalt  }

// kernel: gather_offload_async_start.4
scs
__scs_entry_jumppad:
0x0: {  	(pc) =	sbr.rel $0x88, $3  }
0x1: {  	(tag) =	ssettag $0x0;
	lr =	simm.s32 $0x1  }
0x2: {  	[smem:$0x3F64] =	sst lr;
	_ =	strace $0xD0000000  }
0x3: {  	_ = 	snop  }
0x4: {  	_ = 	snop  }
0x5: {  	_ = 	snop  }
0x6: {  	_ = 	snop  }
0x7: {  	_ = 	snop  }
__scs_overlays_trampoline_lowered:
0x8: {  	[smem:$0x3F73] =	sst s0  }
0x9: {  	[smem:$0x3F74] =	sst s1  }
0xa: {  	[smem:$0x3F75] =	sst s2  }
0xb: {  	[smem:$0x3F76] =	sst s3  }
0xc: {  	[smem:$0x3F77] =	sst s4  }
0xd: {  	[smem:$0x3F78] =	sst s5  }
0xe: {  	[smem:$0x3F79] =	sst s6  }
0xf: {  	[smem:$0x3F7A] =	sst s7  }
0x10: {  	[smem:$0x3F7B] =	sst s8  }
0x11: {  	[smem:$0x3F7C] =	sst s9;
	s0 =	simm.s32 @!p0 $0x0  }
0x12: {  	s1 =	sld [smem:$0x3F62];
	s0 =	simm.s32 @p0 $0x1  }
0x13: {  	[smem:$0x3F7D] =	sst s0;
	s0 =	simm.s32 @!p1 $0x0  }
0x14: {  	s2 =	sld [smem:$0x3F61];
	s0 =	simm.s32 @p1 $0x1  }
0x15: {  	[smem:$0x3F7E] =	sst s0;
	s0 =	simm.s32 @!p2 $0x0  }
0x16: {  	s3 =	sld [smem:$0x3FDB];
	s0 =	simm.s32 @p2 $0x1  }
0x17: {  	s4 =	simm.s32 $0x1BF5;
	[smem:$0x3F80] =	sst s0  }
0x18: {  	s0 =	sld [smem:$0x3F63];
	_ =	swait.ge [sflag:s4], $0x0  }
0x19: {  	s7 =	sld [smem:$0x3F64]  }
0x1a: {  	s8 =	sadd.s32 $0xFFFFE003, lr  }
0x1b: {  	s9 =	sadd.s32 $0xFFFFFEF7, lr;
	s5 =	simm.s32 $0xFFFFFFFF;
	p2 =	slt.u32 s8, $0xFFFFF086  }
0x1c: {  	p1 =	slt.u32 s9, $0xF7A;
	s5 =	simm.s32 @!p2 $0x0  }
0x1d: {  	s5 =	simm.s32 @p1 $0x1;
	p0 =	seq.s32 s7, s2  }
0x1e: {  	s7 =	smul.u32 @!p0 $0xF7A, s2;
	p2 =	seq.s32 @!p0 s5, $0x0  }
0x1f: {  	s9 =	smul.u32 $0xF7A, s1;
	s8 =	simm.s32 @!p0 $0x1BF5;
	p2 =	por !p2, p0  }
0x20: {  	[sflag:s8] =	ssyncset.s32 @!p0 $0xFFFFF086;
	s6 =	sadd.s32 @!p0 s3, s7;
	s7 =	simm.s32 @!p0 $0x108  }
0x21: {  	s3 =	sadd.s32 s3, s9;
	s6 =	sadd.s32 @!p0 $0x88, s6;
	s7 =	simm.s32 @p2 $0x1082  }
0x22: {  	[simem:s7], [sflag:s8] =	dma.local @!p0 [hbm:s6], $0xF7A  }
0x23: {  	s9 =	sor.u32 $0xD0000000, s2;
	s6 =	simm.s32 $0x108;
	_ =	swait.ge @!p0 [sflag:s8], $0x0  }
0x24: {  	s3 =	sadd.s32 $0x88, s3;
	s6 =	simm.s32 @!p1 $0x1082;
	[sflag:s4] =	ssyncset.s32 $0xFFFFF086  }
0x25: {  	[simem:s6], [sflag:s4] =	dma.local [hbm:s3], $0xF7A  }
0x26: {  	[smem:$0x3F64] =	sst s1;
	(tag) =	ssettag s2;
	_ =	strace s9  }
0x27: {  	s1 =	sld [smem:$0x3F74]  }
0x28: {  	s2 =	sld [smem:$0x3F75]  }
0x29: {  	s4 =	sld [smem:$0x3F77]  }
0x2a: {  	p0 =	seq.s32 s5, $0x0;
	s5 =	sld [smem:$0x3F78]  }
0x2b: {  	s6 =	sld [smem:$0x3F79]  }
0x2c: {  	s7 =	sld [smem:$0x3F7A]  }
0x2d: {  	s3 =	simm.s32 $0x108;
	s8 =	sld [smem:$0x3F7B]  }
0x2e: {  	s3 =	simm.s32 @!p0 $0x1082;
	s9 =	sld [smem:$0x3F7C]  }
0x2f: {  	lr =	sadd.s32 s0, s3;
	s0 =	sld [smem:$0x3F73]  }
0x30: {  	s3 =	sld [smem:$0x3F76]  }
0x31: {  	[smem:$0x3F7F] =	sst s10  }
0x32: {  	s10 =	sld [smem:$0x3F7D];
	_ =	sdelay $0x3  }
0x33: {  	p0 =	seq.s32 s10, $0x1;
	s10 =	sld [smem:$0x3F7F];
	_ =	sdelay $0x3  }
0x34: {  	[smem:$0x3F7F] =	sst s10  }
0x35: {  	s10 =	sld [smem:$0x3F7E];
	_ =	sdelay $0x3  }
0x36: {  	p1 =	seq.s32 s10, $0x1;
	s10 =	sld [smem:$0x3F7F];
	_ =	sdelay $0x3  }
0x37: {  	[smem:$0x3F7F] =	sst s10  }
0x38: {  	s10 =	sld [smem:$0x3F80]  }
0x39: {  	_ = 	snop;
	(pc) =	sbr.ind lr, $3  }
0x3a: {  	_ = 	snop  }
0x3b: {  	_ = 	snop  }
0x3c: {  	p2 =	seq.s32 s10, $0x1;
	s10 =	sld [smem:$0x3F7F]  }
0x3d: {  	_ =	shalt  }
0x3e: {  	_ =	shalt  }
0x3f: {  	_ =	shalt  }
0x40: {  	_ =	shalt  }
0x41: {  	_ =	shalt  }
0x42: {  	_ =	shalt  }
0x43: {  	_ =	shalt  }
0x44: {  	_ =	shalt  }
0x45: {  	_ =	shalt  }
0x46: {  	_ =	shalt  }
0x47: {  	_ =	shalt  }
0x48: {  	_ =	shalt  }
0x49: {  	_ =	shalt  }
0x4a: {  	_ =	shalt  }
0x4b: {  	_ =	shalt  }
0x4c: {  	_ =	shalt  }
0x4d: {  	_ =	shalt  }
0x4e: {  	_ =	shalt  }
0x4f: {  	_ =	shalt  }
0x50: {  	_ =	shalt  }
0x51: {  	_ =	shalt  }
0x52: {  	_ =	shalt  }
0x53: {  	_ =	shalt  }
0x54: {  	_ =	shalt  }
0x55: {  	_ =	shalt  }
0x56: {  	_ =	shalt  }
0x57: {  	_ =	shalt  }
0x58: {  	_ =	shalt  }
0x59: {  	_ =	shalt  }
0x5a: {  	_ =	shalt  }
0x5b: {  	_ =	shalt  }
0x5c: {  	_ =	shalt  }
0x5d: {  	_ =	shalt  }
0x5e: {  	_ =	shalt  }
0x5f: {  	_ =	shalt  }
0x60: {  	_ =	shalt  }
0x61: {  	_ =	shalt  }
0x62: {  	_ =	shalt  }
0x63: {  	_ =	shalt  }
0x64: {  	_ =	shalt  }
0x65: {  	_ =	shalt  }
0x66: {  	_ =	shalt  }
0x67: {  	_ =	shalt  }
0x68: {  	_ =	shalt  }
0x69: {  	_ =	shalt  }
0x6a: {  	_ =	shalt  }
0x6b: {  	_ =	shalt  }
0x6c: {  	_ =	shalt  }
0x6d: {  	_ =	shalt  }
0x6e: {  	_ =	shalt  }
0x6f: {  	_ =	shalt  }
0x70: {  	_ =	shalt  }
0x71: {  	_ =	shalt  }
0x72: {  	_ =	shalt  }
0x73: {  	_ =	shalt  }
0x74: {  	_ =	shalt  }
0x75: {  	_ =	shalt  }
0x76: {  	_ =	shalt  }
0x77: {  	_ =	shalt  }
0x78: {  	_ =	shalt  }
0x79: {  	_ =	shalt  }
0x7a: {  	_ =	shalt  }
0x7b: {  	_ =	shalt  }
0x7c: {  	_ =	shalt  }
0x7d: {  	_ =	shalt  }
0x7e: {  	_ =	shalt  }
0x7f: {  	_ =	shalt  }
0x80: {  	_ =	shalt  }
0x81: {  	_ =	shalt  }
0x82: {  	_ =	shalt  }
0x83: {  	_ =	shalt  }
0x84: {  	_ =	shalt  }
0x85: {  	_ =	shalt  }
0x86: {  	_ =	shalt  }
0x87: {  	_ =	shalt  }
.Lfunc_end0:
.L_simem_size_0:
called_computation.10_lowered:
.L_overlay_start_0:
0x88: {  	s2 =	sld [smem:$0x3FD9]  }
0x89: {  	s3 =	sld [smem:$0x3FFE];
	_ =	sdelay $0x1  }
0x8a: {  	s1 =	srdreg.scid  }
0x8b: {  	s0 =	sand.u32 $0x1, s1  }
0x8c: {  	s17 =	sshll.u32 s0, $0xA;
	s2 =	sadd.s32 s3, s2  }
0x8d: {  	s2 =	sadd.s32 s2, s17  }
0x8e: {  	[smem:$0x3F8B] =	sst s2  }
0x8f: {  	_ = 	snop  }
0x90: {  	s2 =	sld [smem:$0x3FD0];
	(tm) =	ssettm $0x1  }
0x91: {  	s18 =	sld [smem:$0x3FFB];
	_ =	sdelay $0x3  }
0x92: {  	_ =	strace s18  }
0x93: {  	s3 =	sld [smem:$0x3FFC];
	_ =	sdelay $0x3  }
0x94: {  	_ =	strace s3  }
0x95: {  	s3 =	sld [smem:$0x3FFD];
	_ =	sdelay $0x3  }
0x96: {  	_ =	strace s3  }
0x97: {  	_ =	strace $0x8FFFFFFF  }
0x98: {  	s19 =	sld [smem:$0x3FDB];
	_ =	sdelay $0x1  }
0x99: {  	s4 =	simm.s32 $_scs_section_size  }
0x9a: {  	s5 =	simm.s32 $_size__tile_overlayer_lowered;
	s6 =	simm.s32 $_tile_overlayer_lowered  }
0x9b: {  	s22 =	simm.s32 $0x1BFF;
	s21 =	sshll.u32 s6, $0x1;
	s3 =	sadd.s32 s4, s19  }
0x9c: {  	s7 =	simm.s32 $0x0;
	s20 =	sshll.u32 s5, $0x1;
	s5 =	sadd.s32 s21, s3  }
0x9d: {  	[timem:s7], [sflag:s22] =	dma.local [hbm:s5], s20  }
0x9e: {  	_ =	swait.ge [sflag:s22], s20  }
0x9f: {  	s4 =	ssub.s32 $0x0, s20;
	[sflag:s22] =	ssyncset.done $0x0  }
0xa0: {  	[sflag:s22] =	ssyncadd.s32 s4;
	_ =	sdelay $0x1  }
0xa1: {  	s23 =	simm.s32 $0x1B8B  }
0xa2: {  	_ =	swait.ge [sflag:s23], $0x1  }
0xa3: {  	[sflag:s23] =	ssyncset.done $0x0  }
0xa4: {  	s25 =	simm.s32 $0x1B8E;
	s24 =	sld [smem:$0x3FFE];
	[sflag:s23] =	ssyncadd.s32 $0xFFFFFFFF  }
0xa5: {  	s26 =	simm.s32 $execute0_lowered;
	[smem:$0x3FD2] =	sst s25  }
0xa6: {  	s5 =	sshll.u32 s26, $0x1;
	_ =	strace $0x80000052;
	[dreg:$0x1] =	wrdreg $0xFFFFFFFF  }
0xa7: {  	s28 =	simm.s32 $_size_execute0_lowered;
	s3 =	sadd.s32 s3, s5;
	[dreg:$0x0] =	wrdreg $0x0  }
0xa8: {  	s5 =	sshll.u32 s28, $0x1;
	[dreg:$0x2] =	wrdreg s3  }
0xa9: {  	[dreg:$0x3] =	wrdreg s5  }
0xaa: {  	[dreg:$0x4] =	wrdreg $0xC0  }
0xab: {  	_ =	task [dreg:s7], $0x5FFFF  }
0xac: {  	[dreg:$0x1] =	wrdreg $0xFFFFFFFF  }
0xad: {  	[dreg:$0x0] =	wrdreg $0x60  }
0xae: {  	[dreg:$0x2] =	wrdreg s2  }
0xaf: {  	[dreg:$0x3] =	wrdreg s24  }
0xb0: {  	[dreg:$0x4] =	wrdreg $0xC  }
0xb1: {  	_ =	task.clear_ibuf [dreg:s7], $0x5FFFF;
	_ =	strace $0x90000052  }
0xb2: {  	s29 =	simm.s32 $0xC;
	_ =	strace $0x80000054  }
0xb3: {  	_ =	swait.ge [sflag:s29], $0x1  }
0xb4: {  	[sflag:s29] =	ssyncadd.s32 $0xFFFFFFFF  }
0xb5: {  	_ =	strace $0x90000054  }
0xb6: {  	_ =	sfence  }
0xb7: {  	s30 =	sld [smem:$0x0];
	_ =	sdelay $0x2  }
0xb8: {  	s31 =	sshll.u32 s1, $0xD;
	s1 =	sshrl.u32 s1, $0x2  }
0xb9: {  	s3 =	sand.u32 $0x4000, s31;
	s1 =	sadd.s32 s1, s30  }
0xba: {  	s0 =	sor.u32 s3, s0;
	s1 =	sshll.u32 s1, $0x11  }
0xbb: {  	s0 =	sor.u32 s1, s0  }
0xbc: {  	s0 =	sadd.s32 $0x8F2B, s0  }
0xbd: {  	[sflag:s0] =	ssyncadd.remote.s32 $0x1  }
0xbe: {  	_ =	sfence.sel $0xFFFF  }
0xbf: {  	[dreg:$0x0] =	wrdreg $0xFFFFFFFF;
	(pc) =	sbr.abs _section_cstart, $3  }
0xc0: {  	[dreg:$0x1] =	wrdreg $0xFFFFFFFF  }
0xc1: {  	_ =	task.clear_ibuf [dreg:s7], $0x2FFFF;
	_ =	strace $0x9FFFFFFF  }
0xc2: {  	(tm) =	ssettm $0x7FFFFFFF  }
0xc3: {  	_ =	shalt  }
tec
execute0_lowered:
.L_overlay_start_1:
0x0: {  	(tag) =	ssettag $0x1  }
0x1: {  	s2 =	rddreg [dreg:$0x0];
	s0 =	srdreg.scid  }
0x2: {  	s5 =	rddreg [dreg:$0x1];
	s1 =	stileid.u32;
	s6 =	simm.s32 $0x1  }
0x3: {  	s9 =	simm.s32 $0x1;
	s10 =	simm.s32 $0x3;
	s3 =	sshll.u32 s0, $0xB  }
0x4: {  	s13 =	simm.s32 $0x0;
	s4 =	sshll.u32 s1, $0xC;
	s3 =	sand.u32 $0x800, s3  }
0x5: {  	s0 =	rddreg [dreg:$0x2];
	_ =	strace $0x80000053;
	s3 =	sor.u32 s4, s3  }
0x6: {  	s12 =	simm.s32 $0x0;
	[sflag:s6] =	ssyncpa.u1 $0x0;
	s8 =	ssub.s32 $0x20000, s3  }
.Ltmp0:
0x7: {  	s4 =	sadd.s32 $0xCD7A00, s5;
	s7 =	sand.u32 $0xF800, s8;
	(pc) =	sbr.rel .LBB2_1-.Ltmp0, $4  }
0x8: {  	s5 =	sadd.s32 $0xCDFA00, s5;
	s11 =	smov.u32 s3;
	p0 =	sne.s32 s7, $0x0  }
0x9: {  	s8 =	sshrl.u32 s8, $0x10;
	s7 =	simm.s32 $0x2;
	s9 =	simm.s32 @!p0 $0x0  }
0xa: {  	[sflag:s7] =	ssyncpa.u1 $0x0;
	p0 =	por $0x0, $0x0;
	s8 =	sadd.s32 s9, s8  }
0xb: {  	vm0 =	vmmov $0xffff;
	[sflag:s10] =	ssyncpa.u1 $0x0;
	s10 =	simm.s32 $0x0;
	s9 =	sadd.s32 $0x1, s8  }
.LBB2_4:
0xc: {  	v3 =	vshrl.u32 v0, $0x1;
	v4 =	vshrl.u32 v0, $0xA;
	v1 =	vor.u32 v1, v2  }
0xd: {  	v62 =	vshll.u32 v0, $0x13;
	v60 =	vand.u32 $0x1FF, v3;
	v61 =	vand.u32 $0x3FF, v4  }
0xe: {  	v0 =	vand.u32 $0x80000, v62;
	v2 =	vsel vm1, $0xFFFFFFFF, v60;
	v3 =	vsel vm1, $0xFFFFFFFF, v61  }
0xf: {  	v0 =	vsel vm1, $0xFFF80000, v0;
	v63 =	vand.u32 $0x7F, v3;
	v5 =	vshll.u32 v2, $0xA  }
0x10: {  	v3 =	vshll.u32 v3, $0x3;
	v5 =	vand.u32 $0xFFFFE000, v5;
	v0 =	vor.u32 v0, v63  }
0x11: {  	v2 =	vshll.u32 v2, $0x7;
	v3 =	vand.u32 $0xFFFFFC00, v3;
	v0 =	vadd.s32 v5, v0  }
0x12: {  	v2 =	vand.u32 $0x380, v2;
	v0 =	vadd.s32 v3, v0  }
0x13: {  	v0 =	vor.u32 v2, v0;
	_ =	sdelay $0x1  }
0x14: {  	(ifvalue) =	ssetifvalue $0x7FFFFFFF;
	s14 =	sadd.s32 $0x10, s14  }
0x15: {  	[tilespmem:s14], [sflag:$0x1] =	stream.indirect_vreg.gather [hbm4b:s2+s10], $0x1, v1, vm0, $0x4038;
	[tilespmem:$0x2000] =	vst v63  }
0x16: {  	(ifvalue) =	ssetifvalue $0x7FFFFFFF;
	s14 =	sadd.s32 $0x10, s14  }
0x17: {  	[tilespmem:s14], [sflag:$0x1] =	stream.indirect_vreg.gather [hbm4b:s2+s10], $0x1, v0, vm0, $0x4038;
	[tilespmem:$0x2000] =	vst v63  }
0x18: {  	_ =	swait.ge [sflag:s6], $0x800  }
0x19: {  	s30 =	sshrl.u32 s13, $0x3;
	[sflag:s6] =	ssyncset.done $0x0  }
0x1a: {  	s31 =	sand.u32 $0x7, s13;
	s14 =	sadd.s32 s5, s30;
	[sflag:s6] =	ssyncadd.s32 $0xFFFFF800  }
0x1b: {  	[hbm4b:s14+s31] =	stream.linear.scatter [tilespmem:s15], [sflag:$0x3], $0x800, $0x38;
	[tilespmem:$0x2000] =	vst v63  }
.LBB2_5:
0x1c: {  	s15 =	sadd.s32 $0x10000, s11  }
0x1d: {  	p2 =	sgt.s32 s15, $0x1FFFF  }
0x1e: {  	s15 =	smov.u32 @p2 s3;
	p2 =	sne.s32 s12, s9  }
.Ltmp1:
0x1f: {  	p1 =	slt.u32 s12, $0x2;
	(pc) =	sbr.rel @!p2 .LBB2_6-.Ltmp1, $4  }
0x20: {  	s14 =	simm.s32 @!p1 $0x3  }
0x21: {  	s16 =	sadd.s32 $0x1, s12;
	_ =	swait.ge @!p1 [sflag:s14], $0x800  }
0x22: {  	s13 =	smov.u32 s11;
	p0 =	por !p0, !p0;
	[sflag:s14] =	ssyncset.done @!p1 $0x0  }
0x23: {  	s12 =	smov.u32 s16;
	s11 =	smov.u32 s15;
	[sflag:s14] =	ssyncadd.s32 @!p1 $0xFFFFF800  }
.LBB2_1:
0x24: {  	p1 =	sge.u32 s12, s8  }
0x25: {  	s14 =	sxor.u32 @!p1 $0xFFFFFFFF, s12  }
0x26: {  	s31 =	sadd.s32 $0xFFFFFFFF, s12;
	s15 =	sshrl.u32 @!p1 s11, $0x3;
	s14 =	sshll.u32 @!p1 s14, $0xB  }
0x27: {  	s16 =	sand.u32 @!p1 $0x7, s11;
	s15 =	sadd.s32 @!p1 s4, s15;
	s14 =	sand.u32 @!p1 $0x800, s14  }
0x28: {  	[tilespmem:s14], [sflag:$0x2] =	stream.linear.gather @!p1 [hbm4b:s15+s16], $0x800, $0x38;
	[tilespmem:$0x2000] =	vst v63  }
0x29: {  	p1 =	sge.u32 s31, s8  }
.Ltmp2:
0x2a: {  	_ = 	snop;
	(pc) =	sbr.rel @p1 .LBB2_5-.Ltmp2, $1  }
0x2b: {  	_ =	sdelay $0x3  }
0x2c: {  	s14 =	simm.s32 $0x1  }
0x2d: {  	_ =	swait.ge [sflag:s7], $0x800;
	s14 =	simm.s32 @!p0 $0x0  }
0x2e: {  	[sflag:s7] =	ssyncset.done $0x0;
	s14 =	sshll.u32 s14, $0xB  }
0x2f: {  	[sflag:s7] =	ssyncadd.s32 $0xFFFFF800;
	(ifvalue) =	ssetifvalue $0x7FFFFFFF;
	v0 =	vld.msk [tilespmem:s14+$0x0 ss:$0x1], $0xffff;
	_ =	sdelay $0x4  }
0x30: {  	s15 =	sadd.s32 $0x10, s14;
	vm1 =	veq.s32 v0, $0x80000000;
	v1 =	vshrl.u32 v0, $0x1;
	v2 =	vshrl.u32 v0, $0xA  }
0x31: {  	v3 =	vld.msk [tilespmem:s15+$0x0 ss:$0x1], $0xffff;
	v0 =	vshll.u32 v0, $0x13;
	v1 =	vand.u32 $0x1FF, v1;
	v2 =	vand.u32 $0x3FF, v2  }
0x32: {  	v0 =	vand.u32 $0x80000, v0;
	v1 =	vsel vm1, $0xFFFFFFFF, v1;
	v2 =	vsel vm1, $0xFFFFFFFF, v2  }
0x33: {  	v0 =	vsel vm1, $0xFFF80000, v0;
	v4 =	vand.u32 $0x7F, v2;
	v5 =	vshll.u32 v1, $0xA  }
0x34: {  	v2 =	vshll.u32 v2, $0x3;
	v5 =	vand.u32 $0xFFFFE000, v5;
	v0 =	vor.u32 v0, v4  }
0x35: {  	v1 =	vshll.u32 v1, $0x7;
	v2 =	vand.u32 $0xFFFFFC00, v2;
	v0 =	vadd.s32 v5, v0  }
0x36: {  	v62 =	vshrl.u32 v3, $0xA;
	v1 =	vand.u32 $0x380, v1;
	v0 =	vadd.s32 v2, v0  }
0x37: {  	s17 =	sadd.s32 $0x10, s15;
	vm1 =	veq.s32 v3, $0x80000000;
	v2 =	vshrl.u32 v3, $0x1;
	v1 =	vor.u32 v1, v0  }
0x38: {  	v4 =	vand.u32 $0x3FF, v62;
	v3 =	vshll.u32 v3, $0x13;
	v0 =	vld.msk [tilespmem:s17+$0x0 ss:$0x1], $0xffff;
	v2 =	vand.u32 $0x1FF, v2  }
0x39: {  	v4 =	vsel vm1, $0xFFFFFFFF, v4;
	v3 =	vand.u32 $0x80000, v3;
	v2 =	vsel vm1, $0xFFFFFFFF, v2  }
0x3a: {  	s31 =	sshll.u32 s12, $0xB;
	v63 =	vand.u32 $0x7F, v4;
	v3 =	vsel vm1, $0xFFF80000, v3;
	v6 =	vshll.u32 v2, $0xA  }
0x3b: {  	s14 =	sor.u32 $0x1000, s14;
	s15 =	sand.u32 $0x800, s31;
	v4 =	vshll.u32 v4, $0x3;
	(ifvalue) =	ssetifvalue $0x7FFFFFFF;
	v3 =	vor.u32 v3, v63;
	v6 =	vand.u32 $0xFFFFE000, v6  }
0x3c: {  	v4 =	vand.u32 $0xFFFFFC00, v4;
	[tilespmem:s14], [sflag:$0x1] =	stream.indirect_vreg.gather [hbm4b:s2+s10], $0x1, v1, vm0, $0x4038;
	v1 =	vshll.u32 v2, $0x7;
	v2 =	vadd.s32 v6, v3;
	[tilespmem:$0x2000] =	vst v63  }
0x3d: {  	s16 =	simm.s32 $0x20;
	s15 =	sor.u32 $0x1000, s15;
	s17 =	sadd.s32 $0x10, s17;
	vm1 =	veq.s32 v0, $0x80000000;
	v1 =	vand.u32 $0x380, v1;
	v2 =	vadd.s32 v4, v2  }
.LBB2_3:
0x3e: {  	v3 =	vld.msk [tilespmem:s17+$0x0 ss:$0x1], $0xffff;
	v4 =	vshrl.u32 v0, $0x1;
	v5 =	vshrl.u32 v0, $0xA;
	v1 =	vor.u32 v1, v2;
	s16 =	sadd.s32 $0x10, s16  }
0x3f: {  	v0 =	vshll.u32 v0, $0x13;
	v2 =	vand.u32 $0x1FF, v4;
	v4 =	vand.u32 $0x3FF, v5;
	p1 =	slt.u32 s16, $0x7F0  }
.Ltmp3:
0x40: {  	v0 =	vand.u32 $0x80000, v0;
	v2 =	vsel vm1, $0xFFFFFFFF, v2;
	v4 =	vsel vm1, $0xFFFFFFFF, v4;
	(pc) =	sbr.rel @p1 .LBB2_3-.Ltmp3, $4  }
0x41: {  	v0 =	vsel vm1, $0xFFF80000, v0;
	v5 =	vand.u32 $0x7F, v4;
	v6 =	vshll.u32 v2, $0xA  }
0x42: {  	s14 =	sadd.s32 $0x10, s14;
	v4 =	vshll.u32 v4, $0x3;
	v6 =	vand.u32 $0xFFFFE000, v6;
	v7 =	vor.u32 v0, v5;
	(ifvalue) =	ssetifvalue $0x7FFFFFFF  }
0x43: {  	v2 =	vshll.u32 v2, $0x7;
	v4 =	vand.u32 $0xFFFFFC00, v4;
	v5 =	vadd.s32 v6, v7;
	[tilespmem:s14], [sflag:$0x1] =	stream.indirect_vreg.gather [hbm4b:s2+s10], $0x1, v1, vm0, $0x4038;
	[tilespmem:$0x2000] =	vst v63  }
0x44: {  	s17 =	sadd.s32 $0x10, s17;
	vm1 =	veq.s32 v3, $0x80000000;
	v1 =	vand.u32 $0x380, v2;
	v0 =	vmovc v3;
	v2 =	vadd.s32 v4, v5  }
.Ltmp4:
0x45: {  	_ = 	snop;
	(pc) =	sbr.rel .LBB2_4-.Ltmp4, $1  }
0x46: {  	_ =	sdelay $0x3  }
.LBB2_6:
0x47: {  	_ =	sfence.sel $0x180000  }
0x48: {  	s2 =	simm.s32 $0x2;
	[bflag:$0x0] =	sbarrier.arrive $0xFFFF  }
0x49: {  	s30 =	simm.s32 $0x3;
	[sflag:s2] =	ssyncpa.u1 $0x1  }
0x4a: {  	s31 =	simm.s32 $0x1;
	[sflag:s30] =	ssyncpa.u1 $0x1  }
0x4b: {  	[sflag:s31] =	ssyncpa.u1 $0x1  }
0x4c: {  	p0 =	sne.s32 s1, $0x0;
	_ =	strace $0x90000053  }
0x4d: {  	s0 =	sadd.s32 @!p0 $0x100000, s0;
	[bflag:$0x2] =	sbarrier.arrive $0xFFFF  }
0x4e: {  	[sflag:s0] =	ssyncadd.tile.s32 @!p0 $0x1;
	_ =	shalt  }
.Lfunc_end2:
_tile_overlayer_lowered:
.L_overlay_start_2:
0x4f: {  	(tag) =	ssettag $0x2  }
0x50: {  	s0 =	rddreg [dreg:$0x0];
	s2 =	stileid.u32  }
0x51: {  	s1 =	rddreg [dreg:$0x1];
	p0 =	sne.s32 s2, $0x0  }
0x52: {  	s3 =	rddreg [dreg:$0x2];
	[bflag:$0x3] =	sbarrier.arrive $0xFFFF;
	s2 =	simm.s32 @!p0 $0x1C01  }
0x53: {  	[timem:s3], [sflag:s2] =	dma.local @!p0 [hbm:s0], s1  }
0x54: {  	s0 =	simm.s32 @!p0 $0x1  }
0x55: {  	_ =	swait.ge @!p0 [sflag:s0], s1  }
0x56: {  	s1 =	ssub.s32 @!p0 $0x0, s1;
	[sflag:s0] =	ssyncset.done @!p0 $0x0  }
0x57: {  	[sflag:s0] =	ssyncadd.s32 @!p0 s1  }
0x58: {  	[bflag:$0x3] =	sbarrier.arrive $0xFFFF  }
0x59: {  	_ =	shalt  }

// kernel: gather_offload_async_start.5
scs
__scs_entry_jumppad:
0x0: {  	(pc) =	sbr.rel $0x88, $3  }
0x1: {  	(tag) =	ssettag $0x0;
	lr =	simm.s32 $0x1  }
0x2: {  	[smem:$0x3F64] =	sst lr;
	_ =	strace $0xD0000000  }
0x3: {  	_ = 	snop  }
0x4: {  	_ = 	snop  }
0x5: {  	_ = 	snop  }
0x6: {  	_ = 	snop  }
0x7: {  	_ = 	snop  }
__scs_overlays_trampoline_lowered:
0x8: {  	[smem:$0x3F73] =	sst s0  }
0x9: {  	[smem:$0x3F74] =	sst s1  }
0xa: {  	[smem:$0x3F75] =	sst s2  }
0xb: {  	[smem:$0x3F76] =	sst s3  }
0xc: {  	[smem:$0x3F77] =	sst s4  }
0xd: {  	[smem:$0x3F78] =	sst s5  }
0xe: {  	[smem:$0x3F79] =	sst s6  }
0xf: {  	[smem:$0x3F7A] =	sst s7  }
0x10: {  	[smem:$0x3F7B] =	sst s8  }
0x11: {  	[smem:$0x3F7C] =	sst s9;
	s0 =	simm.s32 @!p0 $0x0  }
0x12: {  	s1 =	sld [smem:$0x3F62];
	s0 =	simm.s32 @p0 $0x1  }
0x13: {  	[smem:$0x3F7D] =	sst s0;
	s0 =	simm.s32 @!p1 $0x0  }
0x14: {  	s2 =	sld [smem:$0x3F61];
	s0 =	simm.s32 @p1 $0x1  }
0x15: {  	[smem:$0x3F7E] =	sst s0;
	s0 =	simm.s32 @!p2 $0x0  }
0x16: {  	s3 =	sld [smem:$0x3FDB];
	s0 =	simm.s32 @p2 $0x1  }
0x17: {  	s4 =	simm.s32 $0x1BF5;
	[smem:$0x3F80] =	sst s0  }
0x18: {  	s0 =	sld [smem:$0x3F63];
	_ =	swait.ge [sflag:s4], $0x0  }
0x19: {  	s7 =	sld [smem:$0x3F64]  }
0x1a: {  	s8 =	sadd.s32 $0xFFFFE003, lr  }
0x1b: {  	s9 =	sadd.s32 $0xFFFFFEF7, lr;
	s5 =	simm.s32 $0xFFFFFFFF;
	p2 =	slt.u32 s8, $0xFFFFF086  }
0x1c: {  	p1 =	slt.u32 s9, $0xF7A;
	s5 =	simm.s32 @!p2 $0x0  }
0x1d: {  	s5 =	simm.s32 @p1 $0x1;
	p0 =	seq.s32 s7, s2  }
0x1e: {  	s7 =	smul.u32 @!p0 $0xF7A, s2;
	p2 =	seq.s32 @!p0 s5, $0x0  }
0x1f: {  	s9 =	smul.u32 $0xF7A, s1;
	s8 =	simm.s32 @!p0 $0x1BF5;
	p2 =	por !p2, p0  }
0x20: {  	[sflag:s8] =	ssyncset.s32 @!p0 $0xFFFFF086;
	s6 =	sadd.s32 @!p0 s3, s7;
	s7 =	simm.s32 @!p0 $0x108  }
0x21: {  	s3 =	sadd.s32 s3, s9;
	s6 =	sadd.s32 @!p0 $0x88, s6;
	s7 =	simm.s32 @p2 $0x1082  }
0x22: {  	[simem:s7], [sflag:s8] =	dma.local @!p0 [hbm:s6], $0xF7A  }
0x23: {  	s9 =	sor.u32 $0xD0000000, s2;
	s6 =	simm.s32 $0x108;
	_ =	swait.ge @!p0 [sflag:s8], $0x0  }
0x24: {  	s3 =	sadd.s32 $0x88, s3;
	s6 =	simm.s32 @!p1 $0x1082;
	[sflag:s4] =	ssyncset.s32 $0xFFFFF086  }
0x25: {  	[simem:s6], [sflag:s4] =	dma.local [hbm:s3], $0xF7A  }
0x26: {  	[smem:$0x3F64] =	sst s1;
	(tag) =	ssettag s2;
	_ =	strace s9  }
0x27: {  	s1 =	sld [smem:$0x3F74]  }
0x28: {  	s2 =	sld [smem:$0x3F75]  }
0x29: {  	s4 =	sld [smem:$0x3F77]  }
0x2a: {  	p0 =	seq.s32 s5, $0x0;
	s5 =	sld [smem:$0x3F78]  }
0x2b: {  	s6 =	sld [smem:$0x3F79]  }
0x2c: {  	s7 =	sld [smem:$0x3F7A]  }
0x2d: {  	s3 =	simm.s32 $0x108;
	s8 =	sld [smem:$0x3F7B]  }
0x2e: {  	s3 =	simm.s32 @!p0 $0x1082;
	s9 =	sld [smem:$0x3F7C]  }
0x2f: {  	lr =	sadd.s32 s0, s3;
	s0 =	sld [smem:$0x3F73]  }
0x30: {  	s3 =	sld [smem:$0x3F76]  }
0x31: {  	[smem:$0x3F7F] =	sst s10  }
0x32: {  	s10 =	sld [smem:$0x3F7D];
	_ =	sdelay $0x3  }
0x33: {  	p0 =	seq.s32 s10, $0x1;
	s10 =	sld [smem:$0x3F7F];
	_ =	sdelay $0x3  }
0x34: {  	[smem:$0x3F7F] =	sst s10  }
0x35: {  	s10 =	sld [smem:$0x3F7E];
	_ =	sdelay $0x3  }
0x36: {  	p1 =	seq.s32 s10, $0x1;
	s10 =	sld [smem:$0x3F7F];
	_ =	sdelay $0x3  }
0x37: {  	[smem:$0x3F7F] =	sst s10  }
0x38: {  	s10 =	sld [smem:$0x3F80]  }
0x39: {  	_ = 	snop;
	(pc) =	sbr.ind lr, $3  }
0x3a: {  	_ = 	snop  }
0x3b: {  	_ = 	snop  }
0x3c: {  	p2 =	seq.s32 s10, $0x1;
	s10 =	sld [smem:$0x3F7F]  }
0x3d: {  	_ =	shalt  }
0x3e: {  	_ =	shalt  }
0x3f: {  	_ =	shalt  }
0x40: {  	_ =	shalt  }
0x41: {  	_ =	shalt  }
0x42: {  	_ =	shalt  }
0x43: {  	_ =	shalt  }
0x44: {  	_ =	shalt  }
0x45: {  	_ =	shalt  }
0x46: {  	_ =	shalt  }
0x47: {  	_ =	shalt  }
0x48: {  	_ =	shalt  }
0x49: {  	_ =	shalt  }
0x4a: {  	_ =	shalt  }
0x4b: {  	_ =	shalt  }
0x4c: {  	_ =	shalt  }
0x4d: {  	_ =	shalt  }
0x4e: {  	_ =	shalt  }
0x4f: {  	_ =	shalt  }
0x50: {  	_ =	shalt  }
0x51: {  	_ =	shalt  }
0x52: {  	_ =	shalt  }
0x53: {  	_ =	shalt  }
0x54: {  	_ =	shalt  }
0x55: {  	_ =	shalt  }
0x56: {  	_ =	shalt  }
0x57: {  	_ =	shalt  }
0x58: {  	_ =	shalt  }
0x59: {  	_ =	shalt  }
0x5a: {  	_ =	shalt  }
0x5b: {  	_ =	shalt  }
0x5c: {  	_ =	shalt  }
0x5d: {  	_ =	shalt  }
0x5e: {  	_ =	shalt  }
0x5f: {  	_ =	shalt  }
0x60: {  	_ =	shalt  }
0x61: {  	_ =	shalt  }
0x62: {  	_ =	shalt  }
0x63: {  	_ =	shalt  }
0x64: {  	_ =	shalt  }
0x65: {  	_ =	shalt  }
0x66: {  	_ =	shalt  }
0x67: {  	_ =	shalt  }
0x68: {  	_ =	shalt  }
0x69: {  	_ =	shalt  }
0x6a: {  	_ =	shalt  }
0x6b: {  	_ =	shalt  }
0x6c: {  	_ =	shalt  }
0x6d: {  	_ =	shalt  }
0x6e: {  	_ =	shalt  }
0x6f: {  	_ =	shalt  }
0x70: {  	_ =	shalt  }
0x71: {  	_ =	shalt  }
0x72: {  	_ =	shalt  }
0x73: {  	_ =	shalt  }
0x74: {  	_ =	shalt  }
0x75: {  	_ =	shalt  }
0x76: {  	_ =	shalt  }
0x77: {  	_ =	shalt  }
0x78: {  	_ =	shalt  }
0x79: {  	_ =	shalt  }
0x7a: {  	_ =	shalt  }
0x7b: {  	_ =	shalt  }
0x7c: {  	_ =	shalt  }
0x7d: {  	_ =	shalt  }
0x7e: {  	_ =	shalt  }
0x7f: {  	_ =	shalt  }
0x80: {  	_ =	shalt  }
0x81: {  	_ =	shalt  }
0x82: {  	_ =	shalt  }
0x83: {  	_ =	shalt  }
0x84: {  	_ =	shalt  }
0x85: {  	_ =	shalt  }
0x86: {  	_ =	shalt  }
0x87: {  	_ =	shalt  }
.Lfunc_end0:
.L_simem_size_0:
called_computation.11_lowered:
.L_overlay_start_0:
0x88: {  	s2 =	sld [smem:$0x3FD9]  }
0x89: {  	s3 =	sld [smem:$0x3FFE];
	_ =	sdelay $0x1  }
0x8a: {  	s1 =	srdreg.scid  }
0x8b: {  	s0 =	sand.u32 $0x1, s1  }
0x8c: {  	s17 =	sshll.u32 s0, $0xA;
	s2 =	sadd.s32 s3, s2  }
0x8d: {  	s2 =	sadd.s32 s2, s17  }
0x8e: {  	[smem:$0x3F8B] =	sst s2  }
0x8f: {  	_ = 	snop  }
0x90: {  	(tm) =	ssettm $0x1  }
0x91: {  	s18 =	sld [smem:$0x3FFB];
	_ =	sdelay $0x3  }
0x92: {  	_ =	strace s18  }
0x93: {  	s2 =	sld [smem:$0x3FFC];
	_ =	sdelay $0x3  }
0x94: {  	_ =	strace s2  }
0x95: {  	s2 =	sld [smem:$0x3FFD];
	_ =	sdelay $0x3  }
0x96: {  	_ =	strace s2  }
0x97: {  	_ =	strace $0x8FFFFFFF  }
0x98: {  	s19 =	sld [smem:$0x3FDB];
	_ =	sdelay $0x1  }
0x99: {  	s20 =	simm.s32 $_scs_section_size  }
0x9a: {  	s4 =	simm.s32 $_size__tile_overlayer_lowered;
	s5 =	simm.s32 $_tile_overlayer_lowered  }
0x9b: {  	s6 =	simm.s32 $0x1BFF;
	s21 =	sshll.u32 s5, $0x1;
	s3 =	sadd.s32 s20, s19  }
0x9c: {  	s22 =	simm.s32 $0x0;
	s4 =	sshll.u32 s4, $0x1;
	s5 =	sadd.s32 s21, s3  }
0x9d: {  	[timem:s22], [sflag:s6] =	dma.local [hbm:s5], s4  }
0x9e: {  	_ =	swait.ge [sflag:s6], s4  }
0x9f: {  	s4 =	ssub.s32 $0x0, s4;
	[sflag:s6] =	ssyncset.done $0x0  }
0xa0: {  	[sflag:s6] =	ssyncadd.s32 s4;
	_ =	sdelay $0x1  }
0xa1: {  	s23 =	simm.s32 $0x1B8B  }
0xa2: {  	_ =	swait.ge [sflag:s23], $0x1  }
0xa3: {  	[sflag:s23] =	ssyncset.done $0x0  }
0xa4: {  	[sflag:s23] =	ssyncadd.s32 $0xFFFFFFFF  }
0xa5: {  	s4 =	sld [smem:$0x0]  }
0xa6: {  	s5 =	sand.u32 $0xFFFFFFFE, s1  }
0xa7: {  	p0 =	sne.s32 s1, s5  }
0xa8: {  	s5 =	sshll.u32 @p0 s5, $0xE  }
0xa9: {  	s5 =	sadd.s32 @p0 $0x11B8D, s5;
	s6 =	sshll.u32 @p0 s4, $0x11  }
0xaa: {  	s5 =	sor.u32 @p0 s6, s5  }
0xab: {  	[sflag:s5] =	ssyncadd.remote.s32 @p0 $0x1;
	_ =	sdelay $0x1  }
0xac: {  	s5 =	simm.s32 @p0 $0x1B8D  }
0xad: {  	_ =	swait.eq @p0 [sflag:s5], $0x1  }
0xae: {  	[sflag:s5] =	ssyncadd.s32 @p0 $0xFFFFFFFF  }
0xaf: {  	s6 =	sshll.u32 @!p0 s1, $0xE  }
0xb0: {  	s6 =	sor.u32 @!p0 $0x4000, s6;
	s5 =	simm.s32 @!p0 $0x1B8D  }
0xb1: {  	s4 =	sshll.u32 @!p0 s4, $0x11;
	s6 =	sadd.s32 @!p0 $0x11B8D, s6;
	_ =	swait.eq @!p0 [sflag:s5], $0x1  }
0xb2: {  	s4 =	sor.u32 @!p0 s4, s6;
	[sflag:s5] =	ssyncadd.s32 @!p0 $0xFFFFFFFF  }
0xb3: {  	s25 =	simm.s32 $0x1B8E;
	s24 =	sld [smem:$0x3FFE];
	[sflag:s4] =	ssyncadd.remote.s32 @!p0 $0x1  }
0xb4: {  	s26 =	simm.s32 $execute0_lowered;
	[smem:$0x3FD2] =	sst s25  }
0xb5: {  	s5 =	sshll.u32 s26, $0x1;
	_ =	strace $0x80000055;
	[dreg:$0x1] =	wrdreg $0xFFFFFFFF  }
0xb6: {  	s28 =	simm.s32 $_size_execute0_lowered;
	s3 =	sadd.s32 s3, s5;
	[dreg:$0x0] =	wrdreg $0x0  }
0xb7: {  	s5 =	sshll.u32 s28, $0x1;
	[dreg:$0x2] =	wrdreg s3  }
0xb8: {  	[dreg:$0x3] =	wrdreg s5  }
0xb9: {  	[dreg:$0x4] =	wrdreg $0xC0  }
0xba: {  	_ =	task [dreg:s22], $0x5FFFF  }
0xbb: {  	[dreg:$0x1] =	wrdreg $0xFFFFFFFF  }
0xbc: {  	[dreg:$0x0] =	wrdreg $0x60  }
0xbd: {  	[dreg:$0x2] =	wrdreg s24  }
0xbe: {  	[dreg:$0x3] =	wrdreg $0xD  }
0xbf: {  	_ =	task.clear_ibuf [dreg:s22], $0x4FFFF;
	_ =	strace $0x90000055  }
0xc0: {  	s29 =	simm.s32 $0xD;
	_ =	strace $0x80000057  }
0xc1: {  	_ =	swait.ge [sflag:s29], $0x1  }
0xc2: {  	[sflag:s29] =	ssyncadd.s32 $0xFFFFFFFF  }
0xc3: {  	_ =	strace $0x90000057  }
0xc4: {  	_ =	sfence  }
0xc5: {  	s30 =	sld [smem:$0x0];
	_ =	sdelay $0x2  }
0xc6: {  	s31 =	sshll.u32 s1, $0xD;
	s1 =	sshrl.u32 s1, $0x2  }
0xc7: {  	s4 =	sand.u32 $0x4000, s31;
	s1 =	sadd.s32 s1, s30  }
0xc8: {  	s0 =	sor.u32 s4, s0;
	s1 =	sshll.u32 s1, $0x11  }
0xc9: {  	s0 =	sor.u32 s1, s0  }
0xca: {  	s0 =	sadd.s32 $0x8F2B, s0  }
0xcb: {  	[sflag:s0] =	ssyncadd.remote.s32 $0x1  }
0xcc: {  	_ =	sfence.sel $0xFFFF  }
0xcd: {  	[dreg:$0x0] =	wrdreg $0xFFFFFFFF;
	(pc) =	sbr.abs _section_cstart, $3  }
0xce: {  	[dreg:$0x1] =	wrdreg $0xFFFFFFFF  }
0xcf: {  	_ =	task.clear_ibuf [dreg:s22], $0x2FFFF;
	_ =	strace $0x9FFFFFFF  }
0xd0: {  	(tm) =	ssettm $0x7FFFFFFF  }
0xd1: {  	_ =	shalt  }
tec
execute0_lowered:
.L_overlay_start_1:
0x0: {  	(tag) =	ssettag $0x1  }
0x1: {  	s0 =	srdreg.scid;
	s5 =	rddreg [dreg:$0x0]  }
0x2: {  	s1 =	stileid.u32;
	s6 =	simm.s32 $0x1;
	s9 =	simm.s32 $0x1  }
0x3: {  	s10 =	simm.s32 $0x3;
	s13 =	simm.s32 $0x0;
	s2 =	sshll.u32 s0, $0x7  }
0x4: {  	s12 =	simm.s32 $0x0;
	s3 =	sshll.u32 s1, $0x8;
	s2 =	sand.u32 $0x80, s2  }
0x5: {  	s0 =	rddreg [dreg:$0x1];
	_ =	strace $0x80000056;
	s2 =	sor.u32 s3, s2  }
0x6: {  	s4 =	sadd.s32 $0x62000, s5;
	[sflag:s6] =	ssyncpa.u1 $0x0;
	s8 =	ssub.s32 $0x1800, s2  }
.Ltmp0:
0x7: {  	s3 =	sadd.s32 $0xC8FA00, s5;
	s7 =	sand.u32 $0xF80, s8;
	(pc) =	sbr.rel .LBB2_1-.Ltmp0, $4  }
0x8: {  	s5 =	sadd.s32 $0xD23A00, s5;
	s11 =	smov.u32 s2;
	p0 =	sne.s32 s7, $0x0  }
0x9: {  	s8 =	sshrl.u32 s8, $0xC;
	s7 =	simm.s32 $0x2;
	s9 =	simm.s32 @!p0 $0x0  }
0xa: {  	[sflag:s7] =	ssyncpa.u1 $0x0;
	p0 =	por $0x0, $0x0;
	s8 =	sadd.s32 s9, s8  }
0xb: {  	vm0 =	vmmov $0xffff;
	[sflag:s10] =	ssyncpa.u1 $0x0;
	s10 =	simm.s32 $0x0;
	s9 =	sadd.s32 $0x1, s8  }
.LBB2_4:
0xc: {  	v3 =	vshrl.u32 v0, $0x1;
	v4 =	vshrl.u32 v0, $0xB;
	v1 =	vor.u32 v1, v2  }
0xd: {  	v62 =	vshll.u32 v0, $0x13;
	v60 =	vand.u32 $0x3FF, v3;
	v61 =	vand.u32 $0x1FF, v4  }
0xe: {  	v0 =	vand.u32 $0x80000, v62;
	v2 =	vsel vm1, $0xFFFFFFFF, v60;
	v3 =	vsel vm1, $0xFFFFFFFF, v61  }
0xf: {  	v0 =	vsel vm1, $0xFFF80000, v0;
	v63 =	vand.u32 $0x7F, v3;
	v5 =	vshll.u32 v2, $0x9  }
0x10: {  	v3 =	vshll.u32 v3, $0x3;
	v5 =	vand.u32 $0xFFFFF000, v5;
	v0 =	vor.u32 v0, v63  }
0x11: {  	v2 =	vshll.u32 v2, $0x7;
	v3 =	vand.u32 $0xFFFFFC00, v3;
	v0 =	vadd.s32 v5, v0  }
0x12: {  	v2 =	vand.u32 $0x380, v2;
	v0 =	vadd.s32 v3, v0  }
0x13: {  	v0 =	vor.u32 v2, v0;
	_ =	sdelay $0x1  }
0x14: {  	(ifvalue) =	ssetifvalue $0x7FFFFFFF;
	s14 =	sadd.s32 $0x10, s14  }
0x15: {  	[tilespmem:s14], [sflag:$0x1] =	stream.indirect_vreg.gather [hbm4b:s3+s10], $0x1, v1, vm0, $0x4038;
	[tilespmem:$0x200] =	vst v63  }
0x16: {  	(ifvalue) =	ssetifvalue $0x7FFFFFFF;
	s14 =	sadd.s32 $0x10, s14  }
0x17: {  	[tilespmem:s14], [sflag:$0x1] =	stream.indirect_vreg.gather [hbm4b:s3+s10], $0x1, v0, vm0, $0x4038;
	[tilespmem:$0x200] =	vst v63  }
0x18: {  	_ =	swait.ge [sflag:s6], $0x80  }
0x19: {  	s30 =	sshrl.u32 s13, $0x3;
	[sflag:s6] =	ssyncset.done $0x0  }
0x1a: {  	s31 =	sand.u32 $0x7, s13;
	s14 =	sadd.s32 s5, s30;
	[sflag:s6] =	ssyncadd.s32 $0xFFFFFF80  }
0x1b: {  	[hbm4b:s14+s31] =	stream.linear.scatter [tilespmem:s15], [sflag:$0x3], $0x80, $0x38;
	[tilespmem:$0x200] =	vst v63  }
.LBB2_5:
0x1c: {  	s15 =	sadd.s32 $0x1000, s11  }
0x1d: {  	p2 =	sgt.s32 s15, $0x17FF  }
0x1e: {  	s15 =	smov.u32 @p2 s2;
	p2 =	sne.s32 s12, s9  }
.Ltmp1:
0x1f: {  	p1 =	slt.u32 s12, $0x2;
	(pc) =	sbr.rel @!p2 .LBB2_6-.Ltmp1, $4  }
0x20: {  	s14 =	simm.s32 @!p1 $0x3  }
0x21: {  	s16 =	sadd.s32 $0x1, s12;
	_ =	swait.ge @!p1 [sflag:s14], $0x80  }
0x22: {  	s13 =	smov.u32 s11;
	p0 =	por !p0, !p0;
	[sflag:s14] =	ssyncset.done @!p1 $0x0  }
0x23: {  	s12 =	smov.u32 s16;
	s11 =	smov.u32 s15;
	[sflag:s14] =	ssyncadd.s32 @!p1 $0xFFFFFF80  }
.LBB2_1:
0x24: {  	p1 =	sge.u32 s12, s8  }
0x25: {  	s14 =	sxor.u32 @!p1 $0xFFFFFFFF, s12  }
0x26: {  	s31 =	sadd.s32 $0xFFFFFFFF, s12;
	s15 =	sshrl.u32 @!p1 s11, $0x3;
	s14 =	sshll.u32 @!p1 s14, $0x7  }
0x27: {  	s16 =	sand.u32 @!p1 $0x7, s11;
	s15 =	sadd.s32 @!p1 s4, s15;
	s14 =	sand.u32 @!p1 $0x80, s14  }
0x28: {  	[tilespmem:s14], [sflag:$0x2] =	stream.linear.gather @!p1 [hbm4b:s15+s16], $0x80, $0x38;
	[tilespmem:$0x200] =	vst v63  }
0x29: {  	p1 =	sge.u32 s31, s8  }
.Ltmp2:
0x2a: {  	_ = 	snop;
	(pc) =	sbr.rel @p1 .LBB2_5-.Ltmp2, $1  }
0x2b: {  	_ =	sdelay $0x3  }
0x2c: {  	s14 =	simm.s32 $0x1  }
0x2d: {  	_ =	swait.ge [sflag:s7], $0x80;
	s14 =	simm.s32 @!p0 $0x0  }
0x2e: {  	[sflag:s7] =	ssyncset.done $0x0;
	s14 =	sshll.u32 s14, $0x7  }
0x2f: {  	[sflag:s7] =	ssyncadd.s32 $0xFFFFFF80;
	(ifvalue) =	ssetifvalue $0x7FFFFFFF;
	v0 =	vld.msk [tilespmem:s14+$0x0 ss:$0x1], $0xffff;
	_ =	sdelay $0x4  }
0x30: {  	s15 =	sadd.s32 $0x10, s14;
	vm1 =	veq.s32 v0, $0x80000000;
	v1 =	vshrl.u32 v0, $0x1;
	v2 =	vshrl.u32 v0, $0xB  }
0x31: {  	v3 =	vld.msk [tilespmem:s15+$0x0 ss:$0x1], $0xffff;
	v0 =	vshll.u32 v0, $0x13;
	v1 =	vand.u32 $0x3FF, v1;
	v2 =	vand.u32 $0x1FF, v2  }
0x32: {  	v0 =	vand.u32 $0x80000, v0;
	v1 =	vsel vm1, $0xFFFFFFFF, v1;
	v2 =	vsel vm1, $0xFFFFFFFF, v2  }
0x33: {  	v0 =	vsel vm1, $0xFFF80000, v0;
	v4 =	vand.u32 $0x7F, v2;
	v5 =	vshll.u32 v1, $0x9  }
0x34: {  	v2 =	vshll.u32 v2, $0x3;
	v5 =	vand.u32 $0xFFFFF000, v5;
	v0 =	vor.u32 v0, v4  }
0x35: {  	v1 =	vshll.u32 v1, $0x7;
	v2 =	vand.u32 $0xFFFFFC00, v2;
	v0 =	vadd.s32 v5, v0  }
0x36: {  	v62 =	vshrl.u32 v3, $0xB;
	v1 =	vand.u32 $0x380, v1;
	v0 =	vadd.s32 v2, v0  }
0x37: {  	s17 =	sadd.s32 $0x10, s15;
	vm1 =	veq.s32 v3, $0x80000000;
	v2 =	vshrl.u32 v3, $0x1;
	v1 =	vor.u32 v1, v0  }
0x38: {  	v4 =	vand.u32 $0x1FF, v62;
	v3 =	vshll.u32 v3, $0x13;
	v0 =	vld.msk [tilespmem:s17+$0x0 ss:$0x1], $0xffff;
	v2 =	vand.u32 $0x3FF, v2  }
0x39: {  	v4 =	vsel vm1, $0xFFFFFFFF, v4;
	v3 =	vand.u32 $0x80000, v3;
	v2 =	vsel vm1, $0xFFFFFFFF, v2  }
0x3a: {  	s31 =	sshll.u32 s12, $0x7;
	v63 =	vand.u32 $0x7F, v4;
	v3 =	vsel vm1, $0xFFF80000, v3;
	v6 =	vshll.u32 v2, $0x9  }
0x3b: {  	s14 =	sor.u32 $0x100, s14;
	s15 =	sand.u32 $0x80, s31;
	v4 =	vshll.u32 v4, $0x3;
	(ifvalue) =	ssetifvalue $0x7FFFFFFF;
	v3 =	vor.u32 v3, v63;
	v6 =	vand.u32 $0xFFFFF000, v6  }
0x3c: {  	v4 =	vand.u32 $0xFFFFFC00, v4;
	[tilespmem:s14], [sflag:$0x1] =	stream.indirect_vreg.gather [hbm4b:s3+s10], $0x1, v1, vm0, $0x4038;
	v1 =	vshll.u32 v2, $0x7;
	v2 =	vadd.s32 v6, v3;
	[tilespmem:$0x200] =	vst v63  }
0x3d: {  	s16 =	simm.s32 $0x20;
	s15 =	sor.u32 $0x100, s15;
	s17 =	sadd.s32 $0x10, s17;
	vm1 =	veq.s32 v0, $0x80000000;
	v1 =	vand.u32 $0x380, v1;
	v2 =	vadd.s32 v4, v2  }
.LBB2_3:
0x3e: {  	v3 =	vld.msk [tilespmem:s17+$0x0 ss:$0x1], $0xffff;
	v4 =	vshrl.u32 v0, $0x1;
	v5 =	vshrl.u32 v0, $0xB;
	v1 =	vor.u32 v1, v2;
	s16 =	sadd.s32 $0x10, s16  }
0x3f: {  	v0 =	vshll.u32 v0, $0x13;
	v2 =	vand.u32 $0x3FF, v4;
	v4 =	vand.u32 $0x1FF, v5;
	p1 =	slt.u32 s16, $0x70  }
.Ltmp3:
0x40: {  	v0 =	vand.u32 $0x80000, v0;
	v2 =	vsel vm1, $0xFFFFFFFF, v2;
	v4 =	vsel vm1, $0xFFFFFFFF, v4;
	(pc) =	sbr.rel @p1 .LBB2_3-.Ltmp3, $4  }
0x41: {  	v0 =	vsel vm1, $0xFFF80000, v0;
	v5 =	vand.u32 $0x7F, v4;
	v6 =	vshll.u32 v2, $0x9  }
0x42: {  	s14 =	sadd.s32 $0x10, s14;
	v4 =	vshll.u32 v4, $0x3;
	v6 =	vand.u32 $0xFFFFF000, v6;
	v7 =	vor.u32 v0, v5;
	(ifvalue) =	ssetifvalue $0x7FFFFFFF  }
0x43: {  	v2 =	vshll.u32 v2, $0x7;
	v4 =	vand.u32 $0xFFFFFC00, v4;
	v5 =	vadd.s32 v6, v7;
	[tilespmem:s14], [sflag:$0x1] =	stream.indirect_vreg.gather [hbm4b:s3+s10], $0x1, v1, vm0, $0x4038;
	[tilespmem:$0x200] =	vst v63  }
0x44: {  	s17 =	sadd.s32 $0x10, s17;
	vm1 =	veq.s32 v3, $0x80000000;
	v1 =	vand.u32 $0x380, v2;
	v0 =	vmovc v3;
	v2 =	vadd.s32 v4, v5  }
.Ltmp4:
0x45: {  	_ = 	snop;
	(pc) =	sbr.rel .LBB2_4-.Ltmp4, $1  }
0x46: {  	_ =	sdelay $0x3  }
.LBB2_6:
0x47: {  	_ =	sfence.sel $0x180000  }
0x48: {  	s2 =	simm.s32 $0x2;
	[bflag:$0x0] =	sbarrier.arrive $0xFFFF  }
0x49: {  	s30 =	simm.s32 $0x3;
	[sflag:s2] =	ssyncpa.u1 $0x1  }
0x4a: {  	s31 =	simm.s32 $0x1;
	[sflag:s30] =	ssyncpa.u1 $0x1  }
0x4b: {  	[sflag:s31] =	ssyncpa.u1 $0x1  }
0x4c: {  	p0 =	sne.s32 s1, $0x0;
	_ =	strace $0x90000056  }
0x4d: {  	s0 =	sadd.s32 @!p0 $0x100000, s0;
	[bflag:$0x2] =	sbarrier.arrive $0xFFFF  }
0x4e: {  	[sflag:s0] =	ssyncadd.tile.s32 @!p0 $0x1;
	_ =	shalt  }
.Lfunc_end2:
_tile_overlayer_lowered:
.L_overlay_start_2:
0x4f: {  	(tag) =	ssettag $0x2  }
0x50: {  	s0 =	rddreg [dreg:$0x0];
	s2 =	stileid.u32  }
0x51: {  	s1 =	rddreg [dreg:$0x1];
	p0 =	sne.s32 s2, $0x0  }
0x52: {  	s3 =	rddreg [dreg:$0x2];
	[bflag:$0x3] =	sbarrier.arrive $0xFFFF;
	s2 =	simm.s32 @!p0 $0x1C01  }
0x53: {  	[timem:s3], [sflag:s2] =	dma.local @!p0 [hbm:s0], s1  }
0x54: {  	s0 =	simm.s32 @!p0 $0x1  }
0x55: {  	_ =	swait.ge @!p0 [sflag:s0], s1  }
0x56: {  	s1 =	ssub.s32 @!p0 $0x0, s1;
	[sflag:s0] =	ssyncset.done @!p0 $0x0  }
0x57: {  	[sflag:s0] =	ssyncadd.s32 @!p0 s1  }
0x58: {  	[bflag:$0x3] =	sbarrier.arrive $0xFFFF  }
0x59: {  	_ =	shalt  }

// kernel: gather_offload_async_start.6
scs
__scs_entry_jumppad:
0x0: {  	(pc) =	sbr.rel $0x88, $3  }
0x1: {  	(tag) =	ssettag $0x0;
	lr =	simm.s32 $0x1  }
0x2: {  	[smem:$0x3F64] =	sst lr;
	_ =	strace $0xD0000000  }
0x3: {  	_ = 	snop  }
0x4: {  	_ = 	snop  }
0x5: {  	_ = 	snop  }
0x6: {  	_ = 	snop  }
0x7: {  	_ = 	snop  }
__scs_overlays_trampoline_lowered:
0x8: {  	[smem:$0x3F73] =	sst s0  }
0x9: {  	[smem:$0x3F74] =	sst s1  }
0xa: {  	[smem:$0x3F75] =	sst s2  }
0xb: {  	[smem:$0x3F76] =	sst s3  }
0xc: {  	[smem:$0x3F77] =	sst s4  }
0xd: {  	[smem:$0x3F78] =	sst s5  }
0xe: {  	[smem:$0x3F79] =	sst s6  }
0xf: {  	[smem:$0x3F7A] =	sst s7  }
0x10: {  	[smem:$0x3F7B] =	sst s8  }
0x11: {  	[smem:$0x3F7C] =	sst s9;
	s0 =	simm.s32 @!p0 $0x0  }
0x12: {  	s1 =	sld [smem:$0x3F62];
	s0 =	simm.s32 @p0 $0x1  }
0x13: {  	[smem:$0x3F7D] =	sst s0;
	s0 =	simm.s32 @!p1 $0x0  }
0x14: {  	s2 =	sld [smem:$0x3F61];
	s0 =	simm.s32 @p1 $0x1  }
0x15: {  	[smem:$0x3F7E] =	sst s0;
	s0 =	simm.s32 @!p2 $0x0  }
0x16: {  	s3 =	sld [smem:$0x3FDB];
	s0 =	simm.s32 @p2 $0x1  }
0x17: {  	s4 =	simm.s32 $0x1BF5;
	[smem:$0x3F80] =	sst s0  }
0x18: {  	s0 =	sld [smem:$0x3F63];
	_ =	swait.ge [sflag:s4], $0x0  }
0x19: {  	s7 =	sld [smem:$0x3F64]  }
0x1a: {  	s8 =	sadd.s32 $0xFFFFE003, lr  }
0x1b: {  	s9 =	sadd.s32 $0xFFFFFEF7, lr;
	s5 =	simm.s32 $0xFFFFFFFF;
	p2 =	slt.u32 s8, $0xFFFFF086  }
0x1c: {  	p1 =	slt.u32 s9, $0xF7A;
	s5 =	simm.s32 @!p2 $0x0  }
0x1d: {  	s5 =	simm.s32 @p1 $0x1;
	p0 =	seq.s32 s7, s2  }
0x1e: {  	s7 =	smul.u32 @!p0 $0xF7A, s2;
	p2 =	seq.s32 @!p0 s5, $0x0  }
0x1f: {  	s9 =	smul.u32 $0xF7A, s1;
	s8 =	simm.s32 @!p0 $0x1BF5;
	p2 =	por !p2, p0  }
0x20: {  	[sflag:s8] =	ssyncset.s32 @!p0 $0xFFFFF086;
	s6 =	sadd.s32 @!p0 s3, s7;
	s7 =	simm.s32 @!p0 $0x108  }
0x21: {  	s3 =	sadd.s32 s3, s9;
	s6 =	sadd.s32 @!p0 $0x88, s6;
	s7 =	simm.s32 @p2 $0x1082  }
0x22: {  	[simem:s7], [sflag:s8] =	dma.local @!p0 [hbm:s6], $0xF7A  }
0x23: {  	s9 =	sor.u32 $0xD0000000, s2;
	s6 =	simm.s32 $0x108;
	_ =	swait.ge @!p0 [sflag:s8], $0x0  }
0x24: {  	s3 =	sadd.s32 $0x88, s3;
	s6 =	simm.s32 @!p1 $0x1082;
	[sflag:s4] =	ssyncset.s32 $0xFFFFF086  }
0x25: {  	[simem:s6], [sflag:s4] =	dma.local [hbm:s3], $0xF7A  }
0x26: {  	[smem:$0x3F64] =	sst s1;
	(tag) =	ssettag s2;
	_ =	strace s9  }
0x27: {  	s1 =	sld [smem:$0x3F74]  }
0x28: {  	s2 =	sld [smem:$0x3F75]  }
0x29: {  	s4 =	sld [smem:$0x3F77]  }
0x2a: {  	p0 =	seq.s32 s5, $0x0;
	s5 =	sld [smem:$0x3F78]  }
0x2b: {  	s6 =	sld [smem:$0x3F79]  }
0x2c: {  	s7 =	sld [smem:$0x3F7A]  }
0x2d: {  	s3 =	simm.s32 $0x108;
	s8 =	sld [smem:$0x3F7B]  }
0x2e: {  	s3 =	simm.s32 @!p0 $0x1082;
	s9 =	sld [smem:$0x3F7C]  }
0x2f: {  	lr =	sadd.s32 s0, s3;
	s0 =	sld [smem:$0x3F73]  }
0x30: {  	s3 =	sld [smem:$0x3F76]  }
0x31: {  	[smem:$0x3F7F] =	sst s10  }
0x32: {  	s10 =	sld [smem:$0x3F7D];
	_ =	sdelay $0x3  }
0x33: {  	p0 =	seq.s32 s10, $0x1;
	s10 =	sld [smem:$0x3F7F];
	_ =	sdelay $0x3  }
0x34: {  	[smem:$0x3F7F] =	sst s10  }
0x35: {  	s10 =	sld [smem:$0x3F7E];
	_ =	sdelay $0x3  }
0x36: {  	p1 =	seq.s32 s10, $0x1;
	s10 =	sld [smem:$0x3F7F];
	_ =	sdelay $0x3  }
0x37: {  	[smem:$0x3F7F] =	sst s10  }
0x38: {  	s10 =	sld [smem:$0x3F80]  }
0x39: {  	_ = 	snop;
	(pc) =	sbr.ind lr, $3  }
0x3a: {  	_ = 	snop  }
0x3b: {  	_ = 	snop  }
0x3c: {  	p2 =	seq.s32 s10, $0x1;
	s10 =	sld [smem:$0x3F7F]  }
0x3d: {  	_ =	shalt  }
0x3e: {  	_ =	shalt  }
0x3f: {  	_ =	shalt  }
0x40: {  	_ =	shalt  }
0x41: {  	_ =	shalt  }
0x42: {  	_ =	shalt  }
0x43: {  	_ =	shalt  }
0x44: {  	_ =	shalt  }
0x45: {  	_ =	shalt  }
0x46: {  	_ =	shalt  }
0x47: {  	_ =	shalt  }
0x48: {  	_ =	shalt  }
0x49: {  	_ =	shalt  }
0x4a: {  	_ =	shalt  }
0x4b: {  	_ =	shalt  }
0x4c: {  	_ =	shalt  }
0x4d: {  	_ =	shalt  }
0x4e: {  	_ =	shalt  }
0x4f: {  	_ =	shalt  }
0x50: {  	_ =	shalt  }
0x51: {  	_ =	shalt  }
0x52: {  	_ =	shalt  }
0x53: {  	_ =	shalt  }
0x54: {  	_ =	shalt  }
0x55: {  	_ =	shalt  }
0x56: {  	_ =	shalt  }
0x57: {  	_ =	shalt  }
0x58: {  	_ =	shalt  }
0x59: {  	_ =	shalt  }
0x5a: {  	_ =	shalt  }
0x5b: {  	_ =	shalt  }
0x5c: {  	_ =	shalt  }
0x5d: {  	_ =	shalt  }
0x5e: {  	_ =	shalt  }
0x5f: {  	_ =	shalt  }
0x60: {  	_ =	shalt  }
0x61: {  	_ =	shalt  }
0x62: {  	_ =	shalt  }
0x63: {  	_ =	shalt  }
0x64: {  	_ =	shalt  }
0x65: {  	_ =	shalt  }
0x66: {  	_ =	shalt  }
0x67: {  	_ =	shalt  }
0x68: {  	_ =	shalt  }
0x69: {  	_ =	shalt  }
0x6a: {  	_ =	shalt  }
0x6b: {  	_ =	shalt  }
0x6c: {  	_ =	shalt  }
0x6d: {  	_ =	shalt  }
0x6e: {  	_ =	shalt  }
0x6f: {  	_ =	shalt  }
0x70: {  	_ =	shalt  }
0x71: {  	_ =	shalt  }
0x72: {  	_ =	shalt  }
0x73: {  	_ =	shalt  }
0x74: {  	_ =	shalt  }
0x75: {  	_ =	shalt  }
0x76: {  	_ =	shalt  }
0x77: {  	_ =	shalt  }
0x78: {  	_ =	shalt  }
0x79: {  	_ =	shalt  }
0x7a: {  	_ =	shalt  }
0x7b: {  	_ =	shalt  }
0x7c: {  	_ =	shalt  }
0x7d: {  	_ =	shalt  }
0x7e: {  	_ =	shalt  }
0x7f: {  	_ =	shalt  }
0x80: {  	_ =	shalt  }
0x81: {  	_ =	shalt  }
0x82: {  	_ =	shalt  }
0x83: {  	_ =	shalt  }
0x84: {  	_ =	shalt  }
0x85: {  	_ =	shalt  }
0x86: {  	_ =	shalt  }
0x87: {  	_ =	shalt  }
.Lfunc_end0:
.L_simem_size_0:
called_computation.12_lowered:
.L_overlay_start_0:
0x88: {  	s2 =	sld [smem:$0x3FD9]  }
0x89: {  	s3 =	sld [smem:$0x3FFE];
	_ =	sdelay $0x1  }
0x8a: {  	s1 =	srdreg.scid  }
0x8b: {  	s0 =	sand.u32 $0x1, s1  }
0x8c: {  	s17 =	sshll.u32 s0, $0xA;
	s2 =	sadd.s32 s3, s2  }
0x8d: {  	s2 =	sadd.s32 s2, s17  }
0x8e: {  	[smem:$0x3F8B] =	sst s2  }
0x8f: {  	_ = 	snop  }
0x90: {  	(tm) =	ssettm $0x1  }
0x91: {  	s18 =	sld [smem:$0x3FFB];
	_ =	sdelay $0x3  }
0x92: {  	_ =	strace s18  }
0x93: {  	s2 =	sld [smem:$0x3FFC];
	_ =	sdelay $0x3  }
0x94: {  	_ =	strace s2  }
0x95: {  	s2 =	sld [smem:$0x3FFD];
	_ =	sdelay $0x3  }
0x96: {  	_ =	strace s2  }
0x97: {  	_ =	strace $0x8FFFFFFF  }
0x98: {  	s19 =	sld [smem:$0x3FDB];
	_ =	sdelay $0x1  }
0x99: {  	s20 =	simm.s32 $_scs_section_size  }
0x9a: {  	s4 =	simm.s32 $_size__tile_overlayer_lowered;
	s5 =	simm.s32 $_tile_overlayer_lowered  }
0x9b: {  	s6 =	simm.s32 $0x1BFF;
	s21 =	sshll.u32 s5, $0x1;
	s3 =	sadd.s32 s20, s19  }
0x9c: {  	s22 =	simm.s32 $0x0;
	s4 =	sshll.u32 s4, $0x1;
	s5 =	sadd.s32 s21, s3  }
0x9d: {  	[timem:s22], [sflag:s6] =	dma.local [hbm:s5], s4  }
0x9e: {  	_ =	swait.ge [sflag:s6], s4  }
0x9f: {  	s4 =	ssub.s32 $0x0, s4;
	[sflag:s6] =	ssyncset.done $0x0  }
0xa0: {  	[sflag:s6] =	ssyncadd.s32 s4;
	_ =	sdelay $0x1  }
0xa1: {  	s23 =	simm.s32 $0x1B8B  }
0xa2: {  	_ =	swait.ge [sflag:s23], $0x1  }
0xa3: {  	[sflag:s23] =	ssyncset.done $0x0  }
0xa4: {  	[sflag:s23] =	ssyncadd.s32 $0xFFFFFFFF  }
0xa5: {  	s4 =	sld [smem:$0x0]  }
0xa6: {  	s5 =	sand.u32 $0xFFFFFFFE, s1  }
0xa7: {  	p0 =	sne.s32 s1, s5  }
0xa8: {  	s5 =	sshll.u32 @p0 s5, $0xE  }
0xa9: {  	s5 =	sadd.s32 @p0 $0x11B8D, s5;
	s6 =	sshll.u32 @p0 s4, $0x11  }
0xaa: {  	s5 =	sor.u32 @p0 s6, s5  }
0xab: {  	[sflag:s5] =	ssyncadd.remote.s32 @p0 $0x1;
	_ =	sdelay $0x1  }
0xac: {  	s5 =	simm.s32 @p0 $0x1B8D  }
0xad: {  	_ =	swait.eq @p0 [sflag:s5], $0x1  }
0xae: {  	[sflag:s5] =	ssyncadd.s32 @p0 $0xFFFFFFFF  }
0xaf: {  	s6 =	sshll.u32 @!p0 s1, $0xE  }
0xb0: {  	s6 =	sor.u32 @!p0 $0x4000, s6;
	s5 =	simm.s32 @!p0 $0x1B8D  }
0xb1: {  	s4 =	sshll.u32 @!p0 s4, $0x11;
	s6 =	sadd.s32 @!p0 $0x11B8D, s6;
	_ =	swait.eq @!p0 [sflag:s5], $0x1  }
0xb2: {  	s4 =	sor.u32 @!p0 s4, s6;
	[sflag:s5] =	ssyncadd.s32 @!p0 $0xFFFFFFFF  }
0xb3: {  	s25 =	simm.s32 $0x1B8E;
	s24 =	sld [smem:$0x3FFE];
	[sflag:s4] =	ssyncadd.remote.s32 @!p0 $0x1  }
0xb4: {  	s26 =	simm.s32 $execute0_lowered;
	[smem:$0x3FD2] =	sst s25  }
0xb5: {  	s5 =	sshll.u32 s26, $0x1;
	_ =	strace $0x8000005B;
	[dreg:$0x1] =	wrdreg $0xFFFFFFFF  }
0xb6: {  	s28 =	simm.s32 $_size_execute0_lowered;
	s3 =	sadd.s32 s3, s5;
	[dreg:$0x0] =	wrdreg $0x0  }
0xb7: {  	s5 =	sshll.u32 s28, $0x1;
	[dreg:$0x2] =	wrdreg s3  }
0xb8: {  	[dreg:$0x3] =	wrdreg s5  }
0xb9: {  	[dreg:$0x4] =	wrdreg $0xC0  }
0xba: {  	_ =	task [dreg:s22], $0x5FFFF  }
0xbb: {  	[dreg:$0x1] =	wrdreg $0xFFFFFFFF  }
0xbc: {  	[dreg:$0x0] =	wrdreg $0x60  }
0xbd: {  	[dreg:$0x2] =	wrdreg s24  }
0xbe: {  	[dreg:$0x3] =	wrdreg $0xE  }
0xbf: {  	_ =	task.clear_ibuf [dreg:s22], $0x4FFFF;
	_ =	strace $0x9000005B  }
0xc0: {  	s29 =	simm.s32 $0xE;
	_ =	strace $0x8000005D  }
0xc1: {  	_ =	swait.ge [sflag:s29], $0x1  }
0xc2: {  	[sflag:s29] =	ssyncadd.s32 $0xFFFFFFFF  }
0xc3: {  	_ =	strace $0x9000005D  }
0xc4: {  	_ =	sfence  }
0xc5: {  	s30 =	sld [smem:$0x0];
	_ =	sdelay $0x2  }
0xc6: {  	s31 =	sshll.u32 s1, $0xD;
	s1 =	sshrl.u32 s1, $0x2  }
0xc7: {  	s4 =	sand.u32 $0x4000, s31;
	s1 =	sadd.s32 s1, s30  }
0xc8: {  	s0 =	sor.u32 s4, s0;
	s1 =	sshll.u32 s1, $0x11  }
0xc9: {  	s0 =	sor.u32 s1, s0  }
0xca: {  	s0 =	sadd.s32 $0x8F2B, s0  }
0xcb: {  	[sflag:s0] =	ssyncadd.remote.s32 $0x1  }
0xcc: {  	_ =	sfence.sel $0xFFFF  }
0xcd: {  	[dreg:$0x0] =	wrdreg $0xFFFFFFFF;
	(pc) =	sbr.abs _section_cstart, $3  }
0xce: {  	[dreg:$0x1] =	wrdreg $0xFFFFFFFF  }
0xcf: {  	_ =	task.clear_ibuf [dreg:s22], $0x2FFFF;
	_ =	strace $0x9FFFFFFF  }
0xd0: {  	(tm) =	ssettm $0x7FFFFFFF  }
0xd1: {  	_ =	shalt  }
tec
execute0_lowered:
.L_overlay_start_1:
0x0: {  	(tag) =	ssettag $0x1  }
0x1: {  	s0 =	srdreg.scid;
	s5 =	rddreg [dreg:$0x0]  }
0x2: {  	s1 =	stileid.u32;
	s6 =	simm.s32 $0x1;
	s9 =	simm.s32 $0x1  }
0x3: {  	s10 =	simm.s32 $0x3;
	s13 =	simm.s32 $0x0;
	s2 =	sshll.u32 s0, $0x9  }
0x4: {  	s12 =	simm.s32 $0x0;
	s3 =	sshll.u32 s1, $0xA;
	s4 =	sand.u32 $0x200, s2  }
0x5: {  	s0 =	rddreg [dreg:$0x1];
	_ =	strace $0x8000005C;
	s3 =	sor.u32 s3, s4  }
0x6: {  	s2 =	sadd.s32 $0xA6BA00, s5;
	[sflag:s6] =	ssyncpa.u1 $0x0;
	s8 =	ssub.s32 $0x6000, s3  }
.Ltmp0:
0x7: {  	s4 =	sadd.s32 $0xCE3A00, s5;
	s7 =	sand.u32 $0x3E00, s8;
	(pc) =	sbr.rel .LBB2_1-.Ltmp0, $4  }
0x8: {  	s5 =	sadd.s32 $0xCE8600, s5;
	s11 =	smov.u32 s3;
	p0 =	sne.s32 s7, $0x0  }
0x9: {  	s8 =	sshrl.u32 s8, $0xE;
	s7 =	simm.s32 $0x2;
	s9 =	simm.s32 @!p0 $0x0  }
0xa: {  	[sflag:s7] =	ssyncpa.u1 $0x0;
	p0 =	por $0x0, $0x0;
	s8 =	sadd.s32 s9, s8  }
0xb: {  	vm0 =	vmmov $0xffff;
	[sflag:s10] =	ssyncpa.u1 $0x0;
	s10 =	simm.s32 $0x0;
	s9 =	sadd.s32 $0x1, s8  }
.LBB2_4:
0xc: {  	v3 =	vshrl.u32 v0, $0x1;
	v4 =	vshrl.u32 v0, $0xD;
	v1 =	vor.u32 v1, v2  }
0xd: {  	v62 =	vshll.u32 v0, $0x16;
	v60 =	vand.u32 $0xFFF, v3;
	v61 =	vand.u32 $0x3FF, v4  }
0xe: {  	v0 =	vand.u32 $0x400000, v62;
	v2 =	vsel vm1, $0xFFFFFFFF, v60;
	v3 =	vsel vm1, $0xFFFFFFFF, v61  }
0xf: {  	v0 =	vsel vm1, $0xFFC00000, v0;
	v63 =	vand.u32 $0x7F, v3;
	v5 =	vshll.u32 v2, $0xA  }
0x10: {  	v3 =	vshll.u32 v3, $0x3;
	v5 =	vand.u32 $0xFFFFE000, v5;
	v0 =	vor.u32 v0, v63  }
0x11: {  	v2 =	vshll.u32 v2, $0x7;
	v3 =	vand.u32 $0xFFFFFC00, v3;
	v0 =	vadd.s32 v5, v0  }
0x12: {  	v2 =	vand.u32 $0x380, v2;
	v0 =	vadd.s32 v3, v0  }
0x13: {  	v0 =	vor.u32 v2, v0;
	_ =	sdelay $0x1  }
0x14: {  	(ifvalue) =	ssetifvalue $0x7FFFFFFF;
	s14 =	sadd.s32 $0x10, s14  }
0x15: {  	[tilespmem:s14], [sflag:$0x1] =	stream.indirect_vreg.gather [hbm4b:s2+s10], $0x1, v1, vm0, $0x4038;
	[tilespmem:$0x800] =	vst v63  }
0x16: {  	(ifvalue) =	ssetifvalue $0x7FFFFFFF;
	s14 =	sadd.s32 $0x10, s14  }
0x17: {  	[tilespmem:s14], [sflag:$0x1] =	stream.indirect_vreg.gather [hbm4b:s2+s10], $0x1, v0, vm0, $0x4038;
	[tilespmem:$0x800] =	vst v63  }
0x18: {  	_ =	swait.ge [sflag:s6], $0x200  }
0x19: {  	s30 =	sshrl.u32 s13, $0x3;
	[sflag:s6] =	ssyncset.done $0x0  }
0x1a: {  	s31 =	sand.u32 $0x7, s13;
	s14 =	sadd.s32 s5, s30;
	[sflag:s6] =	ssyncadd.s32 $0xFFFFFE00  }
0x1b: {  	[hbm4b:s14+s31] =	stream.linear.scatter [tilespmem:s15], [sflag:$0x3], $0x200, $0x38;
	[tilespmem:$0x800] =	vst v63  }
.LBB2_5:
0x1c: {  	s15 =	sadd.s32 $0x4000, s11  }
0x1d: {  	p2 =	sgt.s32 s15, $0x5FFF  }
0x1e: {  	s15 =	smov.u32 @p2 s3;
	p2 =	sne.s32 s12, s9  }
.Ltmp1:
0x1f: {  	p1 =	slt.u32 s12, $0x2;
	(pc) =	sbr.rel @!p2 .LBB2_6-.Ltmp1, $4  }
0x20: {  	s14 =	simm.s32 @!p1 $0x3  }
0x21: {  	s16 =	sadd.s32 $0x1, s12;
	_ =	swait.ge @!p1 [sflag:s14], $0x200  }
0x22: {  	s13 =	smov.u32 s11;
	p0 =	por !p0, !p0;
	[sflag:s14] =	ssyncset.done @!p1 $0x0  }
0x23: {  	s12 =	smov.u32 s16;
	s11 =	smov.u32 s15;
	[sflag:s14] =	ssyncadd.s32 @!p1 $0xFFFFFE00  }
.LBB2_1:
0x24: {  	p1 =	sge.u32 s12, s8  }
0x25: {  	s14 =	sxor.u32 @!p1 $0xFFFFFFFF, s12  }
0x26: {  	s31 =	sadd.s32 $0xFFFFFFFF, s12;
	s15 =	sshrl.u32 @!p1 s11, $0x3;
	s14 =	sshll.u32 @!p1 s14, $0x9  }
0x27: {  	s16 =	sand.u32 @!p1 $0x7, s11;
	s15 =	sadd.s32 @!p1 s4, s15;
	s14 =	sand.u32 @!p1 $0x200, s14  }
0x28: {  	[tilespmem:s14], [sflag:$0x2] =	stream.linear.gather @!p1 [hbm4b:s15+s16], $0x200, $0x38;
	[tilespmem:$0x800] =	vst v63  }
0x29: {  	p1 =	sge.u32 s31, s8  }
.Ltmp2:
0x2a: {  	_ = 	snop;
	(pc) =	sbr.rel @p1 .LBB2_5-.Ltmp2, $1  }
0x2b: {  	_ =	sdelay $0x3  }
0x2c: {  	s14 =	simm.s32 $0x1  }
0x2d: {  	_ =	swait.ge [sflag:s7], $0x200;
	s14 =	simm.s32 @!p0 $0x0  }
0x2e: {  	[sflag:s7] =	ssyncset.done $0x0;
	s14 =	sshll.u32 s14, $0x9  }
0x2f: {  	[sflag:s7] =	ssyncadd.s32 $0xFFFFFE00;
	(ifvalue) =	ssetifvalue $0x7FFFFFFF;
	v0 =	vld.msk [tilespmem:s14+$0x0 ss:$0x1], $0xffff;
	_ =	sdelay $0x4  }
0x30: {  	s15 =	sadd.s32 $0x10, s14;
	vm1 =	veq.s32 v0, $0x80000000;
	v1 =	vshrl.u32 v0, $0x1;
	v2 =	vshrl.u32 v0, $0xD  }
0x31: {  	v3 =	vld.msk [tilespmem:s15+$0x0 ss:$0x1], $0xffff;
	v0 =	vshll.u32 v0, $0x16;
	v1 =	vand.u32 $0xFFF, v1;
	v2 =	vand.u32 $0x3FF, v2  }
0x32: {  	v0 =	vand.u32 $0x400000, v0;
	v1 =	vsel vm1, $0xFFFFFFFF, v1;
	v2 =	vsel vm1, $0xFFFFFFFF, v2  }
0x33: {  	v0 =	vsel vm1, $0xFFC00000, v0;
	v4 =	vand.u32 $0x7F, v2;
	v5 =	vshll.u32 v1, $0xA  }
0x34: {  	v2 =	vshll.u32 v2, $0x3;
	v5 =	vand.u32 $0xFFFFE000, v5;
	v0 =	vor.u32 v0, v4  }
0x35: {  	v1 =	vshll.u32 v1, $0x7;
	v2 =	vand.u32 $0xFFFFFC00, v2;
	v0 =	vadd.s32 v5, v0  }
0x36: {  	v62 =	vshrl.u32 v3, $0xD;
	v1 =	vand.u32 $0x380, v1;
	v0 =	vadd.s32 v2, v0  }
0x37: {  	s17 =	sadd.s32 $0x10, s15;
	vm1 =	veq.s32 v3, $0x80000000;
	v2 =	vshrl.u32 v3, $0x1;
	v1 =	vor.u32 v1, v0  }
0x38: {  	v4 =	vand.u32 $0x3FF, v62;
	v3 =	vshll.u32 v3, $0x16;
	v0 =	vld.msk [tilespmem:s17+$0x0 ss:$0x1], $0xffff;
	v2 =	vand.u32 $0xFFF, v2  }
0x39: {  	v4 =	vsel vm1, $0xFFFFFFFF, v4;
	v3 =	vand.u32 $0x400000, v3;
	v2 =	vsel vm1, $0xFFFFFFFF, v2  }
0x3a: {  	s31 =	sshll.u32 s12, $0x9;
	v63 =	vand.u32 $0x7F, v4;
	v3 =	vsel vm1, $0xFFC00000, v3;
	v6 =	vshll.u32 v2, $0xA  }
0x3b: {  	s14 =	sor.u32 $0x400, s14;
	s15 =	sand.u32 $0x200, s31;
	v4 =	vshll.u32 v4, $0x3;
	(ifvalue) =	ssetifvalue $0x7FFFFFFF;
	v3 =	vor.u32 v3, v63;
	v6 =	vand.u32 $0xFFFFE000, v6  }
0x3c: {  	v4 =	vand.u32 $0xFFFFFC00, v4;
	[tilespmem:s14], [sflag:$0x1] =	stream.indirect_vreg.gather [hbm4b:s2+s10], $0x1, v1, vm0, $0x4038;
	v1 =	vshll.u32 v2, $0x7;
	v2 =	vadd.s32 v6, v3;
	[tilespmem:$0x800] =	vst v63  }
0x3d: {  	s16 =	simm.s32 $0x20;
	s15 =	sor.u32 $0x400, s15;
	s17 =	sadd.s32 $0x10, s17;
	vm1 =	veq.s32 v0, $0x80000000;
	v1 =	vand.u32 $0x380, v1;
	v2 =	vadd.s32 v4, v2  }
.LBB2_3:
0x3e: {  	v3 =	vld.msk [tilespmem:s17+$0x0 ss:$0x1], $0xffff;
	v4 =	vshrl.u32 v0, $0x1;
	v5 =	vshrl.u32 v0, $0xD;
	v1 =	vor.u32 v1, v2;
	s16 =	sadd.s32 $0x10, s16  }
0x3f: {  	v0 =	vshll.u32 v0, $0x16;
	v2 =	vand.u32 $0xFFF, v4;
	v4 =	vand.u32 $0x3FF, v5;
	p1 =	slt.u32 s16, $0x1F0  }
.Ltmp3:
0x40: {  	v0 =	vand.u32 $0x400000, v0;
	v2 =	vsel vm1, $0xFFFFFFFF, v2;
	v4 =	vsel vm1, $0xFFFFFFFF, v4;
	(pc) =	sbr.rel @p1 .LBB2_3-.Ltmp3, $4  }
0x41: {  	v0 =	vsel vm1, $0xFFC00000, v0;
	v5 =	vand.u32 $0x7F, v4;
	v6 =	vshll.u32 v2, $0xA  }
0x42: {  	s14 =	sadd.s32 $0x10, s14;
	v4 =	vshll.u32 v4, $0x3;
	v6 =	vand.u32 $0xFFFFE000, v6;
	v7 =	vor.u32 v0, v5;
	(ifvalue) =	ssetifvalue $0x7FFFFFFF  }
0x43: {  	v2 =	vshll.u32 v2, $0x7;
	v4 =	vand.u32 $0xFFFFFC00, v4;
	v5 =	vadd.s32 v6, v7;
	[tilespmem:s14], [sflag:$0x1] =	stream.indirect_vreg.gather [hbm4b:s2+s10], $0x1, v1, vm0, $0x4038;
	[tilespmem:$0x800] =	vst v63  }
0x44: {  	s17 =	sadd.s32 $0x10, s17;
	vm1 =	veq.s32 v3, $0x80000000;
	v1 =	vand.u32 $0x380, v2;
	v0 =	vmovc v3;
	v2 =	vadd.s32 v4, v5  }
.Ltmp4:
0x45: {  	_ = 	snop;
	(pc) =	sbr.rel .LBB2_4-.Ltmp4, $1  }
0x46: {  	_ =	sdelay $0x3  }
.LBB2_6:
0x47: {  	_ =	sfence.sel $0x180000  }
0x48: {  	s2 =	simm.s32 $0x2;
	[bflag:$0x0] =	sbarrier.arrive $0xFFFF  }
0x49: {  	s30 =	simm.s32 $0x3;
	[sflag:s2] =	ssyncpa.u1 $0x1  }
0x4a: {  	s31 =	simm.s32 $0x1;
	[sflag:s30] =	ssyncpa.u1 $0x1  }
0x4b: {  	[sflag:s31] =	ssyncpa.u1 $0x1  }
0x4c: {  	p0 =	sne.s32 s1, $0x0;
	_ =	strace $0x9000005C  }
0x4d: {  	s0 =	sadd.s32 @!p0 $0x100000, s0;
	[bflag:$0x2] =	sbarrier.arrive $0xFFFF  }
0x4e: {  	[sflag:s0] =	ssyncadd.tile.s32 @!p0 $0x1;
	_ =	shalt  }
.Lfunc_end2:
_tile_overlayer_lowered:
.L_overlay_start_2:
0x4f: {  	(tag) =	ssettag $0x2  }
0x50: {  	s0 =	rddreg [dreg:$0x0];
	s2 =	stileid.u32  }
0x51: {  	s1 =	rddreg [dreg:$0x1];
	p0 =	sne.s32 s2, $0x0  }
0x52: {  	s3 =	rddreg [dreg:$0x2];
	[bflag:$0x3] =	sbarrier.arrive $0xFFFF;
	s2 =	simm.s32 @!p0 $0x1C01  }
0x53: {  	[timem:s3], [sflag:s2] =	dma.local @!p0 [hbm:s0], s1  }
0x54: {  	s0 =	simm.s32 @!p0 $0x1  }
0x55: {  	_ =	swait.ge @!p0 [sflag:s0], s1  }
0x56: {  	s1 =	ssub.s32 @!p0 $0x0, s1;
	[sflag:s0] =	ssyncset.done @!p0 $0x0  }
0x57: {  	[sflag:s0] =	ssyncadd.s32 @!p0 s1  }
0x58: {  	[bflag:$0x3] =	sbarrier.arrive $0xFFFF  }
0x59: {  	_ =	shalt  }

// kernel: gather_offload_async_start.7
scs
__scs_entry_jumppad:
0x0: {  	(pc) =	sbr.rel $0x88, $3  }
0x1: {  	(tag) =	ssettag $0x0;
	lr =	simm.s32 $0x1  }
0x2: {  	[smem:$0x3F64] =	sst lr;
	_ =	strace $0xD0000000  }
0x3: {  	_ = 	snop  }
0x4: {  	_ = 	snop  }
0x5: {  	_ = 	snop  }
0x6: {  	_ = 	snop  }
0x7: {  	_ = 	snop  }
__scs_overlays_trampoline_lowered:
0x8: {  	[smem:$0x3F73] =	sst s0  }
0x9: {  	[smem:$0x3F74] =	sst s1  }
0xa: {  	[smem:$0x3F75] =	sst s2  }
0xb: {  	[smem:$0x3F76] =	sst s3  }
0xc: {  	[smem:$0x3F77] =	sst s4  }
0xd: {  	[smem:$0x3F78] =	sst s5  }
0xe: {  	[smem:$0x3F79] =	sst s6  }
0xf: {  	[smem:$0x3F7A] =	sst s7  }
0x10: {  	[smem:$0x3F7B] =	sst s8  }
0x11: {  	[smem:$0x3F7C] =	sst s9;
	s0 =	simm.s32 @!p0 $0x0  }
0x12: {  	s1 =	sld [smem:$0x3F62];
	s0 =	simm.s32 @p0 $0x1  }
0x13: {  	[smem:$0x3F7D] =	sst s0;
	s0 =	simm.s32 @!p1 $0x0  }
0x14: {  	s2 =	sld [smem:$0x3F61];
	s0 =	simm.s32 @p1 $0x1  }
0x15: {  	[smem:$0x3F7E] =	sst s0;
	s0 =	simm.s32 @!p2 $0x0  }
0x16: {  	s3 =	sld [smem:$0x3FDB];
	s0 =	simm.s32 @p2 $0x1  }
0x17: {  	s4 =	simm.s32 $0x1BF5;
	[smem:$0x3F80] =	sst s0  }
0x18: {  	s0 =	sld [smem:$0x3F63];
	_ =	swait.ge [sflag:s4], $0x0  }
0x19: {  	s7 =	sld [smem:$0x3F64]  }
0x1a: {  	s8 =	sadd.s32 $0xFFFFE003, lr  }
0x1b: {  	s9 =	sadd.s32 $0xFFFFFEF7, lr;
	s5 =	simm.s32 $0xFFFFFFFF;
	p2 =	slt.u32 s8, $0xFFFFF086  }
0x1c: {  	p1 =	slt.u32 s9, $0xF7A;
	s5 =	simm.s32 @!p2 $0x0  }
0x1d: {  	s5 =	simm.s32 @p1 $0x1;
	p0 =	seq.s32 s7, s2  }
0x1e: {  	s7 =	smul.u32 @!p0 $0xF7A, s2;
	p2 =	seq.s32 @!p0 s5, $0x0  }
0x1f: {  	s9 =	smul.u32 $0xF7A, s1;
	s8 =	simm.s32 @!p0 $0x1BF5;
	p2 =	por !p2, p0  }
0x20: {  	[sflag:s8] =	ssyncset.s32 @!p0 $0xFFFFF086;
	s6 =	sadd.s32 @!p0 s3, s7;
	s7 =	simm.s32 @!p0 $0x108  }
0x21: {  	s3 =	sadd.s32 s3, s9;
	s6 =	sadd.s32 @!p0 $0x88, s6;
	s7 =	simm.s32 @p2 $0x1082  }
0x22: {  	[simem:s7], [sflag:s8] =	dma.local @!p0 [hbm:s6], $0xF7A  }
0x23: {  	s9 =	sor.u32 $0xD0000000, s2;
	s6 =	simm.s32 $0x108;
	_ =	swait.ge @!p0 [sflag:s8], $0x0  }
0x24: {  	s3 =	sadd.s32 $0x88, s3;
	s6 =	simm.s32 @!p1 $0x1082;
	[sflag:s4] =	ssyncset.s32 $0xFFFFF086  }
0x25: {  	[simem:s6], [sflag:s4] =	dma.local [hbm:s3], $0xF7A  }
0x26: {  	[smem:$0x3F64] =	sst s1;
	(tag) =	ssettag s2;
	_ =	strace s9  }
0x27: {  	s1 =	sld [smem:$0x3F74]  }
0x28: {  	s2 =	sld [smem:$0x3F75]  }
0x29: {  	s4 =	sld [smem:$0x3F77]  }
0x2a: {  	p0 =	seq.s32 s5, $0x0;
	s5 =	sld [smem:$0x3F78]  }
0x2b: {  	s6 =	sld [smem:$0x3F79]  }
0x2c: {  	s7 =	sld [smem:$0x3F7A]  }
0x2d: {  	s3 =	simm.s32 $0x108;
	s8 =	sld [smem:$0x3F7B]  }
0x2e: {  	s3 =	simm.s32 @!p0 $0x1082;
	s9 =	sld [smem:$0x3F7C]  }
0x2f: {  	lr =	sadd.s32 s0, s3;
	s0 =	sld [smem:$0x3F73]  }
0x30: {  	s3 =	sld [smem:$0x3F76]  }
0x31: {  	[smem:$0x3F7F] =	sst s10  }
0x32: {  	s10 =	sld [smem:$0x3F7D];
	_ =	sdelay $0x3  }
0x33: {  	p0 =	seq.s32 s10, $0x1;
	s10 =	sld [smem:$0x3F7F];
	_ =	sdelay $0x3  }
0x34: {  	[smem:$0x3F7F] =	sst s10  }
0x35: {  	s10 =	sld [smem:$0x3F7E];
	_ =	sdelay $0x3  }
0x36: {  	p1 =	seq.s32 s10, $0x1;
	s10 =	sld [smem:$0x3F7F];
	_ =	sdelay $0x3  }
0x37: {  	[smem:$0x3F7F] =	sst s10  }
0x38: {  	s10 =	sld [smem:$0x3F80]  }
0x39: {  	_ = 	snop;
	(pc) =	sbr.ind lr, $3  }
0x3a: {  	_ = 	snop  }
0x3b: {  	_ = 	snop  }
0x3c: {  	p2 =	seq.s32 s10, $0x1;
	s10 =	sld [smem:$0x3F7F]  }
0x3d: {  	_ =	shalt  }
0x3e: {  	_ =	shalt  }
0x3f: {  	_ =	shalt  }
0x40: {  	_ =	shalt  }
0x41: {  	_ =	shalt  }
0x42: {  	_ =	shalt  }
0x43: {  	_ =	shalt  }
0x44: {  	_ =	shalt  }
0x45: {  	_ =	shalt  }
0x46: {  	_ =	shalt  }
0x47: {  	_ =	shalt  }
0x48: {  	_ =	shalt  }
0x49: {  	_ =	shalt  }
0x4a: {  	_ =	shalt  }
0x4b: {  	_ =	shalt  }
0x4c: {  	_ =	shalt  }
0x4d: {  	_ =	shalt  }
0x4e: {  	_ =	shalt  }
0x4f: {  	_ =	shalt  }
0x50: {  	_ =	shalt  }
0x51: {  	_ =	shalt  }
0x52: {  	_ =	shalt  }
0x53: {  	_ =	shalt  }
0x54: {  	_ =	shalt  }
0x55: {  	_ =	shalt  }
0x56: {  	_ =	shalt  }
0x57: {  	_ =	shalt  }
0x58: {  	_ =	shalt  }
0x59: {  	_ =	shalt  }
0x5a: {  	_ =	shalt  }
0x5b: {  	_ =	shalt  }
0x5c: {  	_ =	shalt  }
0x5d: {  	_ =	shalt  }
0x5e: {  	_ =	shalt  }
0x5f: {  	_ =	shalt  }
0x60: {  	_ =	shalt  }
0x61: {  	_ =	shalt  }
0x62: {  	_ =	shalt  }
0x63: {  	_ =	shalt  }
0x64: {  	_ =	shalt  }
0x65: {  	_ =	shalt  }
0x66: {  	_ =	shalt  }
0x67: {  	_ =	shalt  }
0x68: {  	_ =	shalt  }
0x69: {  	_ =	shalt  }
0x6a: {  	_ =	shalt  }
0x6b: {  	_ =	shalt  }
0x6c: {  	_ =	shalt  }
0x6d: {  	_ =	shalt  }
0x6e: {  	_ =	shalt  }
0x6f: {  	_ =	shalt  }
0x70: {  	_ =	shalt  }
0x71: {  	_ =	shalt  }
0x72: {  	_ =	shalt  }
0x73: {  	_ =	shalt  }
0x74: {  	_ =	shalt  }
0x75: {  	_ =	shalt  }
0x76: {  	_ =	shalt  }
0x77: {  	_ =	shalt  }
0x78: {  	_ =	shalt  }
0x79: {  	_ =	shalt  }
0x7a: {  	_ =	shalt  }
0x7b: {  	_ =	shalt  }
0x7c: {  	_ =	shalt  }
0x7d: {  	_ =	shalt  }
0x7e: {  	_ =	shalt  }
0x7f: {  	_ =	shalt  }
0x80: {  	_ =	shalt  }
0x81: {  	_ =	shalt  }
0x82: {  	_ =	shalt  }
0x83: {  	_ =	shalt  }
0x84: {  	_ =	shalt  }
0x85: {  	_ =	shalt  }
0x86: {  	_ =	shalt  }
0x87: {  	_ =	shalt  }
.Lfunc_end0:
.L_simem_size_0:
called_computation.13_lowered:
.L_overlay_start_0:
0x88: {  	s2 =	sld [smem:$0x3FD9]  }
0x89: {  	s3 =	sld [smem:$0x3FFE];
	_ =	sdelay $0x1  }
0x8a: {  	s1 =	srdreg.scid  }
0x8b: {  	s0 =	sand.u32 $0x1, s1  }
0x8c: {  	s16 =	sshll.u32 s0, $0xA;
	s2 =	sadd.s32 s3, s2  }
0x8d: {  	s2 =	sadd.s32 s2, s16  }
0x8e: {  	[smem:$0x3F8B] =	sst s2  }
0x8f: {  	_ = 	snop  }
0x90: {  	(tm) =	ssettm $0x1  }
0x91: {  	s17 =	sld [smem:$0x3FFB];
	_ =	sdelay $0x3  }
0x92: {  	_ =	strace s17  }
0x93: {  	s2 =	sld [smem:$0x3FFC];
	_ =	sdelay $0x3  }
0x94: {  	_ =	strace s2  }
0x95: {  	s2 =	sld [smem:$0x3FFD];
	_ =	sdelay $0x3  }
0x96: {  	_ =	strace s2  }
0x97: {  	_ =	strace $0x8FFFFFFF  }
0x98: {  	s18 =	sld [smem:$0x3FDB];
	_ =	sdelay $0x1  }
0x99: {  	s19 =	simm.s32 $_scs_section_size  }
0x9a: {  	s4 =	simm.s32 $_size__tile_overlayer_lowered;
	s5 =	simm.s32 $_tile_overlayer_lowered  }
0x9b: {  	s22 =	simm.s32 $0x1BFF;
	s21 =	sshll.u32 s5, $0x1;
	s2 =	sadd.s32 s19, s18  }
0x9c: {  	s6 =	simm.s32 $0x0;
	s20 =	sshll.u32 s4, $0x1;
	s4 =	sadd.s32 s21, s2  }
0x9d: {  	[timem:s6], [sflag:s22] =	dma.local [hbm:s4], s20  }
0x9e: {  	_ =	swait.ge [sflag:s22], s20  }
0x9f: {  	s3 =	ssub.s32 $0x0, s20;
	[sflag:s22] =	ssyncset.done $0x0  }
0xa0: {  	[sflag:s22] =	ssyncadd.s32 s3;
	_ =	sdelay $0x1  }
0xa1: {  	s23 =	simm.s32 $0x1B8B  }
0xa2: {  	_ =	swait.ge [sflag:s23], $0x1  }
0xa3: {  	[sflag:s23] =	ssyncset.done $0x0  }
0xa4: {  	s25 =	simm.s32 $0x1B8E;
	s24 =	sld [smem:$0x3FFE];
	[sflag:s23] =	ssyncadd.s32 $0xFFFFFFFF  }
0xa5: {  	s26 =	simm.s32 $execute0_lowered;
	[smem:$0x3FD2] =	sst s25  }
0xa6: {  	s4 =	sshll.u32 s26, $0x1;
	_ =	strace $0x80000067;
	[dreg:$0x1] =	wrdreg $0xFFFFFFFF  }
0xa7: {  	s28 =	simm.s32 $_size_execute0_lowered;
	s2 =	sadd.s32 s2, s4;
	[dreg:$0x0] =	wrdreg $0x0  }
0xa8: {  	s4 =	sshll.u32 s28, $0x1;
	[dreg:$0x2] =	wrdreg s2  }
0xa9: {  	[dreg:$0x3] =	wrdreg s4  }
0xaa: {  	[dreg:$0x4] =	wrdreg $0xC0  }
0xab: {  	_ =	task [dreg:s6], $0x5FFFF  }
0xac: {  	[dreg:$0x1] =	wrdreg $0xFFFFFFFF  }
0xad: {  	[dreg:$0x0] =	wrdreg $0x60  }
0xae: {  	[dreg:$0x2] =	wrdreg s24  }
0xaf: {  	[dreg:$0x3] =	wrdreg $0xA  }
0xb0: {  	_ =	task.clear_ibuf [dreg:s6], $0x4FFFF;
	_ =	strace $0x90000067  }
0xb1: {  	s29 =	simm.s32 $0xA;
	_ =	strace $0x80000069  }
0xb2: {  	_ =	swait.ge [sflag:s29], $0x1  }
0xb3: {  	[sflag:s29] =	ssyncadd.s32 $0xFFFFFFFF  }
0xb4: {  	_ =	strace $0x90000069  }
0xb5: {  	_ =	sfence  }
0xb6: {  	s30 =	sld [smem:$0x0];
	_ =	sdelay $0x2  }
0xb7: {  	s31 =	sshll.u32 s1, $0xD;
	s1 =	sshrl.u32 s1, $0x2  }
0xb8: {  	s3 =	sand.u32 $0x4000, s31;
	s1 =	sadd.s32 s1, s30  }
0xb9: {  	s0 =	sor.u32 s3, s0;
	s1 =	sshll.u32 s1, $0x11  }
0xba: {  	s0 =	sor.u32 s1, s0  }
0xbb: {  	s0 =	sadd.s32 $0x8F2B, s0  }
0xbc: {  	[sflag:s0] =	ssyncadd.remote.s32 $0x1  }
0xbd: {  	_ =	sfence.sel $0xFFFF  }
0xbe: {  	[dreg:$0x0] =	wrdreg $0xFFFFFFFF;
	(pc) =	sbr.abs _section_cstart, $3  }
0xbf: {  	[dreg:$0x1] =	wrdreg $0xFFFFFFFF  }
0xc0: {  	_ =	task.clear_ibuf [dreg:s6], $0x2FFFF;
	_ =	strace $0x9FFFFFFF  }
0xc1: {  	(tm) =	ssettm $0x7FFFFFFF  }
tec
execute0_lowered:
.L_overlay_start_1:
0x0: {  	(tag) =	ssettag $0x1  }
0x1: {  	s0 =	srdreg.scid;
	s5 =	rddreg [dreg:$0x0]  }
0x2: {  	s1 =	stileid.u32;
	s6 =	simm.s32 $0x1;
	s9 =	simm.s32 $0x1  }
0x3: {  	s10 =	simm.s32 $0x3;
	s13 =	simm.s32 $0x0;
	s2 =	sshll.u32 s0, $0xA  }
0x4: {  	s12 =	simm.s32 $0x0;
	s3 =	sshll.u32 s1, $0xB;
	s4 =	sand.u32 $0x400, s2  }
0x5: {  	s0 =	rddreg [dreg:$0x1];
	_ =	strace $0x80000068;
	s3 =	sor.u32 s3, s4  }
0x6: {  	s2 =	sadd.s32 $0x1523E00, s5;
	[sflag:s6] =	ssyncpa.u1 $0x0;
	s8 =	ssub.s32 $0xC000, s3  }
.Ltmp0:
0x7: {  	s4 =	sadd.s32 $0xCE3A00, s5;
	s7 =	sand.u32 $0x7C00, s8;
	(pc) =	sbr.rel .LBB2_1-.Ltmp0, $4  }
0x8: {  	s5 =	sadd.s32 $0xCE5200, s5;
	s11 =	smov.u32 s3;
	p0 =	sne.s32 s7, $0x0  }
0x9: {  	s8 =	sshrl.u32 s8, $0xF;
	s7 =	simm.s32 $0x2;
	s9 =	simm.s32 @!p0 $0x0  }
0xa: {  	[sflag:s7] =	ssyncpa.u1 $0x0;
	p0 =	por $0x0, $0x0;
	s8 =	sadd.s32 s9, s8  }
0xb: {  	vm0 =	vmmov $0xffff;
	[sflag:s10] =	ssyncpa.u1 $0x0;
	s10 =	simm.s32 $0x0;
	s9 =	sadd.s32 $0x1, s8  }
.LBB2_4:
0xc: {  	v3 =	vshrl.u32 v0, $0x1;
	v4 =	vshrl.u32 v0, $0xE;
	v1 =	vor.u32 v1, v2  }
0xd: {  	v62 =	vshll.u32 v0, $0x19;
	v60 =	vand.u32 $0x1FFF, v3;
	v61 =	vand.u32 $0xFFF, v4  }
0xe: {  	v0 =	vand.u32 $0x2000000, v62;
	v2 =	vsel vm1, $0xFFFFFFFF, v60;
	v3 =	vsel vm1, $0xFFFFFFFF, v61  }
0xf: {  	v0 =	vsel vm1, $0xFE000000, v0;
	v63 =	vand.u32 $0x7F, v3;
	v5 =	vshll.u32 v2, $0xC  }
0x10: {  	v3 =	vshll.u32 v3, $0x3;
	v5 =	vand.u32 $0xFFFF8000, v5;
	v0 =	vor.u32 v0, v63  }
0x11: {  	v2 =	vshll.u32 v2, $0x7;
	v3 =	vand.u32 $0xFFFFFC00, v3;
	v0 =	vadd.s32 v5, v0  }
0x12: {  	v2 =	vand.u32 $0x380, v2;
	v0 =	vadd.s32 v3, v0  }
0x13: {  	v0 =	vor.u32 v2, v0;
	_ =	sdelay $0x1  }
0x14: {  	(ifvalue) =	ssetifvalue $0x7FFFFFFF;
	s14 =	sadd.s32 $0x10, s14  }
0x15: {  	[tilespmem:s14], [sflag:$0x1] =	stream.indirect_vreg.gather [hbm4b:s2+s10], $0x1, v1, vm0, $0x4038;
	[tilespmem:$0x1000] =	vst v63  }
0x16: {  	(ifvalue) =	ssetifvalue $0x7FFFFFFF;
	s14 =	sadd.s32 $0x10, s14  }
0x17: {  	[tilespmem:s14], [sflag:$0x1] =	stream.indirect_vreg.gather [hbm4b:s2+s10], $0x1, v0, vm0, $0x4038;
	[tilespmem:$0x1000] =	vst v63  }
0x18: {  	_ =	swait.ge [sflag:s6], $0x400  }
0x19: {  	s30 =	sshrl.u32 s13, $0x3;
	[sflag:s6] =	ssyncset.done $0x0  }
0x1a: {  	s31 =	sand.u32 $0x7, s13;
	s14 =	sadd.s32 s5, s30;
	[sflag:s6] =	ssyncadd.s32 $0xFFFFFC00  }
0x1b: {  	[hbm4b:s14+s31] =	stream.linear.scatter [tilespmem:s15], [sflag:$0x3], $0x400, $0x38;
	[tilespmem:$0x1000] =	vst v63  }
.LBB2_5:
0x1c: {  	s15 =	sadd.s32 $0x8000, s11  }
0x1d: {  	p2 =	sgt.s32 s15, $0xBFFF  }
0x1e: {  	s15 =	smov.u32 @p2 s3;
	p2 =	sne.s32 s12, s9  }
.Ltmp1:
0x1f: {  	p1 =	slt.u32 s12, $0x2;
	(pc) =	sbr.rel @!p2 .LBB2_6-.Ltmp1, $4  }
0x20: {  	s14 =	simm.s32 @!p1 $0x3  }
0x21: {  	s16 =	sadd.s32 $0x1, s12;
	_ =	swait.ge @!p1 [sflag:s14], $0x400  }
0x22: {  	s13 =	smov.u32 s11;
	p0 =	por !p0, !p0;
	[sflag:s14] =	ssyncset.done @!p1 $0x0  }
0x23: {  	s12 =	smov.u32 s16;
	s11 =	smov.u32 s15;
	[sflag:s14] =	ssyncadd.s32 @!p1 $0xFFFFFC00  }
.LBB2_1:
0x24: {  	p1 =	sge.u32 s12, s8  }
0x25: {  	s14 =	sxor.u32 @!p1 $0xFFFFFFFF, s12  }
0x26: {  	s31 =	sadd.s32 $0xFFFFFFFF, s12;
	s15 =	sshrl.u32 @!p1 s11, $0x3;
	s14 =	sshll.u32 @!p1 s14, $0xA  }
0x27: {  	s16 =	sand.u32 @!p1 $0x7, s11;
	s15 =	sadd.s32 @!p1 s4, s15;
	s14 =	sand.u32 @!p1 $0x400, s14  }
0x28: {  	[tilespmem:s14], [sflag:$0x2] =	stream.linear.gather @!p1 [hbm4b:s15+s16], $0x400, $0x38;
	[tilespmem:$0x1000] =	vst v63  }
0x29: {  	p1 =	sge.u32 s31, s8  }
.Ltmp2:
0x2a: {  	_ = 	snop;
	(pc) =	sbr.rel @p1 .LBB2_5-.Ltmp2, $1  }
0x2b: {  	_ =	sdelay $0x3  }
0x2c: {  	s14 =	simm.s32 $0x1  }
0x2d: {  	_ =	swait.ge [sflag:s7], $0x400;
	s14 =	simm.s32 @!p0 $0x0  }
0x2e: {  	[sflag:s7] =	ssyncset.done $0x0;
	s14 =	sshll.u32 s14, $0xA  }
0x2f: {  	[sflag:s7] =	ssyncadd.s32 $0xFFFFFC00;
	(ifvalue) =	ssetifvalue $0x7FFFFFFF;
	v0 =	vld.msk [tilespmem:s14+$0x0 ss:$0x1], $0xffff;
	_ =	sdelay $0x4  }
0x30: {  	s15 =	sadd.s32 $0x10, s14;
	vm1 =	veq.s32 v0, $0x80000000;
	v1 =	vshrl.u32 v0, $0x1;
	v2 =	vshrl.u32 v0, $0xE  }
0x31: {  	v3 =	vld.msk [tilespmem:s15+$0x0 ss:$0x1], $0xffff;
	v0 =	vshll.u32 v0, $0x19;
	v1 =	vand.u32 $0x1FFF, v1;
	v2 =	vand.u32 $0xFFF, v2  }
0x32: {  	v0 =	vand.u32 $0x2000000, v0;
	v1 =	vsel vm1, $0xFFFFFFFF, v1;
	v2 =	vsel vm1, $0xFFFFFFFF, v2  }
0x33: {  	v0 =	vsel vm1, $0xFE000000, v0;
	v4 =	vand.u32 $0x7F, v2;
	v5 =	vshll.u32 v1, $0xC  }
0x34: {  	v2 =	vshll.u32 v2, $0x3;
	v5 =	vand.u32 $0xFFFF8000, v5;
	v0 =	vor.u32 v0, v4  }
0x35: {  	v1 =	vshll.u32 v1, $0x7;
	v2 =	vand.u32 $0xFFFFFC00, v2;
	v0 =	vadd.s32 v5, v0  }
0x36: {  	v62 =	vshrl.u32 v3, $0xE;
	v1 =	vand.u32 $0x380, v1;
	v0 =	vadd.s32 v2, v0  }
0x37: {  	s17 =	sadd.s32 $0x10, s15;
	vm1 =	veq.s32 v3, $0x80000000;
	v2 =	vshrl.u32 v3, $0x1;
	v1 =	vor.u32 v1, v0  }
0x38: {  	v4 =	vand.u32 $0xFFF, v62;
	v3 =	vshll.u32 v3, $0x19;
	v0 =	vld.msk [tilespmem:s17+$0x0 ss:$0x1], $0xffff;
	v2 =	vand.u32 $0x1FFF, v2  }
0x39: {  	v4 =	vsel vm1, $0xFFFFFFFF, v4;
	v3 =	vand.u32 $0x2000000, v3;
	v2 =	vsel vm1, $0xFFFFFFFF, v2  }
0x3a: {  	s31 =	sshll.u32 s12, $0xA;
	v63 =	vand.u32 $0x7F, v4;
	v3 =	vsel vm1, $0xFE000000, v3;
	v6 =	vshll.u32 v2, $0xC  }
0x3b: {  	s14 =	sor.u32 $0x800, s14;
	s15 =	sand.u32 $0x400, s31;
	v4 =	vshll.u32 v4, $0x3;
	(ifvalue) =	ssetifvalue $0x7FFFFFFF;
	v3 =	vor.u32 v3, v63;
	v6 =	vand.u32 $0xFFFF8000, v6  }
0x3c: {  	v4 =	vand.u32 $0xFFFFFC00, v4;
	[tilespmem:s14], [sflag:$0x1] =	stream.indirect_vreg.gather [hbm4b:s2+s10], $0x1, v1, vm0, $0x4038;
	v1 =	vshll.u32 v2, $0x7;
	v2 =	vadd.s32 v6, v3;
	[tilespmem:$0x1000] =	vst v63  }
0x3d: {  	s16 =	simm.s32 $0x20;
	s15 =	sor.u32 $0x800, s15;
	s17 =	sadd.s32 $0x10, s17;
	vm1 =	veq.s32 v0, $0x80000000;
	v1 =	vand.u32 $0x380, v1;
	v2 =	vadd.s32 v4, v2  }
.LBB2_3:
0x3e: {  	v3 =	vld.msk [tilespmem:s17+$0x0 ss:$0x1], $0xffff;
	v4 =	vshrl.u32 v0, $0x1;
	v5 =	vshrl.u32 v0, $0xE;
	v1 =	vor.u32 v1, v2;
	s16 =	sadd.s32 $0x10, s16  }
0x3f: {  	v0 =	vshll.u32 v0, $0x19;
	v2 =	vand.u32 $0x1FFF, v4;
	v4 =	vand.u32 $0xFFF, v5;
	p1 =	slt.u32 s16, $0x3F0  }
.Ltmp3:
0x40: {  	v0 =	vand.u32 $0x2000000, v0;
	v2 =	vsel vm1, $0xFFFFFFFF, v2;
	v4 =	vsel vm1, $0xFFFFFFFF, v4;
	(pc) =	sbr.rel @p1 .LBB2_3-.Ltmp3, $4  }
0x41: {  	v0 =	vsel vm1, $0xFE000000, v0;
	v5 =	vand.u32 $0x7F, v4;
	v6 =	vshll.u32 v2, $0xC  }
0x42: {  	s14 =	sadd.s32 $0x10, s14;
	v4 =	vshll.u32 v4, $0x3;
	v6 =	vand.u32 $0xFFFF8000, v6;
	v7 =	vor.u32 v0, v5;
	(ifvalue) =	ssetifvalue $0x7FFFFFFF  }
0x43: {  	v2 =	vshll.u32 v2, $0x7;
	v4 =	vand.u32 $0xFFFFFC00, v4;
	v5 =	vadd.s32 v6, v7;
	[tilespmem:s14], [sflag:$0x1] =	stream.indirect_vreg.gather [hbm4b:s2+s10], $0x1, v1, vm0, $0x4038;
	[tilespmem:$0x1000] =	vst v63  }
0x44: {  	s17 =	sadd.s32 $0x10, s17;
	vm1 =	veq.s32 v3, $0x80000000;
	v1 =	vand.u32 $0x380, v2;
	v0 =	vmovc v3;
	v2 =	vadd.s32 v4, v5  }
.Ltmp4:
0x45: {  	_ = 	snop;
	(pc) =	sbr.rel .LBB2_4-.Ltmp4, $1  }
0x46: {  	_ =	sdelay $0x3  }
.LBB2_6:
0x47: {  	_ =	sfence.sel $0x180000  }
0x48: {  	s2 =	simm.s32 $0x2;
	[bflag:$0x0] =	sbarrier.arrive $0xFFFF  }
0x49: {  	s30 =	simm.s32 $0x3;
	[sflag:s2] =	ssyncpa.u1 $0x1  }
0x4a: {  	s31 =	simm.s32 $0x1;
	[sflag:s30] =	ssyncpa.u1 $0x1  }
0x4b: {  	[sflag:s31] =	ssyncpa.u1 $0x1  }
0x4c: {  	p0 =	sne.s32 s1, $0x0;
	_ =	strace $0x90000068  }
0x4d: {  	s0 =	sadd.s32 @!p0 $0x100000, s0;
	[bflag:$0x2] =	sbarrier.arrive $0xFFFF  }
0x4e: {  	[sflag:s0] =	ssyncadd.tile.s32 @!p0 $0x1;
	_ =	shalt  }
.Lfunc_end2:
_tile_overlayer_lowered:
.L_overlay_start_2:
0x4f: {  	(tag) =	ssettag $0x2  }
0x50: {  	s0 =	rddreg [dreg:$0x0];
	s2 =	stileid.u32  }
0x51: {  	s1 =	rddreg [dreg:$0x1];
	p0 =	sne.s32 s2, $0x0  }
0x52: {  	s3 =	rddreg [dreg:$0x2];
	[bflag:$0x3] =	sbarrier.arrive $0xFFFF;
	s2 =	simm.s32 @!p0 $0x1C01  }
0x53: {  	[timem:s3], [sflag:s2] =	dma.local @!p0 [hbm:s0], s1  }
0x54: {  	s0 =	simm.s32 @!p0 $0x1  }
0x55: {  	_ =	swait.ge @!p0 [sflag:s0], s1  }
0x56: {  	s1 =	ssub.s32 @!p0 $0x0, s1;
	[sflag:s0] =	ssyncset.done @!p0 $0x0  }
0x57: {  	[sflag:s0] =	ssyncadd.s32 @!p0 s1  }
0x58: {  	[bflag:$0x3] =	sbarrier.arrive $0xFFFF  }
0x59: {  	_ =	shalt  }

// kernel: gather_offload_async_start
scs
__scs_entry_jumppad:
0x0: {  	(pc) =	sbr.rel $0x88, $3  }
0x1: {  	(tag) =	ssettag $0x0;
	lr =	simm.s32 $0x1  }
0x2: {  	[smem:$0x3F64] =	sst lr;
	_ =	strace $0xD0000000  }
0x3: {  	_ = 	snop  }
0x4: {  	_ = 	snop  }
0x5: {  	_ = 	snop  }
0x6: {  	_ = 	snop  }
0x7: {  	_ = 	snop  }
__scs_overlays_trampoline_lowered:
0x8: {  	[smem:$0x3F73] =	sst s0  }
0x9: {  	[smem:$0x3F74] =	sst s1  }
0xa: {  	[smem:$0x3F75] =	sst s2  }
0xb: {  	[smem:$0x3F76] =	sst s3  }
0xc: {  	[smem:$0x3F77] =	sst s4  }
0xd: {  	[smem:$0x3F78] =	sst s5  }
0xe: {  	[smem:$0x3F79] =	sst s6  }
0xf: {  	[smem:$0x3F7A] =	sst s7  }
0x10: {  	[smem:$0x3F7B] =	sst s8  }
0x11: {  	[smem:$0x3F7C] =	sst s9;
	s0 =	simm.s32 @!p0 $0x0  }
0x12: {  	s1 =	sld [smem:$0x3F62];
	s0 =	simm.s32 @p0 $0x1  }
0x13: {  	[smem:$0x3F7D] =	sst s0;
	s0 =	simm.s32 @!p1 $0x0  }
0x14: {  	s2 =	sld [smem:$0x3F61];
	s0 =	simm.s32 @p1 $0x1  }
0x15: {  	[smem:$0x3F7E] =	sst s0;
	s0 =	simm.s32 @!p2 $0x0  }
0x16: {  	s3 =	sld [smem:$0x3FDB];
	s0 =	simm.s32 @p2 $0x1  }
0x17: {  	s4 =	simm.s32 $0x1BF5;
	[smem:$0x3F80] =	sst s0  }
0x18: {  	s0 =	sld [smem:$0x3F63];
	_ =	swait.ge [sflag:s4], $0x0  }
0x19: {  	s7 =	sld [smem:$0x3F64]  }
0x1a: {  	s8 =	sadd.s32 $0xFFFFE003, lr  }
0x1b: {  	s9 =	sadd.s32 $0xFFFFFEF7, lr;
	s5 =	simm.s32 $0xFFFFFFFF;
	p2 =	slt.u32 s8, $0xFFFFF086  }
0x1c: {  	p1 =	slt.u32 s9, $0xF7A;
	s5 =	simm.s32 @!p2 $0x0  }
0x1d: {  	s5 =	simm.s32 @p1 $0x1;
	p0 =	seq.s32 s7, s2  }
0x1e: {  	s7 =	smul.u32 @!p0 $0xF7A, s2;
	p2 =	seq.s32 @!p0 s5, $0x0  }
0x1f: {  	s9 =	smul.u32 $0xF7A, s1;
	s8 =	simm.s32 @!p0 $0x1BF5;
	p2 =	por !p2, p0  }
0x20: {  	[sflag:s8] =	ssyncset.s32 @!p0 $0xFFFFF086;
	s6 =	sadd.s32 @!p0 s3, s7;
	s7 =	simm.s32 @!p0 $0x108  }
0x21: {  	s3 =	sadd.s32 s3, s9;
	s6 =	sadd.s32 @!p0 $0x88, s6;
	s7 =	simm.s32 @p2 $0x1082  }
0x22: {  	[simem:s7], [sflag:s8] =	dma.local @!p0 [hbm:s6], $0xF7A  }
0x23: {  	s9 =	sor.u32 $0xD0000000, s2;
	s6 =	simm.s32 $0x108;
	_ =	swait.ge @!p0 [sflag:s8], $0x0  }
0x24: {  	s3 =	sadd.s32 $0x88, s3;
	s6 =	simm.s32 @!p1 $0x1082;
	[sflag:s4] =	ssyncset.s32 $0xFFFFF086  }
0x25: {  	[simem:s6], [sflag:s4] =	dma.local [hbm:s3], $0xF7A  }
0x26: {  	[smem:$0x3F64] =	sst s1;
	(tag) =	ssettag s2;
	_ =	strace s9  }
0x27: {  	s1 =	sld [smem:$0x3F74]  }
0x28: {  	s2 =	sld [smem:$0x3F75]  }
0x29: {  	s4 =	sld [smem:$0x3F77]  }
0x2a: {  	p0 =	seq.s32 s5, $0x0;
	s5 =	sld [smem:$0x3F78]  }
0x2b: {  	s6 =	sld [smem:$0x3F79]  }
0x2c: {  	s7 =	sld [smem:$0x3F7A]  }
0x2d: {  	s3 =	simm.s32 $0x108;
	s8 =	sld [smem:$0x3F7B]  }
0x2e: {  	s3 =	simm.s32 @!p0 $0x1082;
	s9 =	sld [smem:$0x3F7C]  }
0x2f: {  	lr =	sadd.s32 s0, s3;
	s0 =	sld [smem:$0x3F73]  }
0x30: {  	s3 =	sld [smem:$0x3F76]  }
0x31: {  	[smem:$0x3F7F] =	sst s10  }
0x32: {  	s10 =	sld [smem:$0x3F7D];
	_ =	sdelay $0x3  }
0x33: {  	p0 =	seq.s32 s10, $0x1;
	s10 =	sld [smem:$0x3F7F];
	_ =	sdelay $0x3  }
0x34: {  	[smem:$0x3F7F] =	sst s10  }
0x35: {  	s10 =	sld [smem:$0x3F7E];
	_ =	sdelay $0x3  }
0x36: {  	p1 =	seq.s32 s10, $0x1;
	s10 =	sld [smem:$0x3F7F];
	_ =	sdelay $0x3  }
0x37: {  	[smem:$0x3F7F] =	sst s10  }
0x38: {  	s10 =	sld [smem:$0x3F80]  }
0x39: {  	_ = 	snop;
	(pc) =	sbr.ind lr, $3  }
0x3a: {  	_ = 	snop  }
0x3b: {  	_ = 	snop  }
0x3c: {  	p2 =	seq.s32 s10, $0x1;
	s10 =	sld [smem:$0x3F7F]  }
0x3d: {  	_ =	shalt  }
0x3e: {  	_ =	shalt  }
0x3f: {  	_ =	shalt  }
0x40: {  	_ =	shalt  }
0x41: {  	_ =	shalt  }
0x42: {  	_ =	shalt  }
0x43: {  	_ =	shalt  }
0x44: {  	_ =	shalt  }
0x45: {  	_ =	shalt  }
0x46: {  	_ =	shalt  }
0x47: {  	_ =	shalt  }
0x48: {  	_ =	shalt  }
0x49: {  	_ =	shalt  }
0x4a: {  	_ =	shalt  }
0x4b: {  	_ =	shalt  }
0x4c: {  	_ =	shalt  }
0x4d: {  	_ =	shalt  }
0x4e: {  	_ =	shalt  }
0x4f: {  	_ =	shalt  }
0x50: {  	_ =	shalt  }
0x51: {  	_ =	shalt  }
0x52: {  	_ =	shalt  }
0x53: {  	_ =	shalt  }
0x54: {  	_ =	shalt  }
0x55: {  	_ =	shalt  }
0x56: {  	_ =	shalt  }
0x57: {  	_ =	shalt  }
0x58: {  	_ =	shalt  }
0x59: {  	_ =	shalt  }
0x5a: {  	_ =	shalt  }
0x5b: {  	_ =	shalt  }
0x5c: {  	_ =	shalt  }
0x5d: {  	_ =	shalt  }
0x5e: {  	_ =	shalt  }
0x5f: {  	_ =	shalt  }
0x60: {  	_ =	shalt  }
0x61: {  	_ =	shalt  }
0x62: {  	_ =	shalt  }
0x63: {  	_ =	shalt  }
0x64: {  	_ =	shalt  }
0x65: {  	_ =	shalt  }
0x66: {  	_ =	shalt  }
0x67: {  	_ =	shalt  }
0x68: {  	_ =	shalt  }
0x69: {  	_ =	shalt  }
0x6a: {  	_ =	shalt  }
0x6b: {  	_ =	shalt  }
0x6c: {  	_ =	shalt  }
0x6d: {  	_ =	shalt  }
0x6e: {  	_ =	shalt  }
0x6f: {  	_ =	shalt  }
0x70: {  	_ =	shalt  }
0x71: {  	_ =	shalt  }
0x72: {  	_ =	shalt  }
0x73: {  	_ =	shalt  }
0x74: {  	_ =	shalt  }
0x75: {  	_ =	shalt  }
0x76: {  	_ =	shalt  }
0x77: {  	_ =	shalt  }
0x78: {  	_ =	shalt  }
0x79: {  	_ =	shalt  }
0x7a: {  	_ =	shalt  }
0x7b: {  	_ =	shalt  }
0x7c: {  	_ =	shalt  }
0x7d: {  	_ =	shalt  }
0x7e: {  	_ =	shalt  }
0x7f: {  	_ =	shalt  }
0x80: {  	_ =	shalt  }
0x81: {  	_ =	shalt  }
0x82: {  	_ =	shalt  }
0x83: {  	_ =	shalt  }
0x84: {  	_ =	shalt  }
0x85: {  	_ =	shalt  }
0x86: {  	_ =	shalt  }
0x87: {  	_ =	shalt  }
.Lfunc_end0:
.L_simem_size_0:
called_computation.6_lowered:
.L_overlay_start_0:
0x88: {  	s2 =	sld [smem:$0x3FD9]  }
0x89: {  	s3 =	sld [smem:$0x3FFE];
	_ =	sdelay $0x1  }
0x8a: {  	s1 =	srdreg.scid  }
0x8b: {  	s0 =	sand.u32 $0x1, s1  }
0x8c: {  	s17 =	sshll.u32 s0, $0xA;
	s2 =	sadd.s32 s3, s2  }
0x8d: {  	s2 =	sadd.s32 s2, s17  }
0x8e: {  	[smem:$0x3F8B] =	sst s2  }
0x8f: {  	_ = 	snop  }
0x90: {  	s2 =	sld [smem:$0x3FD0];
	(tm) =	ssettm $0x1  }
0x91: {  	s18 =	sld [smem:$0x3FFB];
	_ =	sdelay $0x3  }
0x92: {  	_ =	strace s18  }
0x93: {  	s3 =	sld [smem:$0x3FFC];
	_ =	sdelay $0x3  }
0x94: {  	_ =	strace s3  }
0x95: {  	s3 =	sld [smem:$0x3FFD];
	_ =	sdelay $0x3  }
0x96: {  	_ =	strace s3  }
0x97: {  	_ =	strace $0x8FFFFFFF  }
0x98: {  	s19 =	sld [smem:$0x3FDB];
	_ =	sdelay $0x1  }
0x99: {  	s4 =	simm.s32 $_scs_section_size  }
0x9a: {  	s5 =	simm.s32 $_size__tile_overlayer_lowered;
	s6 =	simm.s32 $_tile_overlayer_lowered  }
0x9b: {  	s22 =	simm.s32 $0x1BFF;
	s21 =	sshll.u32 s6, $0x1;
	s3 =	sadd.s32 s4, s19  }
0x9c: {  	s7 =	simm.s32 $0x0;
	s20 =	sshll.u32 s5, $0x1;
	s5 =	sadd.s32 s21, s3  }
0x9d: {  	[timem:s7], [sflag:s22] =	dma.local [hbm:s5], s20  }
0x9e: {  	_ =	swait.ge [sflag:s22], s20  }
0x9f: {  	s4 =	ssub.s32 $0x0, s20;
	[sflag:s22] =	ssyncset.done $0x0  }
0xa0: {  	[sflag:s22] =	ssyncadd.s32 s4;
	_ =	sdelay $0x1  }
0xa1: {  	s23 =	simm.s32 $0x1B8B  }
0xa2: {  	_ =	swait.ge [sflag:s23], $0x1  }
0xa3: {  	[sflag:s23] =	ssyncset.done $0x0  }
0xa4: {  	s25 =	simm.s32 $0x1B8E;
	s24 =	sld [smem:$0x3FFE];
	[sflag:s23] =	ssyncadd.s32 $0xFFFFFFFF  }
0xa5: {  	s26 =	simm.s32 $execute0_lowered;
	[smem:$0x3FD2] =	sst s25  }
0xa6: {  	s5 =	sshll.u32 s26, $0x1;
	_ =	strace $0x80000046;
	[dreg:$0x1] =	wrdreg $0xFFFFFFFF  }
0xa7: {  	s28 =	simm.s32 $_size_execute0_lowered;
	s3 =	sadd.s32 s3, s5;
	[dreg:$0x0] =	wrdreg $0x0  }
0xa8: {  	s5 =	sshll.u32 s28, $0x1;
	[dreg:$0x2] =	wrdreg s3  }
0xa9: {  	[dreg:$0x3] =	wrdreg s5  }
0xaa: {  	[dreg:$0x4] =	wrdreg $0xC0  }
0xab: {  	_ =	task [dreg:s7], $0x5FFFF  }
0xac: {  	[dreg:$0x1] =	wrdreg $0xFFFFFFFF  }
0xad: {  	[dreg:$0x0] =	wrdreg $0x60  }
0xae: {  	[dreg:$0x2] =	wrdreg s24  }
0xaf: {  	[dreg:$0x3] =	wrdreg s2  }
0xb0: {  	[dreg:$0x4] =	wrdreg $0x9  }
0xb1: {  	_ =	task.clear_ibuf [dreg:s7], $0x5FFFF;
	_ =	strace $0x90000046  }
0xb2: {  	s29 =	simm.s32 $0x9;
	_ =	strace $0x80000048  }
0xb3: {  	_ =	swait.ge [sflag:s29], $0x1  }
0xb4: {  	[sflag:s29] =	ssyncadd.s32 $0xFFFFFFFF  }
0xb5: {  	_ =	strace $0x90000048  }
0xb6: {  	_ =	sfence  }
0xb7: {  	s30 =	sld [smem:$0x0];
	_ =	sdelay $0x2  }
0xb8: {  	s31 =	sshll.u32 s1, $0xD;
	s1 =	sshrl.u32 s1, $0x2  }
0xb9: {  	s3 =	sand.u32 $0x4000, s31;
	s1 =	sadd.s32 s1, s30  }
0xba: {  	s0 =	sor.u32 s3, s0;
	s1 =	sshll.u32 s1, $0x11  }
0xbb: {  	s0 =	sor.u32 s1, s0  }
0xbc: {  	s0 =	sadd.s32 $0x8F2B, s0  }
0xbd: {  	[sflag:s0] =	ssyncadd.remote.s32 $0x1  }
0xbe: {  	_ =	sfence.sel $0xFFFF  }
0xbf: {  	[dreg:$0x0] =	wrdreg $0xFFFFFFFF;
	(pc) =	sbr.abs _section_cstart, $3  }
0xc0: {  	[dreg:$0x1] =	wrdreg $0xFFFFFFFF  }
0xc1: {  	_ =	task.clear_ibuf [dreg:s7], $0x2FFFF;
	_ =	strace $0x9FFFFFFF  }
0xc2: {  	(tm) =	ssettm $0x7FFFFFFF  }
0xc3: {  	_ =	shalt  }
tec
execute0_lowered:
.L_overlay_start_1:
0x0: {  	(tag) =	ssettag $0x1  }
0x1: {  	s2 =	rddreg [dreg:$0x0]  }
0x2: {  	s3 =	rddreg [dreg:$0x1]  }
0x3: {  	s0 =	rddreg [dreg:$0x2];
	s1 =	srdreg.scid;
	_ =	strace $0x80000047  }
0x4: {  	s4 =	simm.s32 $0x1;
	s9 =	simm.s32 $0x3;
	s5 =	sshll.u32 s1, $0x4  }
.Ltmp0:
0x5: {  	s1 =	stileid.u32;
	s5 =	sand.u32 $0x10, s5;
	(pc) =	sbr.rel .LBB2_1-.Ltmp0, $4  }
0x6: {  	s12 =	simm.s32 $0x0;
	s10 =	simm.s32 $0x0;
	s6 =	sor.u32 s1, s5  }
0x7: {  	[sflag:s4] =	ssyncpa.u1 $0x0;
	s5 =	simm.s32 $0x2;
	s6 =	sshll.u32 s6, $0x8  }
0x8: {  	s7 =	sadd.s32 $0x40000, s2;
	[sflag:s5] =	ssyncpa.u1 $0x0;
	s8 =	sadd.s32 $0x100, s6  }
0x9: {  	vm0 =	vmmov $0xff;
	vm1 =	vcmask $0x3F20;
	[sflag:s9] =	ssyncpa.u1 $0x0;
	s9 =	simm.s32 $0x100;
	s11 =	smov.u32 s6  }
.LBB2_9:
0xa: {  	p0 =	seq.s32 s10, $0x2  }
.Ltmp1:
0xb: {  	_ = 	snop;
	(pc) =	sbr.rel @p0 .LBB2_11-.Ltmp1, $1  }
0xc: {  	_ =	sdelay $0x3  }
.LBB2_10:
0xd: {  	s12 =	sadd.s32 $0x100, s11  }
0xe: {  	s13 =	smov.u32 s6;
	p0 =	slt.s32 s12, s8  }
0xf: {  	s13 =	smov.u32 @p0 s12  }
0x10: {  	s10 =	sadd.s32 $0x1, s10;
	s12 =	smov.u32 s11;
	s11 =	smov.u32 s13  }
.LBB2_1:
0x11: {  	p0 =	sne.s32 s10, $0x0  }
.Ltmp2:
0x12: {  	_ = 	snop;
	(pc) =	sbr.rel @!p0 .LBB2_2-.Ltmp2, $1  }
0x13: {  	_ =	sdelay $0x3  }
0x14: {  	s13 =	sand.u32 $0x1, s10  }
0x15: {  	p0 =	seq.s32 s13, $0x0  }
.Ltmp3:
0x16: {  	_ = 	snop;
	(pc) =	sbr.rel @p0 .LBB2_9-.Ltmp3, $1  }
0x17: {  	_ =	sdelay $0x3  }
0x18: {  	_ =	swait.ge [sflag:s5], $0x100  }
0x19: {  	[sflag:s5] =	ssyncset.done $0x0  }
0x1a: {  	s13 =	simm.s32 $0x0;
	[sflag:s5] =	ssyncadd.s32 $0xFFFFFF00  }
0x1b: {  	v0 =	vld.msk [tilespmem:s13+$0x100 ss:$0x1], $0xffff;
	_ =	sdelay $0x4  }
0x1c: {  	v1 =	vshll.u32 v0, $0x6  }
0x1d: {  	vm2 =	veq.s32 v0, $0x80000000;
	v0 =	vshll.u32 v0, $0x14;
	v1 =	vand.u32 $0xFFF80, v1  }
0x1e: {  	v0 =	vand.u32 $0x100000, v0;
	v1 =	vsel vm2, $0xFFFFFF80, v1  }
0x1f: {  	v0 =	vsel vm2, $0xFFF00000, v0;
	v2 =	vand.u32 $0xFFFFFC00, v1  }
0x20: {  	v1 =	vand.u32 $0x380, v1;
	v0 =	vadd.s32 v0, v2  }
0x21: {  	v0 =	vor.u32 v1, v0  }
0x22: {  	v0 =	vshrl.u32 v0, $0x3;
	_ =	sdelay $0x3  }
0x23: {  	s13 =	simm.s32 $0x8200  }
0x24: {  	[tilespmem:s13], [sflag:$0x1] =	stream.indirect_vreg.gather [hbm:s2], $0x80, v0, vm0, $0x38;
	[tilespmem:$0x10200] =	vst v63  }
0x25: {  	s14 =	simm.s32 $0x8600;
	s31 =	simm.s32 $0x10  }
0x26: {  	[tilespmem:s14], [sflag:$0x1] =	stream.indirect_vreg.gather [hbm:s2], $0x80, v0, vm1, $0x38;
	[tilespmem:$0x10200] =	vst v63  }
0x27: {  	s14 =	simm.s32 $0x80;
	v0 =	vld.msk [tilespmem:s31+$0x100 ss:$0x1], $0xffff  }
.LBB2_5:
0x28: {  	p0 =	sne.s32 s14, $0x3C0;
	_ =	sdelay $0x4  }
0x29: {  	v1 =	vshll.u32 v0, $0x6  }
0x2a: {  	vm2 =	veq.s32 v0, $0x80000000;
	v0 =	vshll.u32 v0, $0x14;
	v1 =	vand.u32 $0xFFF80, v1  }
0x2b: {  	v0 =	vand.u32 $0x100000, v0;
	v1 =	vsel vm2, $0xFFFFFF80, v1  }
0x2c: {  	v0 =	vsel vm2, $0xFFF00000, v0;
	v2 =	vand.u32 $0xFFFFFC00, v1  }
0x2d: {  	v1 =	vand.u32 $0x380, v1;
	v0 =	vadd.s32 v0, v2  }
0x2e: {  	v0 =	vor.u32 v1, v0  }
0x2f: {  	v0 =	vshrl.u32 v0, $0x3;
	_ =	sdelay $0x3  }
.Ltmp4:
0x30: {  	s13 =	sadd.s32 $0x800, s13;
	(pc) =	sbr.rel @p0 .LBB2_5-.Ltmp4, $4  }
0x31: {  	[tilespmem:s13], [sflag:$0x1] =	stream.indirect_vreg.gather [hbm:s2], $0x80, v0, vm0, $0x38;
	[tilespmem:$0x10200] =	vst v63  }
0x32: {  	s15 =	sshra.s32 s14, $0x2;
	s16 =	sadd.s32 $0x400, s13  }
0x33: {  	[tilespmem:s16], [sflag:$0x1] =	stream.indirect_vreg.gather [hbm:s2], $0x80, v0, vm1, $0x38;
	[tilespmem:$0x10200] =	vst v63  }
0x34: {  	s14 =	sadd.s32 $0x40, s14;
	v0 =	vld.msk [tilespmem:s15+$0x100 ss:$0x1], $0xffff  }
0x35: {  	_ =	sdelay $0x3  }
0x36: {  	v1 =	vshll.u32 v0, $0x6  }
0x37: {  	vm2 =	veq.s32 v0, $0x80000000;
	v63 =	vshll.u32 v0, $0x14;
	v1 =	vand.u32 $0xFFF80, v1  }
0x38: {  	v0 =	vand.u32 $0x100000, v63;
	v1 =	vsel vm2, $0xFFFFFF80, v1  }
0x39: {  	v0 =	vsel vm2, $0xFFF00000, v0;
	v2 =	vand.u32 $0xFFFFFC00, v1  }
0x3a: {  	v1 =	vand.u32 $0x380, v1;
	v0 =	vadd.s32 v0, v2  }
0x3b: {  	v0 =	vor.u32 v1, v0  }
0x3c: {  	v0 =	vshrl.u32 v0, $0x3;
	_ =	sdelay $0x3  }
0x3d: {  	s13 =	sadd.s32 $0x800, s13  }
0x3e: {  	[tilespmem:s13], [sflag:$0x1] =	stream.indirect_vreg.gather [hbm:s2], $0x80, v0, vm0, $0x38;
	[tilespmem:$0x10200] =	vst v63  }
0x3f: {  	s13 =	sadd.s32 $0x400, s13  }
0x40: {  	[tilespmem:s13], [sflag:$0x1] =	stream.indirect_vreg.gather [hbm:s2], $0x80, v0, vm1, $0x38;
	[tilespmem:$0x10200] =	vst v63  }
0x41: {  	s12 =	sshll.u32 s12, $0x4;
	s14 =	simm.s32 $0x80;
	_ =	swait.ge [sflag:s4], $0x8000  }
0x42: {  	s15 =	simm.s32 $0x8600;
	s12 =	sadd.s32 s12, s7;
	[sflag:s4] =	ssyncset.done $0x0  }
0x43: {  	s16 =	sadd.s32 $0x0, s12;
	s13 =	simm.s32 $0x8200;
	[sflag:s4] =	ssyncadd.s32 $0xFFFF8000  }
.LBB2_7:
0x44: {  	[hbm:s16] =	stream.linear.scatter [tilespmem:s13], [sflag:$0x3], $0x400, $0x38;
	[tilespmem:$0x10200] =	vst v63  }
0x45: {  	s16 =	smov.u32 s14;
	s13 =	smov.u32 s15;
	p0 =	sne.s32 s14, $0xF80  }
.Ltmp5:
0x46: {  	s14 =	sadd.s32 $0x80, s14;
	(pc) =	sbr.rel @p0 .LBB2_7-.Ltmp5, $2  }
0x47: {  	_ =	sdelay $0x2  }
0x48: {  	s15 =	sadd.s32 $0x400, s15;
	s16 =	sadd.s32 s16, s12  }
.Ltmp6:
0x49: {  	(pc) =	sbr.rel .LBB2_9-.Ltmp6, $2  }
0x4a: {  	_ =	sdelay $0x2  }
0x4b: {  	[hbm:s16] =	stream.linear.scatter [tilespmem:s13], [sflag:$0x3], $0x400, $0x38;
	[tilespmem:$0x10200] =	vst v63  }
.LBB2_2:
.Ltmp7:
0x4c: {  	(pc) =	sbr.rel .LBB2_10-.Ltmp7, $4  }
0x4d: {  	_ = 	snop  }
0x4e: {  	s12 =	sshrl.u32 s11, $0x3  }
0x4f: {  	s13 =	sand.u32 $0x7, s11;
	s12 =	sadd.s32 s3, s12  }
0x50: {  	[tilespmem:s9], [sflag:$0x2] =	stream.linear.gather [hbm4b:s12+s13], $0x100, $0x38;
	[tilespmem:$0x10200] =	vst v63  }
.LBB2_11:
0x51: {  	s2 =	simm.s32 $0x3  }
0x52: {  	_ =	swait.ge [sflag:s2], $0x8000  }
0x53: {  	[sflag:s2] =	ssyncset.done $0x0  }
0x54: {  	[sflag:s2] =	ssyncadd.s32 $0xFFFF8000  }
0x55: {  	_ =	sfence.sel $0x180000  }
0x56: {  	s3 =	simm.s32 $0x2;
	[bflag:$0x0] =	sbarrier.arrive $0xFFFF  }
0x57: {  	[sflag:s3] =	ssyncpa.u1 $0x1  }
0x58: {  	s31 =	simm.s32 $0x1;
	[sflag:s2] =	ssyncpa.u1 $0x1  }
0x59: {  	[sflag:s31] =	ssyncpa.u1 $0x1  }
0x5a: {  	p0 =	sne.s32 s1, $0x0;
	_ =	strace $0x90000047  }
0x5b: {  	s0 =	sadd.s32 @!p0 $0x100000, s0;
	[bflag:$0x2] =	sbarrier.arrive $0xFFFF  }
0x5c: {  	[sflag:s0] =	ssyncadd.tile.s32 @!p0 $0x1;
	_ =	shalt  }
.Lfunc_end2:
_tile_overlayer_lowered:
.L_overlay_start_2:
0x5d: {  	(tag) =	ssettag $0x2  }
0x5e: {  	s0 =	rddreg [dreg:$0x0];
	s2 =	stileid.u32  }
0x5f: {  	s1 =	rddreg [dreg:$0x1];
	p0 =	sne.s32 s2, $0x0  }
0x60: {  	s3 =	rddreg [dreg:$0x2];
	[bflag:$0x3] =	sbarrier.arrive $0xFFFF;
	s2 =	simm.s32 @!p0 $0x1C01  }
0x61: {  	[timem:s3], [sflag:s2] =	dma.local @!p0 [hbm:s0], s1  }
0x62: {  	s0 =	simm.s32 @!p0 $0x1  }
0x63: {  	_ =	swait.ge @!p0 [sflag:s0], s1  }
0x64: {  	s1 =	ssub.s32 @!p0 $0x0, s1;
	[sflag:s0] =	ssyncset.done @!p0 $0x0  }
0x65: {  	[sflag:s0] =	ssyncadd.s32 @!p0 s1  }
0x66: {  	[bflag:$0x3] =	sbarrier.arrive $0xFFFF  }
0x67: {  	_ =	shalt  }

// kernel: sparse-core-data-format-call.1.cloned.1.call-start
scs
called_computation.1_lowered:
.L_overlay_start_0:
0x0: {  	s2 =	sld [smem:$0x3FD9]  }
0x1: {  	s3 =	sld [smem:$0x3FFE];
	_ =	sdelay $0x1  }
0x2: {  	s1 =	srdreg.scid  }
0x3: {  	s0 =	sand.u32 $0x1, s1  }
0x4: {  	s18 =	sshll.u32 s0, $0xA;
	s2 =	sadd.s32 s3, s2  }
0x5: {  	s2 =	sadd.s32 s2, s18  }
0x6: {  	[smem:$0x3F8B] =	sst s2  }
0x7: {  	_ = 	snop  }
0x8: {  	(tm) =	ssettm $0x1  }
0x9: {  	s19 =	sld [smem:$0x3FFB];
	_ =	sdelay $0x3  }
0xa: {  	_ =	strace s19  }
0xb: {  	s2 =	sld [smem:$0x3FFC];
	_ =	sdelay $0x3  }
0xc: {  	_ =	strace s2  }
0xd: {  	s2 =	sld [smem:$0x3FFD];
	_ =	sdelay $0x3  }
0xe: {  	_ =	strace s2  }
0xf: {  	_ =	strace $0x8FFFFFFF  }
0x10: {  	s20 =	sld [smem:$0x3FDB];
	_ =	sdelay $0x1  }
0x11: {  	s21 =	simm.s32 $_scs_section_size  }
0x12: {  	s4 =	simm.s32 $_size__tile_overlayer_lowered;
	s5 =	simm.s32 $_tile_overlayer_lowered  }
0x13: {  	s6 =	simm.s32 $0x1BFF;
	s22 =	sshll.u32 s5, $0x1;
	s3 =	sadd.s32 s21, s20  }
0x14: {  	s23 =	simm.s32 $0x0;
	s4 =	sshll.u32 s4, $0x1;
	s5 =	sadd.s32 s22, s3  }
0x15: {  	[timem:s23], [sflag:s6] =	dma.local [hbm:s5], s4  }
0x16: {  	_ =	swait.ge [sflag:s6], s4  }
0x17: {  	s4 =	ssub.s32 $0x0, s4;
	[sflag:s6] =	ssyncset.done $0x0  }
0x18: {  	[sflag:s6] =	ssyncadd.s32 s4;
	_ =	sdelay $0x1  }
0x19: {  	s24 =	simm.s32 $0x1B8B  }
0x1a: {  	_ =	swait.ge [sflag:s24], $0x1  }
0x1b: {  	[sflag:s24] =	ssyncset.done $0x0  }
0x1c: {  	[sflag:s24] =	ssyncadd.s32 $0xFFFFFFFF  }
0x1d: {  	s4 =	sld [smem:$0x0]  }
0x1e: {  	s5 =	sand.u32 $0xFFFFFFFE, s1  }
0x1f: {  	p0 =	sne.s32 s1, s5  }
0x20: {  	s5 =	sshll.u32 @p0 s5, $0xE  }
0x21: {  	s5 =	sadd.s32 @p0 $0x11B8D, s5;
	s6 =	sshll.u32 @p0 s4, $0x11  }
0x22: {  	s5 =	sor.u32 @p0 s6, s5  }
0x23: {  	[sflag:s5] =	ssyncadd.remote.s32 @p0 $0x1;
	_ =	sdelay $0x1  }
0x24: {  	s5 =	simm.s32 @p0 $0x1B8D  }
0x25: {  	_ =	swait.eq @p0 [sflag:s5], $0x1  }
0x26: {  	[sflag:s5] =	ssyncadd.s32 @p0 $0xFFFFFFFF  }
0x27: {  	s6 =	sshll.u32 @!p0 s1, $0xE  }
0x28: {  	s6 =	sor.u32 @!p0 $0x4000, s6;
	s5 =	simm.s32 @!p0 $0x1B8D  }
0x29: {  	s4 =	sshll.u32 @!p0 s4, $0x11;
	s6 =	sadd.s32 @!p0 $0x11B8D, s6;
	_ =	swait.eq @!p0 [sflag:s5], $0x1  }
0x2a: {  	s4 =	sor.u32 @!p0 s4, s6;
	[sflag:s5] =	ssyncadd.s32 @!p0 $0xFFFFFFFF  }
0x2b: {  	s26 =	simm.s32 $0x1B8E;
	s25 =	sld [smem:$0x3FFE];
	[sflag:s4] =	ssyncadd.remote.s32 @!p0 $0x1  }
0x2c: {  	s27 =	simm.s32 $execute0_lowered;
	[smem:$0x3FD2] =	sst s26  }
0x2d: {  	s5 =	sshll.u32 s27, $0x1;
	_ =	strace $0x8000004F;
	[dreg:$0x1] =	wrdreg $0xFFFFFFFF  }
0x2e: {  	s28 =	simm.s32 $_size_execute0_lowered;
	s3 =	sadd.s32 s3, s5;
	[dreg:$0x0] =	wrdreg $0x0  }
0x2f: {  	s5 =	sshll.u32 s28, $0x1;
	[dreg:$0x2] =	wrdreg s3  }
0x30: {  	[dreg:$0x3] =	wrdreg s5  }
0x31: {  	[dreg:$0x4] =	wrdreg $0xC0  }
0x32: {  	_ =	task [dreg:s23], $0x5FFFF  }
0x33: {  	[dreg:$0x1] =	wrdreg $0xFFFFFFFF  }
0x34: {  	[dreg:$0x0] =	wrdreg $0x60  }
0x35: {  	[dreg:$0x2] =	wrdreg s25  }
0x36: {  	[dreg:$0x3] =	wrdreg $0x9  }
0x37: {  	_ =	task.clear_ibuf [dreg:s23], $0x4FFFF;
	_ =	strace $0x9000004F  }
0x38: {  	s29 =	simm.s32 $0x9;
	_ =	strace $0x80000051  }
0x39: {  	_ =	swait.ge [sflag:s29], $0x1  }
0x3a: {  	[sflag:s29] =	ssyncadd.s32 $0xFFFFFFFF  }
0x3b: {  	_ =	strace $0x90000051  }
0x3c: {  	_ =	sfence  }
0x3d: {  	s30 =	sld [smem:$0x0];
	_ =	sdelay $0x2  }
0x3e: {  	s31 =	sshll.u32 s1, $0xD;
	s1 =	sshrl.u32 s1, $0x2  }
0x3f: {  	s4 =	sand.u32 $0x4000, s31;
	s1 =	sadd.s32 s1, s30  }
0x40: {  	s0 =	sor.u32 s4, s0;
	s1 =	sshll.u32 s1, $0x11  }
0x41: {  	s0 =	sor.u32 s1, s0  }
0x42: {  	s0 =	sadd.s32 $0x8F2B, s0  }
0x43: {  	[sflag:s0] =	ssyncadd.remote.s32 $0x1  }
0x44: {  	_ =	sfence.sel $0xFFFF  }
0x45: {  	[dreg:$0x0] =	wrdreg $0xFFFFFFFF;
	(pc) =	sbr.abs _section_cstart, $3  }
0x46: {  	[dreg:$0x1] =	wrdreg $0xFFFFFFFF  }
0x47: {  	_ =	task.clear_ibuf [dreg:s23], $0x2FFFF;
	_ =	strace $0x9FFFFFFF  }
0x48: {  	(tm) =	ssettm $0x7FFFFFFF  }
0x49: {  	_ =	shalt  }
tec
execute0_lowered:
.L_overlay_start_1:
0x0: {  	(tag) =	ssettag $0x1  }
0x1: {  	s0 =	stileid.u32  }
0x2: {  	s1 =	srdreg.scid;
	s5 =	rddreg [dreg:$0x0];
	s31 =	simm.s32 $0x2  }
0x3: {  	s16 =	simm.s32 $0x0;
	s2 =	sshll.u32 s0, $0x6;
	s1 =	sshll.u32 s1, $0xA  }
0x4: {  	s9 =	simm.s32 $0x8000;
	s14 =	simm.s32 $0x0;
	s1 =	sor.u32 s2, s1  }
0x5: {  	s15 =	simm.s32 $0x0;
	s10 =	simm.s32 $0x0;
	s1 =	sand.u32 $0x780, s1  }
0x6: {  	s13 =	simm.s32 $0x0;
	s2 =	sand.u32 $0x1, s0;
	s3 =	ssub.s32 $0x1000, s1  }
0x7: {  	s4 =	ssub.s32 $0x2, s2;
	s12 =	smov.u32 s2;
	s6 =	sand.u32 $0x780, s3  }
0x8: {  	s7 =	sshrl.u32 s4, $0x1;
	p0 =	sne.s32 s6, $0x0;
	s6 =	simm.s32 $0x1  }
0x9: {  	s4 =	sand.u32 $0x1, s4;
	s8 =	sshrl.u32 s3, $0xB;
	s6 =	simm.s32 @!p0 $0x0  }
.Ltmp0:
0xa: {  	s4 =	sadd.s32 s4, s7;
	s6 =	sadd.s32 s6, s8;
	(pc) =	sbr.rel .LBB1_1-.Ltmp0, $4  }
0xb: {  	s11 =	smov.u32 s1;
	s3 =	rddreg [dreg:$0x1];
	s7 =	smul.u32 s6, s4  }
0xc: {  	_ =	strace $0x80000050;
	p0 =	por $0x0, $0x0;
	s6 =	simm.s32 $0x1  }
0xd: {  	s4 =	sadd.s32 $0xA6BA00, s5;
	[sflag:s6] =	ssyncpa.u1 $0x0;
	s7 =	sshll.u32 s7, $0x3  }
0xe: {  	s5 =	sadd.s32 $0xB6FA00, s5;
	[sflag:s31] =	ssyncpa.u1 $0x0;
	s8 =	sor.u32 $0x1, s7  }
.LBB1_4:
0xf: {  	v5 =	vld [tilespmem:s19+$0xFFFFFFD0]  }
0x10: {  	[tilespmem:s20+$0x2040 ss:$0x81] =	vst.msk $0xffff, v1;
	v58 =	vld [tilespmem:s19+$0xFFFFFFE0]  }
0x11: {  	[tilespmem:s20+$0x2850 ss:$0x81] =	vst.msk $0xffff, v2;
	v59 =	vld [tilespmem:s19+$0xFFFFFFF0]  }
0x12: {  	s21 =	sshra.s32 s21, $0x2;
	[tilespmem:s20+$0x3060 ss:$0x81] =	vst.msk $0xffff, v3;
	v60 =	vld [tilespmem:s19+$0x0]  }
0x13: {  	[tilespmem:s20+$0x0 ss:$0x81] =	vst.msk $0xffff, v0;
	v61 =	vld [tilespmem:s19+$0x10];
	s18 =	sadd.s32 s21, s18  }
0x14: {  	s26 =	sshll.u32 s16, $0xC;
	v62 =	vld [tilespmem:s19+$0x20];
	[tilespmem:s18+$0x3870 ss:$0x81] =	vst.msk $0xffff, v4  }
0x15: {  	s27 =	sand.u32 $0x78, s14;
	s22 =	sshll.u32 s14, $0x3;
	v63 =	vld [tilespmem:s19+$0xFFFFFFC0];
	s29 =	sshll.u32 s16, $0x7;
	[tilespmem:s18+$0x810 ss:$0x81] =	vst.msk $0xffff, v5  }
0x16: {  	s15 =	sshll.u32 s15, $0x13;
	s20 =	sand.u32 $0x3F8000, s26;
	s28 =	sand.u32 $0x3FFC00, s22;
	[tilespmem:s18+$0x1020 ss:$0x81] =	vst.msk $0xffff, v58  }
0x17: {  	s31 =	sand.u32 $0x7, s14;
	s22 =	sand.u32 $0xC00, s22;
	s19 =	sadd.s32 s28, s20;
	[tilespmem:s18+$0x1830 ss:$0x81] =	vst.msk $0xffff, v59  }
0x18: {  	s16 =	sand.u32 $0x380, s29;
	s30 =	sor.u32 s27, s22;
	s19 =	sshrl.u32 s19, $0x3;
	[tilespmem:s18+$0x2040 ss:$0x81] =	vst.msk $0xffff, v60  }
0x19: {  	s15 =	sadd.s32 s5, s15;
	s16 =	sor.u32 s16, s30;
	s19 =	sand.u32 $0x7FE00, s19;
	[tilespmem:s18+$0x2850 ss:$0x81] =	vst.msk $0xffff, v61  }
0x1a: {  	s14 =	sshll.u32 s31, $0x12;
	s16 =	sshrl.u32 s16, $0x3;
	[tilespmem:s18+$0x3060 ss:$0x81] =	vst.msk $0xffff, v62;
	s15 =	sadd.s32 s19, s15  }
0x1b: {  	s14 =	sor.u32 $0x400, s14;
	[tilespmem:s18+$0x0 ss:$0x81] =	vst.msk $0xffff, v63;
	s15 =	sadd.s32 s16, s15  }
0x1c: {  	[hbm4b:s15+s14] =	stream.strided.scatter [tilespmem:s17], [sflag:$0x2], $0x4000, s9, s14, $0x20;
	[tilespmem:$0x10100] =	vst v63  }
.LBB1_5:
0x1d: {  	s17 =	sadd.s32 $0x80, s10  }
0x1e: {  	s14 =	sadd.s32 $0x800, s11;
	s18 =	smov.u32 s11;
	p2 =	sgt.s32 s17, $0x3FF  }
0x1f: {  	s18 =	smov.u32 @p2 s14  }
0x20: {  	s20 =	smov.u32 s12;
	s14 =	sadd.s32 $0x2, s12;
	p3 =	sgt.s32 s18, $0xFFF  }
0x21: {  	s20 =	smov.u32 @p3 s14  }
0x22: {  	s17 =	simm.s32 @p2 $0x0;
	p2 =	sgt.s32 s20, $0x1  }
0x23: {  	p1 =	slt.u32 s13, $0x2;
	s20 =	smov.u32 @p2 s2;
	p2 =	sne.s32 s13, s8  }
.Ltmp1:
0x24: {  	s19 =	simm.s32 @!p1 $0x2;
	(pc) =	sbr.rel @!p2 .LBB1_6-.Ltmp1, $4  }
0x25: {  	s16 =	smov.u32 s10;
	s15 =	smov.u32 s12;
	_ =	swait.ge @!p1 [sflag:s19], $0x4000  }
0x26: {  	p0 =	por !p0, !p0;
	[sflag:s19] =	ssyncset.done @!p1 $0x0;
	s10 =	smov.u32 s17  }
0x27: {  	s18 =	smov.u32 @p3 s1;
	s14 =	smov.u32 s11;
	[sflag:s19] =	ssyncadd.s32 @!p1 $0xFFFFC000  }
0x28: {  	s11 =	smov.u32 s18;
	s13 =	sadd.s32 $0x1, s13;
	s12 =	smov.u32 s20  }
.LBB1_1:
0x29: {  	p1 =	sge.u32 s13, s7  }
0x2a: {  	s31 =	sadd.s32 $0xFFFFFFFF, s13;
	s17 =	sshll.u32 @!p1 s11, $0x7  }
0x2b: {  	s18 =	sxor.u32 @!p1 $0xFFFFFFFF, s13;
	s19 =	sand.u32 @!p1 $0x78, s10;
	s20 =	sand.u32 @!p1 $0x380, s17  }
0x2c: {  	s18 =	sshll.u32 @!p1 s18, $0xE;
	s19 =	sor.u32 @!p1 s19, s20;
	s20 =	sshll.u32 @!p1 s12, $0x13  }
0x2d: {  	s17 =	sand.u32 @!p1 $0x7FC00, s17;
	s19 =	sshrl.u32 @!p1 s19, $0x3;
	s20 =	sadd.s32 @!p1 s4, s20  }
0x2e: {  	s17 =	sadd.s32 @!p1 s10, s17;
	s19 =	sadd.s32 @!p1 s19, s20;
	s20 =	sand.u32 @!p1 $0x7, s10  }
0x2f: {  	s18 =	sand.u32 @!p1 $0x4000, s18;
	s17 =	sand.u32 @!p1 $0x7FF80, s17;
	s20 =	sshll.u32 @!p1 s20, $0x12  }
0x30: {  	s17 =	sadd.s32 @!p1 s17, s19;
	s19 =	sor.u32 @!p1 $0x400, s20;
	s20 =	simm.s32 @!p1 $0x2000  }
0x31: {  	[tilespmem:s18], [sflag:$0x1] =	stream.strided.gather @!p1 [hbm4b:s17+s19], $0x4000, s20, s19, $0x38;
	[tilespmem:$0x10100] =	vst v63  }
0x32: {  	p1 =	sge.u32 s31, s7  }
.Ltmp2:
0x33: {  	_ = 	snop;
	(pc) =	sbr.rel @p1 .LBB1_5-.Ltmp2, $1  }
0x34: {  	_ =	sdelay $0x3  }
0x35: {  	s17 =	simm.s32 $0x1  }
0x36: {  	_ =	swait.ge [sflag:s6], $0x4000;
	s17 =	simm.s32 @!p0 $0x0  }
0x37: {  	[sflag:s6] =	ssyncset.done $0x0;
	s18 =	sshll.u32 s17, $0xE  }
0x38: {  	[sflag:s6] =	ssyncadd.s32 $0xFFFFC000;
	s19 =	sor.u32 $0x40, s18  }
0x39: {  	s17 =	smul.u32 $0x10200, s17;
	v0 =	vld [tilespmem:s19+$0x30]  }
0x3a: {  	v3 =	vld [tilespmem:s19+$0xFFFFFFD0]  }
0x3b: {  	s17 =	sshrl.u32 s17, $0x2;
	v4 =	vld [tilespmem:s19+$0xFFFFFFE0]  }
0x3c: {  	v5 =	vld [tilespmem:s19+$0xFFFFFFF0];
	s18 =	sor.u32 $0x8000, s17  }
0x3d: {  	s31 =	sand.u32 $0x1, s13;
	v1 =	vld [tilespmem:s19+$0x0];
	s20 =	sadd.s32 $0x0, s18  }
0x3e: {  	v2 =	vld [tilespmem:s19+$0x10];
	s17 =	smul.u32 $0x10200, s31;
	[tilespmem:s20+$0x3870 ss:$0x81] =	vst.msk $0xffff, v0  }
0x3f: {  	[tilespmem:s20+$0x810 ss:$0x81] =	vst.msk $0xffff, v3;
	v3 =	vld [tilespmem:s19+$0x20]  }
0x40: {  	s17 =	sshrl.u32 s17, $0x2;
	v0 =	vld [tilespmem:s19+$0xFFFFFFC0];
	[tilespmem:s20+$0x1020 ss:$0x81] =	vst.msk $0xffff, v4;
	s19 =	sadd.s32 $0x80, s19  }
0x41: {  	s21 =	simm.s32 $0x4;
	s22 =	simm.s32 $0x8;
	s17 =	sor.u32 $0x8000, s17;
	[tilespmem:s20+$0x1830 ss:$0x81] =	vst.msk $0xffff, v5;
	v4 =	vld [tilespmem:s19+$0x30]  }
.LBB1_3:
0x42: {  	p1 =	sne.s32 s22, $0x1FC;
	v5 =	vld [tilespmem:s19+$0xFFFFFFD0];
	[tilespmem:s20+$0x2040 ss:$0x81] =	vst.msk $0xffff, v1  }
0x43: {  	v6 =	vld [tilespmem:s19+$0xFFFFFFE0];
	[tilespmem:s20+$0x2850 ss:$0x81] =	vst.msk $0xffff, v2  }
0x44: {  	s23 =	sshra.s32 s21, $0x2;
	s21 =	smov.u32 s22;
	v7 =	vld [tilespmem:s19+$0xFFFFFFF0];
	[tilespmem:s20+$0x3060 ss:$0x81] =	vst.msk $0xffff, v3  }
.Ltmp3:
0x45: {  	v1 =	vld [tilespmem:s19+$0x0];
	[tilespmem:s20+$0x0 ss:$0x81] =	vst.msk $0xffff, v0;
	s20 =	sadd.s32 s23, s18;
	(pc) =	sbr.rel @p1 .LBB1_3-.Ltmp3, $4  }
0x46: {  	v2 =	vld [tilespmem:s19+$0x10];
	[tilespmem:s20+$0x3870 ss:$0x81] =	vst.msk $0xffff, v4  }
0x47: {  	[tilespmem:s20+$0x810 ss:$0x81] =	vst.msk $0xffff, v5;
	v3 =	vld [tilespmem:s19+$0x20]  }
0x48: {  	v0 =	vld [tilespmem:s19+$0xFFFFFFC0];
	[tilespmem:s20+$0x1020 ss:$0x81] =	vst.msk $0xffff, v6;
	s19 =	sadd.s32 $0x80, s19  }
0x49: {  	s22 =	sadd.s32 $0x4, s22;
	v4 =	vld [tilespmem:s19+$0x30];
	[tilespmem:s20+$0x1830 ss:$0x81] =	vst.msk $0xffff, v7  }
.Ltmp4:
0x4a: {  	_ = 	snop;
	(pc) =	sbr.rel .LBB1_4-.Ltmp4, $1  }
0x4b: {  	_ =	sdelay $0x3  }
.LBB1_6:
0x4c: {  	_ =	sfence.sel $0x180000  }
0x4d: {  	s1 =	simm.s32 $0x1;
	[bflag:$0x0] =	sbarrier.arrive $0xFFFF  }
0x4e: {  	s31 =	simm.s32 $0x2;
	[sflag:s1] =	ssyncpa.u1 $0x1  }
0x4f: {  	[sflag:s31] =	ssyncpa.u1 $0x1  }
0x50: {  	p0 =	sne.s32 s0, $0x0;
	_ =	strace $0x90000050  }
0x51: {  	s0 =	sadd.s32 @!p0 $0x100000, s3;
	[bflag:$0x2] =	sbarrier.arrive $0xFFFF  }
0x52: {  	[sflag:s0] =	ssyncadd.tile.s32 @!p0 $0x1;
	_ =	shalt  }
.Lfunc_end1:
_tile_overlayer_lowered:
.L_overlay_start_2:
0x53: {  	(tag) =	ssettag $0x2  }
0x54: {  	s0 =	rddreg [dreg:$0x0];
	s2 =	stileid.u32  }
0x55: {  	s1 =	rddreg [dreg:$0x1];
	p0 =	sne.s32 s2, $0x0  }
0x56: {  	s3 =	rddreg [dreg:$0x2];
	[bflag:$0x3] =	sbarrier.arrive $0xFFFF;
	s2 =	simm.s32 @!p0 $0x1C01  }
0x57: {  	[timem:s3], [sflag:s2] =	dma.local @!p0 [hbm:s0], s1  }
0x58: {  	s0 =	simm.s32 @!p0 $0x1  }
0x59: {  	_ =	swait.ge @!p0 [sflag:s0], s1  }
0x5a: {  	s1 =	ssub.s32 @!p0 $0x0, s1;
	[sflag:s0] =	ssyncset.done @!p0 $0x0  }
0x5b: {  	[sflag:s0] =	ssyncadd.s32 @!p0 s1  }
0x5c: {  	[bflag:$0x3] =	sbarrier.arrive $0xFFFF  }
0x5d: {  	_ =	shalt  }

// kernel: sparse-core-data-format-call.2.cloned.1.call-start
scs
called_computation.2_lowered:
.L_overlay_start_0:
0x0: {  	s1 =	sld [smem:$0x3FD9]  }
0x1: {  	s2 =	sld [smem:$0x3FFE];
	_ =	sdelay $0x1  }
0x2: {  	s3 =	srdreg.scid  }
0x3: {  	s0 =	sand.u32 $0x1, s3  }
0x4: {  	s17 =	sshll.u32 s0, $0xA;
	s1 =	sadd.s32 s2, s1  }
0x5: {  	s1 =	sadd.s32 s1, s17  }
0x6: {  	[smem:$0x3F8B] =	sst s1  }
0x7: {  	_ = 	snop  }
0x8: {  	(tm) =	ssettm $0x1  }
0x9: {  	s18 =	sld [smem:$0x3FFB];
	_ =	sdelay $0x3  }
0xa: {  	_ =	strace s18  }
0xb: {  	s1 =	sld [smem:$0x3FFC];
	_ =	sdelay $0x3  }
0xc: {  	_ =	strace s1  }
0xd: {  	s1 =	sld [smem:$0x3FFD];
	_ =	sdelay $0x3  }
0xe: {  	_ =	strace s1  }
0xf: {  	_ =	strace $0x8FFFFFFF  }
0x10: {  	s19 =	sld [smem:$0x3FDB];
	_ =	sdelay $0x1  }
0x11: {  	s20 =	simm.s32 $_scs_section_size  }
0x12: {  	s4 =	simm.s32 $_size__tile_overlayer_lowered;
	s5 =	simm.s32 $_tile_overlayer_lowered  }
0x13: {  	s23 =	simm.s32 $0x1BFF;
	s22 =	sshll.u32 s5, $0x1;
	s1 =	sadd.s32 s20, s19  }
0x14: {  	s6 =	simm.s32 $0x0;
	s21 =	sshll.u32 s4, $0x1;
	s4 =	sadd.s32 s22, s1  }
0x15: {  	[timem:s6], [sflag:s23] =	dma.local [hbm:s4], s21  }
0x16: {  	_ =	swait.ge [sflag:s23], s21  }
0x17: {  	s2 =	ssub.s32 $0x0, s21;
	[sflag:s23] =	ssyncset.done $0x0  }
0x18: {  	[sflag:s23] =	ssyncadd.s32 s2;
	_ =	sdelay $0x1  }
0x19: {  	s24 =	simm.s32 $0x1B8B  }
0x1a: {  	_ =	swait.ge [sflag:s24], $0x1  }
0x1b: {  	[sflag:s24] =	ssyncset.done $0x0  }
0x1c: {  	s26 =	simm.s32 $0x1B8E;
	s25 =	sld [smem:$0x3FFE];
	[sflag:s24] =	ssyncadd.s32 $0xFFFFFFFF  }
0x1d: {  	s27 =	simm.s32 $execute0_lowered;
	[smem:$0x3FD2] =	sst s26  }
0x1e: {  	s4 =	sshll.u32 s27, $0x1;
	_ =	strace $0x8000006D;
	[dreg:$0x1] =	wrdreg $0xFFFFFFFF  }
0x1f: {  	s28 =	simm.s32 $_size_execute0_lowered;
	s1 =	sadd.s32 s1, s4;
	[dreg:$0x0] =	wrdreg $0x0  }
0x20: {  	s4 =	sshll.u32 s28, $0x1;
	[dreg:$0x2] =	wrdreg s1  }
0x21: {  	[dreg:$0x3] =	wrdreg s4  }
0x22: {  	[dreg:$0x4] =	wrdreg $0xC0  }
0x23: {  	_ =	task [dreg:s6], $0x5FFFF  }
0x24: {  	[dreg:$0x1] =	wrdreg $0xFFFFFFFF  }
0x25: {  	[dreg:$0x0] =	wrdreg $0x60  }
0x26: {  	[dreg:$0x2] =	wrdreg s25  }
0x27: {  	[dreg:$0x3] =	wrdreg $0x9  }
0x28: {  	_ =	task.clear_ibuf [dreg:s6], $0x4FFFF;
	_ =	strace $0x9000006D  }
0x29: {  	s29 =	simm.s32 $0x9;
	_ =	strace $0x8000006F  }
0x2a: {  	_ =	swait.ge [sflag:s29], $0x1  }
0x2b: {  	[sflag:s29] =	ssyncadd.s32 $0xFFFFFFFF  }
0x2c: {  	_ =	strace $0x9000006F  }
0x2d: {  	_ =	sfence  }
0x2e: {  	s30 =	sld [smem:$0x0];
	_ =	sdelay $0x2  }
0x2f: {  	s31 =	sshll.u32 s3, $0xD;
	s3 =	sshrl.u32 s3, $0x2  }
0x30: {  	s2 =	sand.u32 $0x4000, s31;
	s1 =	sadd.s32 s3, s30  }
0x31: {  	s0 =	sor.u32 s2, s0;
	s1 =	sshll.u32 s1, $0x11  }
0x32: {  	s0 =	sor.u32 s1, s0  }
0x33: {  	s0 =	sadd.s32 $0x8F2B, s0  }
0x34: {  	[sflag:s0] =	ssyncadd.remote.s32 $0x1  }
0x35: {  	_ =	sfence.sel $0xFFFF  }
0x36: {  	[dreg:$0x0] =	wrdreg $0xFFFFFFFF;
	(pc) =	sbr.abs _section_cstart, $3  }
0x37: {  	[dreg:$0x1] =	wrdreg $0xFFFFFFFF  }
0x38: {  	_ =	task.clear_ibuf [dreg:s6], $0x2FFFF;
	_ =	strace $0x9FFFFFFF  }
0x39: {  	(tm) =	ssettm $0x7FFFFFFF  }
tec
execute0_lowered:
.L_overlay_start_1:
0x0: {  	(tag) =	ssettag $0x1  }
0x1: {  	s4 =	rddreg [dreg:$0x0]  }
0x2: {  	s0 =	rddreg [dreg:$0x1];
	s2 =	srdreg.scid  }
0x3: {  	_ =	strace $0x8000006E;
	s1 =	stileid.u32;
	s9 =	simm.s32 $0x2  }
0x4: {  	p0 =	por $0x0, $0x0;
	s13 =	simm.s32 $0x0;
	s14 =	simm.s32 $0x0  }
0x5: {  	s12 =	simm.s32 $0x0;
	s3 =	sshll.u32 s2, $0x4;
	s2 =	sadd.s32 $0x8AB600, s4  }
0x6: {  	s4 =	sadd.s32 $0xAAB600, s4;
	s5 =	sand.u32 $0x10, s3;
	s3 =	sand.u32 $0x1, s1  }
.Ltmp0:
0x7: {  	s6 =	sor.u32 s1, s5;
	s7 =	ssub.s32 $0x2, s3;
	(pc) =	sbr.rel .LBB1_1-.Ltmp0, $4  }
0x8: {  	s5 =	simm.s32 $0x1;
	s8 =	sshrl.u32 s7, $0x1;
	s7 =	sand.u32 $0x1, s7  }
0x9: {  	s11 =	smov.u32 s3;
	[sflag:s5] =	ssyncpa.u1 $0x0;
	s7 =	sadd.s32 s7, s8  }
0xa: {  	s6 =	sshrl.u32 s6, $0x1;
	[sflag:s9] =	ssyncpa.u1 $0x0;
	s7 =	sshll.u32 s7, $0x5  }
0xb: {  	s9 =	simm.s32 $0x0;
	s10 =	smov.u32 s6;
	s8 =	sor.u32 $0x1, s7  }
.LBB1_4:
0xc: {  	[tilespmem:s19+$0x1 ss:$0x81] =	vst.msk $0xffff, v11;
	v7 =	vcombine.high v7, v9;
	v4 =	vperm.xlane.i2c.b16 v4;
	v48 =	vld [tilespmem:s17+$0x230]  }
0xd: {  	[tilespmem:s19+$0x810 ss:$0x81] =	vst.msk $0xffff, v12;
	v49 =	vcombine.low v8, v10;
	v2 =	vperm.xlane.i2c.b16 v2;
	v50 =	vld [tilespmem:s17+$0x240]  }
0xe: {  	v51 =	vcombine.high v8, v10;
	v52 =	vld [tilespmem:s17+$0x250];
	v0 =	vcombine.high v0, v1;
	[tilespmem:s19+$0x811 ss:$0x81] =	vst.msk $0xffff, v7  }
0xf: {  	v5 =	vperm.xlane.i2c.b16 v5;
	v3 =	vperm.xlane.i2c.b16 v3;
	[tilespmem:s19+$0x1020 ss:$0x81] =	vst.msk $0xffff, v49  }
0x10: {  	v54 =	vperm.xlane.i2c.b16 v6;
	v53 =	vcombine.low v4, v2;
	[tilespmem:s15+$0x3061 ss:$0x81] =	vst.msk $0xffff, v0  }
0x11: {  	v2 =	vcombine.high v4, v2;
	v55 =	vcombine.low v5, v3;
	[tilespmem:s19+$0x1021 ss:$0x81] =	vst.msk $0xffff, v51  }
0x12: {  	v57 =	vcombine.high v5, v3;
	[tilespmem:s19+$0x1830 ss:$0x81] =	vst.msk $0xffff, v53;
	v56 =	vperm.xlane.i2c.b16 v48  }
0x13: {  	[tilespmem:s19+$0x2040 ss:$0x81] =	vst.msk $0xffff, v55;
	v58 =	vperm.xlane.i2c.b16 v50;
	v60 =	vperm.xlane.i2c.b16 v52  }
0x14: {  	[tilespmem:s19+$0x1831 ss:$0x81] =	vst.msk $0xffff, v2;
	v59 =	vcombine.low v54, v56  }
0x15: {  	[tilespmem:s19+$0x2041 ss:$0x81] =	vst.msk $0xffff, v57;
	v62 =	vcombine.low v58, v60  }
0x16: {  	v61 =	vcombine.high v54, v56;
	[tilespmem:s19+$0x2850 ss:$0x81] =	vst.msk $0xffff, v59  }
0x17: {  	s14 =	sshll.u32 s14, $0x14;
	v63 =	vcombine.high v58, v60;
	[tilespmem:s19+$0x3060 ss:$0x81] =	vst.msk $0xffff, v62  }
0x18: {  	s13 =	sshll.u32 s13, $0xB;
	s14 =	sadd.s32 s4, s14;
	[tilespmem:s19+$0x2851 ss:$0x81] =	vst.msk $0xffff, v61  }
0x19: {  	s13 =	sadd.s32 s13, s14;
	[tilespmem:s19+$0x3061 ss:$0x81] =	vst.msk $0xffff, v63  }
0x1a: {  	[hbm4b:s13+s9] =	stream.linear.scatter [tilespmem:s20], [sflag:$0x2], $0x4000, $0x20;
	[tilespmem:$0x10100] =	vst v63  }
.LBB1_5:
0x1b: {  	s15 =	sadd.s32 $0x10, s10  }
0x1c: {  	s13 =	sadd.s32 $0x2, s11;
	s17 =	smov.u32 s11;
	p2 =	sgt.s32 s15, $0x1FF  }
0x1d: {  	s17 =	smov.u32 @p2 s13  }
0x1e: {  	s15 =	smov.u32 @p2 s6;
	p2 =	sgt.s32 s17, $0x1  }
0x1f: {  	s17 =	smov.u32 @p2 s3;
	p2 =	sne.s32 s12, s8  }
.Ltmp1:
0x20: {  	p1 =	slt.u32 s12, $0x2;
	(pc) =	sbr.rel @!p2 .LBB1_6-.Ltmp1, $4  }
0x21: {  	s16 =	simm.s32 @!p1 $0x2  }
0x22: {  	s14 =	smov.u32 s11;
	p0 =	por !p0, !p0;
	_ =	swait.ge @!p1 [sflag:s16], $0x4000  }
0x23: {  	s13 =	smov.u32 s10;
	[sflag:s16] =	ssyncset.done @!p1 $0x0;
	s10 =	smov.u32 s15  }
0x24: {  	s12 =	sadd.s32 $0x1, s12;
	[sflag:s16] =	ssyncadd.s32 @!p1 $0xFFFFC000;
	s11 =	smov.u32 s17  }
.LBB1_1:
0x25: {  	p1 =	sge.u32 s12, s7  }
0x26: {  	s31 =	sadd.s32 $0xFFFFFFFF, s12;
	s15 =	sxor.u32 @!p1 $0xFFFFFFFF, s12;
	s16 =	sshll.u32 @!p1 s11, $0x14  }
0x27: {  	s17 =	sshll.u32 @!p1 s10, $0xB;
	s16 =	sadd.s32 @!p1 s2, s16;
	s15 =	sshll.u32 @!p1 s15, $0xE  }
0x28: {  	s16 =	sadd.s32 @!p1 s17, s16;
	s15 =	sand.u32 @!p1 $0x4000, s15;
	s17 =	simm.s32 @!p1 $0x0  }
0x29: {  	[tilespmem:s15], [sflag:$0x1] =	stream.linear.gather @!p1 [hbm4b:s16+s17], $0x4000, $0x38;
	[tilespmem:$0x10100] =	vst v63  }
0x2a: {  	p1 =	sge.u32 s31, s7  }
.Ltmp2:
0x2b: {  	_ = 	snop;
	(pc) =	sbr.rel @p1 .LBB1_5-.Ltmp2, $1  }
0x2c: {  	_ =	sdelay $0x3  }
0x2d: {  	s19 =	sand.u32 $0x1, s12;
	s15 =	simm.s32 $0x0  }
0x2e: {  	_ =	swait.ge [sflag:s5], $0x4000;
	s16 =	sshll.u32 s19, $0xE;
	s17 =	sand.u32 $0x3C00, s15  }
0x2f: {  	[sflag:s5] =	ssyncset.done $0x0;
	s15 =	sand.u32 $0x180, s15;
	s17 =	sadd.s32 s17, s16  }
0x30: {  	[sflag:s5] =	ssyncadd.s32 $0xFFFFC000;
	s20 =	sadd.s32 s15, s17  }
0x31: {  	v0 =	vld [tilespmem:s20+$0x260]  }
0x32: {  	v1 =	vld [tilespmem:s20+$0x270]  }
0x33: {  	v2 =	vld [tilespmem:s20+$0x0]  }
0x34: {  	v3 =	vld [tilespmem:s20+$0x10]  }
0x35: {  	v4 =	vld [tilespmem:s20+$0x20]  }
0x36: {  	s15 =	simm.s32 $0x1;
	v5 =	vld [tilespmem:s20+$0x30]  }
0x37: {  	s15 =	simm.s32 @!p0 $0x0;
	v6 =	vld [tilespmem:s20+$0x40]  }
0x38: {  	v7 =	vld [tilespmem:s20+$0x50];
	s15 =	smul.u32 $0x10200, s15;
	v1 =	vperm.xlane.i2c.b16 v1;
	v0 =	vperm.xlane.i2c.b16 v0  }
0x39: {  	v8 =	vld [tilespmem:s20+$0x60];
	v2 =	vperm.xlane.i2c.b16 v2;
	v3 =	vperm.xlane.i2c.b16 v3  }
0x3a: {  	v10 =	vld [tilespmem:s20+$0x70];
	s15 =	sshrl.u32 s15, $0x2;
	v9 =	vcombine.low v0, v1;
	v0 =	vcombine.high v0, v1  }
0x3b: {  	s15 =	sor.u32 $0x8000, s15;
	v1 =	vperm.xlane.i2c.b16 v5;
	v5 =	vld [tilespmem:s20+$0x200];
	v11 =	vcombine.low v2, v3  }
0x3c: {  	v4 =	vperm.xlane.i2c.b16 v4;
	v2 =	vcombine.high v2, v3;
	v3 =	vld [tilespmem:s20+$0x210];
	[tilespmem:s15+$0x3870 ss:$0x81] =	vst.msk $0xffff, v9  }
0x3d: {  	s30 =	simm.s32 $0x100;
	v6 =	vperm.xlane.i2c.b16 v6;
	v7 =	vperm.xlane.i2c.b16 v7;
	v9 =	vld [tilespmem:s20+$0x220];
	[tilespmem:s15+$0x0 ss:$0x81] =	vst.msk $0xffff, v11  }
0x3e: {  	s18 =	simm.s32 $0x80;
	s17 =	sand.u32 $0x3C00, s30;
	[tilespmem:s15+$0x3871 ss:$0x81] =	vst.msk $0xffff, v0;
	v0 =	vcombine.low v4, v1;
	v1 =	vcombine.high v4, v1;
	v4 =	vld [tilespmem:s20+$0x230]  }
0x3f: {  	s21 =	sand.u32 $0x180, s18;
	s17 =	sadd.s32 s17, s16;
	[tilespmem:s15+$0x1 ss:$0x81] =	vst.msk $0xffff, v2;
	v2 =	vperm.xlane.i2c.b16 v8;
	v8 =	vperm.xlane.i2c.b16 v10;
	v10 =	vld [tilespmem:s20+$0x240]  }
0x40: {  	s17 =	sadd.s32 s21, s17;
	[tilespmem:s15+$0x810 ss:$0x81] =	vst.msk $0xffff, v0;
	v0 =	vcombine.low v6, v7;
	v6 =	vcombine.high v6, v7;
	v7 =	vld [tilespmem:s20+$0x250]  }
0x41: {  	v11 =	vcombine.low v2, v8;
	v2 =	vcombine.high v2, v8;
	v8 =	vld [tilespmem:s17+$0x0];
	[tilespmem:s15+$0x811 ss:$0x81] =	vst.msk $0xffff, v1  }
0x42: {  	v1 =	vperm.xlane.i2c.b16 v5;
	v5 =	vld [tilespmem:s17+$0x260];
	[tilespmem:s15+$0x1020 ss:$0x81] =	vst.msk $0xffff, v0;
	v0 =	vperm.xlane.i2c.b16 v3  }
0x43: {  	v3 =	vld [tilespmem:s17+$0x270];
	[tilespmem:s15+$0x1021 ss:$0x81] =	vst.msk $0xffff, v6;
	v6 =	vperm.xlane.i2c.b16 v9  }
0x44: {  	[tilespmem:s15+$0x1830 ss:$0x81] =	vst.msk $0xffff, v11;
	v11 =	vld [tilespmem:s17+$0x10];
	v4 =	vperm.xlane.i2c.b16 v4;
	v9 =	vcombine.low v1, v0  }
0x45: {  	v12 =	vcombine.high v1, v0;
	v0 =	vperm.xlane.i2c.b16 v10  }
0x46: {  	[tilespmem:s15+$0x1831 ss:$0x81] =	vst.msk $0xffff, v2;
	v2 =	vld [tilespmem:s17+$0x20];
	v10 =	vcombine.low v6, v4;
	v1 =	vperm.xlane.i2c.b16 v7  }
0x47: {  	v4 =	vcombine.high v6, v4;
	v8 =	vperm.xlane.i2c.b16 v8;
	[tilespmem:s15+$0x2040 ss:$0x81] =	vst.msk $0xffff, v9;
	v9 =	vld [tilespmem:s17+$0x30]  }
0x48: {  	v6 =	vld [tilespmem:s17+$0x40];
	v5 =	vperm.xlane.i2c.b16 v5;
	[tilespmem:s15+$0x2041 ss:$0x81] =	vst.msk $0xffff, v12;
	v3 =	vperm.xlane.i2c.b16 v3  }
0x49: {  	[tilespmem:s15+$0x2850 ss:$0x81] =	vst.msk $0xffff, v10;
	v10 =	vld [tilespmem:s17+$0x50];
	v12 =	vcombine.low v0, v1;
	v11 =	vperm.xlane.i2c.b16 v11  }
0x4a: {  	[tilespmem:s15+$0x2851 ss:$0x81] =	vst.msk $0xffff, v4;
	v4 =	vld [tilespmem:s17+$0x60];
	v13 =	vcombine.low v5, v3  }
0x4b: {  	s31 =	smul.u32 $0x10200, s19;
	s19 =	sadd.s32 $0x2, s15;
	v7 =	vperm.xlane.i2c.b16 v2;
	v2 =	vld [tilespmem:s17+$0x70];
	[tilespmem:s15+$0x3060 ss:$0x81] =	vst.msk $0xffff, v12;
	v12 =	vcombine.low v8, v11  }
0x4c: {  	v14 =	vcombine.high v5, v3;
	v5 =	vld [tilespmem:s17+$0x200];
	v9 =	vperm.xlane.i2c.b16 v9;
	[tilespmem:s19+$0x3870 ss:$0x81] =	vst.msk $0xffff, v13  }
0x4d: {  	s20 =	sshrl.u32 s31, $0x2;
	v11 =	vcombine.high v8, v11;
	v3 =	vld [tilespmem:s17+$0x210];
	v8 =	vperm.xlane.i2c.b16 v6;
	[tilespmem:s19+$0x0 ss:$0x81] =	vst.msk $0xffff, v12  }
0x4e: {  	s22 =	simm.s32 $0x200;
	s21 =	simm.s32 $0x2;
	s20 =	sor.u32 $0x8000, s20;
	v6 =	vld [tilespmem:s17+$0x220];
	[tilespmem:s19+$0x3871 ss:$0x81] =	vst.msk $0xffff, v14;
	v10 =	vperm.xlane.i2c.b16 v10;
	v12 =	vcombine.low v7, v9  }
.LBB1_3:
0x4f: {  	s23 =	sand.u32 $0x3C00, s22;
	[tilespmem:s19+$0x1 ss:$0x81] =	vst.msk $0xffff, v11;
	v7 =	vcombine.high v7, v9;
	v4 =	vperm.xlane.i2c.b16 v4;
	v9 =	vld [tilespmem:s17+$0x230];
	s18 =	sadd.s32 $0x80, s18  }
0x50: {  	v11 =	vcombine.low v8, v10;
	v2 =	vperm.xlane.i2c.b16 v2;
	s24 =	sand.u32 $0x180, s18;
	s23 =	sadd.s32 s23, s16;
	[tilespmem:s19+$0x810 ss:$0x81] =	vst.msk $0xffff, v12;
	v12 =	vld [tilespmem:s17+$0x240]  }
0x51: {  	s21 =	sadd.s32 $0x2, s21;
	v5 =	vperm.xlane.i2c.b16 v5;
	[tilespmem:s19+$0x811 ss:$0x81] =	vst.msk $0xffff, v7;
	v7 =	vcombine.high v8, v10;
	v8 =	vld [tilespmem:s17+$0x250];
	s17 =	sadd.s32 s24, s23  }
0x52: {  	v3 =	vperm.xlane.i2c.b16 v3;
	p1 =	slt.u32 s21, $0x7E;
	v10 =	vld [tilespmem:s17+$0x260];
	[tilespmem:s19+$0x1020 ss:$0x81] =	vst.msk $0xffff, v11;
	v11 =	vcombine.low v4, v2  }
0x53: {  	v2 =	vcombine.high v4, v2;
	v4 =	vperm.xlane.i2c.b16 v6;
	v13 =	vld [tilespmem:s17+$0x270];
	[tilespmem:s19+$0x1021 ss:$0x81] =	vst.msk $0xffff, v7  }
0x54: {  	v7 =	vcombine.low v5, v3;
	v6 =	vld [tilespmem:s17+$0x0];
	[tilespmem:s19+$0x1830 ss:$0x81] =	vst.msk $0xffff, v11;
	v9 =	vperm.xlane.i2c.b16 v9  }
0x55: {  	v11 =	vld [tilespmem:s17+$0x10];
	[tilespmem:s19+$0x1831 ss:$0x81] =	vst.msk $0xffff, v2;
	v2 =	vcombine.high v5, v3;
	v3 =	vperm.xlane.i2c.b16 v12  }
0x56: {  	v5 =	vld [tilespmem:s17+$0x20];
	[tilespmem:s19+$0x2040 ss:$0x81] =	vst.msk $0xffff, v7;
	v7 =	vcombine.low v4, v9;
	v8 =	vperm.xlane.i2c.b16 v8  }
0x57: {  	v12 =	vld [tilespmem:s17+$0x30];
	[tilespmem:s19+$0x2041 ss:$0x81] =	vst.msk $0xffff, v2;
	v2 =	vcombine.high v4, v9;
	v9 =	vcombine.high v0, v1;
	v0 =	vmov v3  }
0x58: {  	v10 =	vperm.xlane.i2c.b16 v10;
	v3 =	vld [tilespmem:s17+$0x40];
	v13 =	vperm.xlane.i2c.b16 v13;
	[tilespmem:s19+$0x2850 ss:$0x81] =	vst.msk $0xffff, v7;
	v1 =	vmov v8  }
0x59: {  	v6 =	vperm.xlane.i2c.b16 v6;
	v14 =	vld [tilespmem:s17+$0x50];
	[tilespmem:s19+$0x2851 ss:$0x81] =	vst.msk $0xffff, v2;
	v8 =	vcombine.low v0, v1  }
.Ltmp3:
0x5a: {  	v11 =	vperm.xlane.i2c.b16 v11;
	v4 =	vld [tilespmem:s17+$0x60];
	v15 =	vcombine.low v10, v13;
	[tilespmem:s15+$0x3061 ss:$0x81] =	vst.msk $0xffff, v9;
	s15 =	smov.u32 s19;
	(pc) =	sbr.rel @p1 .LBB1_3-.Ltmp3, $4  }
0x5b: {  	v10 =	vcombine.high v10, v13;
	s19 =	sadd.s32 $0x2, s19;
	v7 =	vperm.xlane.i2c.b16 v5;
	v2 =	vld [tilespmem:s17+$0x70];
	[tilespmem:s15+$0x3060 ss:$0x81] =	vst.msk $0xffff, v8  }
0x5c: {  	v13 =	vcombine.low v6, v11;
	v9 =	vperm.xlane.i2c.b16 v12;
	v5 =	vld [tilespmem:s17+$0x200];
	[tilespmem:s19+$0x3870 ss:$0x81] =	vst.msk $0xffff, v15  }
0x5d: {  	v11 =	vcombine.high v6, v11;
	v8 =	vperm.xlane.i2c.b16 v3;
	v3 =	vld [tilespmem:s17+$0x210];
	[tilespmem:s19+$0x3871 ss:$0x81] =	vst.msk $0xffff, v10  }
0x5e: {  	s22 =	sadd.s32 $0x100, s22;
	[tilespmem:s19+$0x0 ss:$0x81] =	vst.msk $0xffff, v13;
	v12 =	vcombine.low v7, v9;
	v10 =	vperm.xlane.i2c.b16 v14;
	v6 =	vld [tilespmem:s17+$0x220]  }
.Ltmp4:
0x5f: {  	_ = 	snop;
	(pc) =	sbr.rel .LBB1_4-.Ltmp4, $1  }
0x60: {  	_ =	sdelay $0x3  }
.LBB1_6:
0x61: {  	_ =	sfence.sel $0x180000  }
0x62: {  	s2 =	simm.s32 $0x1;
	[bflag:$0x0] =	sbarrier.arrive $0xFFFF  }
0x63: {  	s31 =	simm.s32 $0x2;
	[sflag:s2] =	ssyncpa.u1 $0x1  }
0x64: {  	[sflag:s31] =	ssyncpa.u1 $0x1  }
0x65: {  	p0 =	sne.s32 s1, $0x0;
	_ =	strace $0x9000006E  }
0x66: {  	s0 =	sadd.s32 @!p0 $0x100000, s0;
	[bflag:$0x2] =	sbarrier.arrive $0xFFFF  }
0x67: {  	[sflag:s0] =	ssyncadd.tile.s32 @!p0 $0x1;
	_ =	shalt  }
.Lfunc_end1:
_tile_overlayer_lowered:
.L_overlay_start_2:
0x68: {  	(tag) =	ssettag $0x2  }
0x69: {  	s0 =	rddreg [dreg:$0x0];
	s2 =	stileid.u32  }
0x6a: {  	s1 =	rddreg [dreg:$0x1];
	p0 =	sne.s32 s2, $0x0  }
0x6b: {  	s3 =	rddreg [dreg:$0x2];
	[bflag:$0x3] =	sbarrier.arrive $0xFFFF;
	s2 =	simm.s32 @!p0 $0x1C01  }
0x6c: {  	[timem:s3], [sflag:s2] =	dma.local @!p0 [hbm:s0], s1  }
0x6d: {  	s0 =	simm.s32 @!p0 $0x1  }
0x6e: {  	_ =	swait.ge @!p0 [sflag:s0], s1  }
0x6f: {  	s1 =	ssub.s32 @!p0 $0x0, s1;
	[sflag:s0] =	ssyncset.done @!p0 $0x0  }
0x70: {  	[sflag:s0] =	ssyncadd.s32 @!p0 s1  }
0x71: {  	[bflag:$0x3] =	sbarrier.arrive $0xFFFF  }
0x72: {  	_ =	shalt  }

// kernel: sparse-core-data-format-call.3.cloned.1.call-start
scs
called_computation.3_lowered:
.L_overlay_start_0:
0x0: {  	s2 =	sld [smem:$0x3FD9]  }
0x1: {  	s3 =	sld [smem:$0x3FFE];
	_ =	sdelay $0x1  }
0x2: {  	s1 =	srdreg.scid  }
0x3: {  	s0 =	sand.u32 $0x1, s1  }
0x4: {  	s18 =	sshll.u32 s0, $0xA;
	s2 =	sadd.s32 s3, s2  }
0x5: {  	s2 =	sadd.s32 s2, s18  }
0x6: {  	[smem:$0x3F8B] =	sst s2  }
0x7: {  	_ = 	snop  }
0x8: {  	(tm) =	ssettm $0x1  }
0x9: {  	s19 =	sld [smem:$0x3FFB];
	_ =	sdelay $0x3  }
0xa: {  	_ =	strace s19  }
0xb: {  	s2 =	sld [smem:$0x3FFC];
	_ =	sdelay $0x3  }
0xc: {  	_ =	strace s2  }
0xd: {  	s2 =	sld [smem:$0x3FFD];
	_ =	sdelay $0x3  }
0xe: {  	_ =	strace s2  }
0xf: {  	_ =	strace $0x8FFFFFFF  }
0x10: {  	s20 =	sld [smem:$0x3FDB];
	_ =	sdelay $0x1  }
0x11: {  	s21 =	simm.s32 $_scs_section_size  }
0x12: {  	s4 =	simm.s32 $_size__tile_overlayer_lowered;
	s5 =	simm.s32 $_tile_overlayer_lowered  }
0x13: {  	s6 =	simm.s32 $0x1BFF;
	s22 =	sshll.u32 s5, $0x1;
	s3 =	sadd.s32 s21, s20  }
0x14: {  	s23 =	simm.s32 $0x0;
	s4 =	sshll.u32 s4, $0x1;
	s5 =	sadd.s32 s22, s3  }
0x15: {  	[timem:s23], [sflag:s6] =	dma.local [hbm:s5], s4  }
0x16: {  	_ =	swait.ge [sflag:s6], s4  }
0x17: {  	s4 =	ssub.s32 $0x0, s4;
	[sflag:s6] =	ssyncset.done $0x0  }
0x18: {  	[sflag:s6] =	ssyncadd.s32 s4;
	_ =	sdelay $0x1  }
0x19: {  	s24 =	simm.s32 $0x1B8B  }
0x1a: {  	_ =	swait.ge [sflag:s24], $0x1  }
0x1b: {  	[sflag:s24] =	ssyncset.done $0x0  }
0x1c: {  	[sflag:s24] =	ssyncadd.s32 $0xFFFFFFFF  }
0x1d: {  	s4 =	sld [smem:$0x0]  }
0x1e: {  	s5 =	sand.u32 $0xFFFFFFFE, s1  }
0x1f: {  	p0 =	sne.s32 s1, s5  }
0x20: {  	s5 =	sshll.u32 @p0 s5, $0xE  }
0x21: {  	s5 =	sadd.s32 @p0 $0x11B8D, s5;
	s6 =	sshll.u32 @p0 s4, $0x11  }
0x22: {  	s5 =	sor.u32 @p0 s6, s5  }
0x23: {  	[sflag:s5] =	ssyncadd.remote.s32 @p0 $0x1;
	_ =	sdelay $0x1  }
0x24: {  	s5 =	simm.s32 @p0 $0x1B8D  }
0x25: {  	_ =	swait.eq @p0 [sflag:s5], $0x1  }
0x26: {  	[sflag:s5] =	ssyncadd.s32 @p0 $0xFFFFFFFF  }
0x27: {  	s6 =	sshll.u32 @!p0 s1, $0xE  }
0x28: {  	s6 =	sor.u32 @!p0 $0x4000, s6;
	s5 =	simm.s32 @!p0 $0x1B8D  }
0x29: {  	s4 =	sshll.u32 @!p0 s4, $0x11;
	s6 =	sadd.s32 @!p0 $0x11B8D, s6;
	_ =	swait.eq @!p0 [sflag:s5], $0x1  }
0x2a: {  	s4 =	sor.u32 @!p0 s4, s6;
	[sflag:s5] =	ssyncadd.s32 @!p0 $0xFFFFFFFF  }
0x2b: {  	s26 =	simm.s32 $0x1B8E;
	s25 =	sld [smem:$0x3FFE];
	[sflag:s4] =	ssyncadd.remote.s32 @!p0 $0x1  }
0x2c: {  	s27 =	simm.s32 $execute0_lowered;
	[smem:$0x3FD2] =	sst s26  }
0x2d: {  	s5 =	sshll.u32 s27, $0x1;
	_ =	strace $0x8000006A;
	[dreg:$0x1] =	wrdreg $0xFFFFFFFF  }
0x2e: {  	s28 =	simm.s32 $_size_execute0_lowered;
	s3 =	sadd.s32 s3, s5;
	[dreg:$0x0] =	wrdreg $0x0  }
0x2f: {  	s5 =	sshll.u32 s28, $0x1;
	[dreg:$0x2] =	wrdreg s3  }
0x30: {  	[dreg:$0x3] =	wrdreg s5  }
0x31: {  	[dreg:$0x4] =	wrdreg $0xC0  }
0x32: {  	_ =	task [dreg:s23], $0x5FFFF  }
0x33: {  	[dreg:$0x1] =	wrdreg $0xFFFFFFFF  }
0x34: {  	[dreg:$0x0] =	wrdreg $0x60  }
0x35: {  	[dreg:$0x2] =	wrdreg s25  }
0x36: {  	[dreg:$0x3] =	wrdreg $0x9  }
0x37: {  	_ =	task.clear_ibuf [dreg:s23], $0x4FFFF;
	_ =	strace $0x9000006A  }
0x38: {  	s29 =	simm.s32 $0x9;
	_ =	strace $0x8000006C  }
0x39: {  	_ =	swait.ge [sflag:s29], $0x1  }
0x3a: {  	[sflag:s29] =	ssyncadd.s32 $0xFFFFFFFF  }
0x3b: {  	_ =	strace $0x9000006C  }
0x3c: {  	_ =	sfence  }
0x3d: {  	s30 =	sld [smem:$0x0];
	_ =	sdelay $0x2  }
0x3e: {  	s31 =	sshll.u32 s1, $0xD;
	s1 =	sshrl.u32 s1, $0x2  }
0x3f: {  	s4 =	sand.u32 $0x4000, s31;
	s1 =	sadd.s32 s1, s30  }
0x40: {  	s0 =	sor.u32 s4, s0;
	s1 =	sshll.u32 s1, $0x11  }
0x41: {  	s0 =	sor.u32 s1, s0  }
0x42: {  	s0 =	sadd.s32 $0x8F2B, s0  }
0x43: {  	[sflag:s0] =	ssyncadd.remote.s32 $0x1  }
0x44: {  	_ =	sfence.sel $0xFFFF  }
0x45: {  	[dreg:$0x0] =	wrdreg $0xFFFFFFFF;
	(pc) =	sbr.abs _section_cstart, $3  }
0x46: {  	[dreg:$0x1] =	wrdreg $0xFFFFFFFF  }
0x47: {  	_ =	task.clear_ibuf [dreg:s23], $0x2FFFF;
	_ =	strace $0x9FFFFFFF  }
0x48: {  	(tm) =	ssettm $0x7FFFFFFF  }
0x49: {  	_ =	shalt  }
tec
execute0_lowered:
.L_overlay_start_1:
0x0: {  	(tag) =	ssettag $0x1  }
0x1: {  	s0 =	stileid.u32  }
0x2: {  	s8 =	rddreg [dreg:$0x0];
	s3 =	srdreg.scid  }
0x3: {  	s31 =	simm.s32 $0x2;
	s16 =	simm.s32 $0x0;
	s10 =	simm.s32 $0x1000  }
0x4: {  	s15 =	simm.s32 $0x0;
	s17 =	simm.s32 $0x0;
	s2 =	sshll.u32 s0, $0x6  }
0x5: {  	s14 =	simm.s32 $0x0;
	s1 =	sand.u32 $0x1, s0;
	s2 =	sand.u32 $0x380, s2  }
0x6: {  	s3 =	sshll.u32 s3, $0x1;
	s4 =	ssub.s32 $0x2, s1;
	s5 =	ssub.s32 $0x400, s2  }
0x7: {  	s3 =	sand.u32 $0x2, s3;
	s13 =	smov.u32 s1;
	s7 =	sand.u32 $0x380, s5  }
0x8: {  	s6 =	sshrl.u32 s4, $0x1;
	p0 =	sne.s32 s7, $0x0;
	s7 =	simm.s32 $0x1  }
0x9: {  	s4 =	sand.u32 $0x1, s4;
	s5 =	sshrl.u32 s5, $0xA;
	s7 =	simm.s32 @!p0 $0x0  }
0xa: {  	s9 =	ssub.s32 $0x40, s3;
	s4 =	sadd.s32 s4, s6;
	s5 =	sadd.s32 s7, s5  }
0xb: {  	s11 =	smov.u32 s3;
	s28 =	sshrl.u32 s9, $0x1;
	s30 =	smul.u32 s4, s5  }
.Ltmp0:
0xc: {  	s29 =	sshrl.u32 s9, $0x2;
	s6 =	sand.u32 $0x1, s28;
	(pc) =	sbr.rel .LBB1_1-.Ltmp0, $4  }
0xd: {  	s12 =	smov.u32 s2;
	s6 =	sadd.s32 s29, s6;
	s4 =	rddreg [dreg:$0x1]  }
0xe: {  	_ =	strace $0x8000006B;
	s5 =	simm.s32 $0x1;
	s6 =	smul.u32 s6, s30  }
0xf: {  	p0 =	por $0x0, $0x0;
	s7 =	sadd.s32 $0x8ABA00, s8;
	[sflag:s5] =	ssyncpa.u1 $0x0  }
0x10: {  	s8 =	sadd.s32 $0x9ABA00, s8;
	[sflag:s31] =	ssyncpa.u1 $0x0;
	s9 =	sadd.s32 $0x1, s6  }
.LBB1_4:
0x11: {  	v11 =	vld [tilespmem:s21+$0xFFFFFFE0];
	v12 =	vcombine.low v6, v7  }
0x12: {  	v3 =	vperm.xlane.i2c.b16 v3;
	[tilespmem:s23+$0x3870 ss:$0x81] =	vst.msk $0xffff, v9;
	v45 =	vld [tilespmem:s21+$0xFFFFFFF0];
	v4 =	vperm.xlane.i2c.b16 v4  }
0x13: {  	v46 =	vcombine.high v6, v7;
	[tilespmem:s20+$0x2040 ss:$0x81] =	vst.msk $0xffff, v10;
	v47 =	vld [tilespmem:s21+$0x0];
	v5 =	vperm.xlane.i2c.b16 v5  }
0x14: {  	v49 =	vld [tilespmem:s21+$0x10];
	v1 =	vperm.xlane.i2c.b16 v1;
	[tilespmem:s23+$0x810 ss:$0x81] =	vst.msk $0xffff, v12;
	v48 =	vcombine.low v8, v3  }
0x15: {  	v51 =	vld [tilespmem:s21+$0xFFFFFFC0];
	v58 =	vperm.xlane.i2c.b16 v2;
	v50 =	vcombine.low v4, v0;
	[tilespmem:s23+$0x2850 ss:$0x81] =	vst.msk $0xffff, v46  }
0x16: {  	s27 =	sshra.s32 s22, $0x2;
	v3 =	vcombine.high v8, v3;
	v52 =	vcombine.low v1, v5;
	[tilespmem:s23+$0x1020 ss:$0x81] =	vst.msk $0xffff, v48  }
0x17: {  	s18 =	sadd.s32 s27, s18;
	v1 =	vcombine.high v1, v5;
	v55 =	vcombine.high v4, v0;
	[tilespmem:s23+$0x0 ss:$0x81] =	vst.msk $0xffff, v50  }
0x18: {  	[tilespmem:s18+$0x1830 ss:$0x81] =	vst.msk $0xffff, v52;
	v11 =	vperm.xlane.i2c.b16 v11;
	v53 =	vperm.xlane.i2c.b16 v45  }
0x19: {  	[tilespmem:s23+$0x3060 ss:$0x81] =	vst.msk $0xffff, v3;
	v54 =	vperm.xlane.i2c.b16 v47;
	v57 =	vperm.xlane.i2c.b16 v49  }
0x1a: {  	[tilespmem:s18+$0x3870 ss:$0x81] =	vst.msk $0xffff, v1;
	v60 =	vperm.xlane.i2c.b16 v51;
	v56 =	vcombine.low v11, v53  }
0x1b: {  	[tilespmem:s23+$0x2040 ss:$0x81] =	vst.msk $0xffff, v55;
	v61 =	vcombine.low v54, v57  }
0x1c: {  	v63 =	vcombine.low v60, v58;
	[tilespmem:s18+$0x810 ss:$0x81] =	vst.msk $0xffff, v56  }
0x1d: {  	s17 =	sshll.u32 s17, $0x13;
	s28 =	sshrl.u32 s15, $0x1;
	v59 =	vcombine.high v11, v53;
	[tilespmem:s18+$0x1020 ss:$0x81] =	vst.msk $0xffff, v61  }
0x1e: {  	s16 =	sshll.u32 s16, $0xD;
	s29 =	sshrl.u32 s15, $0x3;
	s17 =	sadd.s32 s8, s17;
	v62 =	vcombine.high v54, v57;
	[tilespmem:s18+$0x0 ss:$0x81] =	vst.msk $0xffff, v63  }
0x1f: {  	s30 =	sand.u32 $0x7, s15;
	s20 =	sand.u32 $0x1FC0, s28;
	s16 =	sadd.s32 s16, s17;
	v0 =	vcombine.high v60, v58;
	[tilespmem:s18+$0x2850 ss:$0x81] =	vst.msk $0xffff, v59  }
0x20: {  	s31 =	sand.u32 $0xF, s29;
	s15 =	sshll.u32 s30, $0x12;
	s16 =	sadd.s32 s20, s16;
	[tilespmem:s18+$0x3060 ss:$0x81] =	vst.msk $0xffff, v62  }
0x21: {  	s15 =	sor.u32 $0x200, s15;
	s16 =	sadd.s32 s31, s16;
	[tilespmem:s18+$0x2040 ss:$0x81] =	vst.msk $0xffff, v0  }
0x22: {  	[hbm4b:s16+s15] =	stream.strided.scatter [tilespmem:s19], [sflag:$0x2], $0x4000, s10, s15, $0x20;
	[tilespmem:$0x10100] =	vst v63  }
.LBB1_5:
0x23: {  	s18 =	sadd.s32 $0x4, s11  }
0x24: {  	s15 =	sadd.s32 $0x400, s12;
	s19 =	smov.u32 s12;
	p2 =	sgt.s32 s18, $0x3F  }
0x25: {  	s19 =	smov.u32 @p2 s15  }
0x26: {  	s21 =	smov.u32 s13;
	s15 =	sadd.s32 $0x2, s13;
	p3 =	sgt.s32 s19, $0x3FF  }
0x27: {  	s21 =	smov.u32 @p3 s15  }
0x28: {  	s18 =	smov.u32 @p2 s3;
	p2 =	sgt.s32 s21, $0x1  }
0x29: {  	p1 =	slt.u32 s14, $0x2;
	s21 =	smov.u32 @p2 s1;
	p2 =	sne.s32 s14, s9  }
.Ltmp1:
0x2a: {  	s20 =	simm.s32 @!p1 $0x2;
	(pc) =	sbr.rel @!p2 .LBB1_6-.Ltmp1, $4  }
0x2b: {  	s16 =	smov.u32 s11;
	s17 =	smov.u32 s13;
	_ =	swait.ge @!p1 [sflag:s20], $0x4000  }
0x2c: {  	p0 =	por !p0, !p0;
	[sflag:s20] =	ssyncset.done @!p1 $0x0;
	s11 =	smov.u32 s18  }
0x2d: {  	s19 =	smov.u32 @p3 s2;
	s15 =	smov.u32 s12;
	[sflag:s20] =	ssyncadd.s32 @!p1 $0xFFFFC000  }
0x2e: {  	s12 =	smov.u32 s19;
	s14 =	sadd.s32 $0x1, s14;
	s13 =	smov.u32 s21  }
.LBB1_1:
0x2f: {  	p1 =	sge.u32 s14, s6;
	s31 =	sadd.s32 $0xFFFFFFFF, s14  }
0x30: {  	s18 =	sshll.u32 @!p1 s13, $0x13;
	s19 =	sshll.u32 @!p1 s12, $0x9;
	s20 =	sshll.u32 @!p1 s11, $0x3  }
0x31: {  	s21 =	sxor.u32 @!p1 $0xFFFFFFFF, s14;
	s18 =	sadd.s32 @!p1 s7, s18;
	s20 =	sand.u32 @!p1 $0x1F0, s20  }
0x32: {  	s18 =	sadd.s32 @!p1 s19, s18;
	s19 =	sshll.u32 @!p1 s21, $0xE;
	s21 =	simm.s32 @!p1 $0x1000  }
0x33: {  	s18 =	sadd.s32 @!p1 s20, s18;
	s19 =	sand.u32 @!p1 $0x4000, s19;
	s20 =	simm.s32 @!p1 $0x80  }
0x34: {  	[tilespmem:s19], [sflag:$0x1] =	stream.strided.gather @!p1 [hbm4b:s18+s20], $0x4000, s21, s20, $0x38;
	[tilespmem:$0x10100] =	vst v63  }
0x35: {  	p1 =	sge.u32 s31, s6  }
.Ltmp2:
0x36: {  	_ = 	snop;
	(pc) =	sbr.rel @p1 .LBB1_5-.Ltmp2, $1  }
0x37: {  	_ =	sdelay $0x3  }
0x38: {  	s18 =	simm.s32 $0x1  }
0x39: {  	_ =	swait.ge [sflag:s5], $0x4000;
	s18 =	simm.s32 @!p0 $0x0  }
0x3a: {  	[sflag:s5] =	ssyncset.done $0x0;
	s19 =	sshll.u32 s18, $0xE  }
0x3b: {  	[sflag:s5] =	ssyncadd.s32 $0xFFFFC000;
	s19 =	sor.u32 $0x40, s19  }
0x3c: {  	v0 =	vld [tilespmem:s19+$0x20]  }
0x3d: {  	v1 =	vld [tilespmem:s19+$0x30]  }
0x3e: {  	v2 =	vld [tilespmem:s19+$0xFFFFFFD0]  }
0x3f: {  	v3 =	vld [tilespmem:s19+$0xFFFFFFE0]  }
0x40: {  	v4 =	vld [tilespmem:s19+$0xFFFFFFF0]  }
0x41: {  	v5 =	vld [tilespmem:s19+$0x0]  }
0x42: {  	v6 =	vld [tilespmem:s19+$0x10]  }
0x43: {  	v7 =	vld [tilespmem:s19+$0xFFFFFFC0]  }
0x44: {  	s18 =	smul.u32 $0x10200, s18;
	v1 =	vperm.xlane.i2c.b16 v1;
	v0 =	vperm.xlane.i2c.b16 v0  }
0x45: {  	s19 =	sadd.s32 $0x80, s19;
	v10 =	vperm.xlane.i2c.b16 v2;
	v3 =	vperm.xlane.i2c.b16 v3  }
0x46: {  	s18 =	sshrl.u32 s18, $0x2;
	v9 =	vld [tilespmem:s19+$0x30];
	v4 =	vperm.xlane.i2c.b16 v4;
	v5 =	vperm.xlane.i2c.b16 v5  }
0x47: {  	s18 =	sor.u32 $0x8000, s18;
	v2 =	vld [tilespmem:s19+$0x20];
	v6 =	vperm.xlane.i2c.b16 v6;
	v8 =	vcombine.low v0, v1  }
0x48: {  	v12 =	vld [tilespmem:s19+$0xFFFFFFF0];
	s20 =	sadd.s32 $0x0, s18;
	v13 =	vperm.xlane.i2c.b16 v7;
	v11 =	vcombine.low v3, v4  }
0x49: {  	v0 =	vcombine.high v0, v1;
	v1 =	vld [tilespmem:s19+$0xFFFFFFD0];
	v7 =	vcombine.low v5, v6;
	[tilespmem:s20+$0x1830 ss:$0x81] =	vst.msk $0xffff, v8  }
0x4a: {  	v8 =	vld [tilespmem:s19+$0xFFFFFFE0];
	[tilespmem:s20+$0x810 ss:$0x81] =	vst.msk $0xffff, v11  }
0x4b: {  	v14 =	vld [tilespmem:s19+$0x0];
	v9 =	vperm.xlane.i2c.b16 v9;
	v5 =	vcombine.high v5, v6;
	[tilespmem:s20+$0x1020 ss:$0x81] =	vst.msk $0xffff, v7  }
0x4c: {  	s21 =	sand.u32 $0x1, s14;
	[tilespmem:s20+$0x3870 ss:$0x81] =	vst.msk $0xffff, v0;
	v0 =	vcombine.high v3, v4;
	v3 =	vld [tilespmem:s19+$0x10];
	v2 =	vperm.xlane.i2c.b16 v2  }
0x4d: {  	s22 =	smul.u32 $0x10200, s21;
	s21 =	sadd.s32 $0x80, s19;
	v11 =	vcombine.low v13, v10;
	v7 =	vperm.xlane.i2c.b16 v12;
	v4 =	vld [tilespmem:s19+$0xFFFFFFC0];
	[tilespmem:s20+$0x3060 ss:$0x81] =	vst.msk $0xffff, v5  }
0x4e: {  	v5 =	vld [tilespmem:s21+$0x30];
	[tilespmem:s20+$0x2850 ss:$0x81] =	vst.msk $0xffff, v0;
	v0 =	vperm.xlane.i2c.b16 v1;
	v15 =	vcombine.low v2, v9  }
0x4f: {  	s31 =	sshrl.u32 s22, $0x2;
	s23 =	sadd.s32 $0x1, s18;
	[tilespmem:s20+$0x0 ss:$0x81] =	vst.msk $0xffff, v11;
	v1 =	vld [tilespmem:s21+$0x20];
	v9 =	vcombine.high v2, v9;
	v6 =	vperm.xlane.i2c.b16 v8  }
0x50: {  	s24 =	simm.s32 $0xC;
	s22 =	simm.s32 $0x8;
	v10 =	vcombine.high v13, v10;
	s19 =	sor.u32 $0x8000, s31;
	v2 =	vld [tilespmem:s21+$0xFFFFFFD0];
	v8 =	vperm.xlane.i2c.b16 v14;
	[tilespmem:s23+$0x1830 ss:$0x81] =	vst.msk $0xffff, v15  }
.LBB1_3:
0x51: {  	p1 =	sne.s32 s24, $0x1FC;
	v11 =	vld [tilespmem:s21+$0xFFFFFFE0];
	v12 =	vcombine.low v6, v7;
	v3 =	vperm.xlane.i2c.b16 v3;
	[tilespmem:s23+$0x3870 ss:$0x81] =	vst.msk $0xffff, v9  }
0x52: {  	v13 =	vperm.xlane.i2c.b16 v4;
	v4 =	vcombine.high v6, v7;
	v9 =	vld [tilespmem:s21+$0xFFFFFFF0];
	[tilespmem:s20+$0x2040 ss:$0x81] =	vst.msk $0xffff, v10;
	s20 =	smov.u32 s23  }
0x53: {  	v10 =	vld [tilespmem:s21+$0x0];
	[tilespmem:s20+$0x810 ss:$0x81] =	vst.msk $0xffff, v12;
	v6 =	vcombine.low v8, v3;
	v7 =	vcombine.high v8, v3  }
.Ltmp3:
0x54: {  	v8 =	vperm.xlane.i2c.b16 v5;
	v12 =	vperm.xlane.i2c.b16 v1;
	v3 =	vld [tilespmem:s21+$0x10];
	[tilespmem:s20+$0x2850 ss:$0x81] =	vst.msk $0xffff, v4;
	(pc) =	sbr.rel @p1 .LBB1_3-.Ltmp3, $4  }
0x55: {  	v14 =	vperm.xlane.i2c.b16 v2;
	v2 =	vcombine.low v13, v0;
	v4 =	vld [tilespmem:s21+$0xFFFFFFC0];
	s21 =	sadd.s32 $0x80, s21;
	[tilespmem:s20+$0x1020 ss:$0x81] =	vst.msk $0xffff, v6  }
0x56: {  	s23 =	sshra.s32 s22, $0x2;
	s22 =	smov.u32 s24;
	v1 =	vld [tilespmem:s21+$0x20];
	v6 =	vperm.xlane.i2c.b16 v11;
	v11 =	vcombine.low v12, v8;
	[tilespmem:s20+$0x3060 ss:$0x81] =	vst.msk $0xffff, v7  }
0x57: {  	s23 =	sadd.s32 s23, s18;
	v5 =	vld [tilespmem:s21+$0x30];
	v7 =	vperm.xlane.i2c.b16 v9;
	v9 =	vcombine.high v12, v8;
	[tilespmem:s20+$0x0 ss:$0x81] =	vst.msk $0xffff, v2  }
0x58: {  	s24 =	sadd.s32 $0x4, s24;
	v2 =	vld [tilespmem:s21+$0xFFFFFFD0];
	v8 =	vperm.xlane.i2c.b16 v10;
	[tilespmem:s23+$0x1830 ss:$0x81] =	vst.msk $0xffff, v11;
	v10 =	vcombine.high v13, v0;
	v0 =	vmov v14  }
.Ltmp4:
0x59: {  	_ = 	snop;
	(pc) =	sbr.rel .LBB1_4-.Ltmp4, $1  }
0x5a: {  	_ =	sdelay $0x3  }
.LBB1_6:
0x5b: {  	_ =	sfence.sel $0x180000  }
0x5c: {  	s1 =	simm.s32 $0x1;
	[bflag:$0x0] =	sbarrier.arrive $0xFFFF  }
0x5d: {  	s31 =	simm.s32 $0x2;
	[sflag:s1] =	ssyncpa.u1 $0x1  }
0x5e: {  	[sflag:s31] =	ssyncpa.u1 $0x1  }
0x5f: {  	p0 =	sne.s32 s0, $0x0;
	_ =	strace $0x9000006B  }
0x60: {  	s0 =	sadd.s32 @!p0 $0x100000, s4;
	[bflag:$0x2] =	sbarrier.arrive $0xFFFF  }
0x61: {  	[sflag:s0] =	ssyncadd.tile.s32 @!p0 $0x1;
	_ =	shalt  }
.Lfunc_end1:
_tile_overlayer_lowered:
.L_overlay_start_2:
0x62: {  	(tag) =	ssettag $0x2  }
0x63: {  	s0 =	rddreg [dreg:$0x0];
	s2 =	stileid.u32  }
0x64: {  	s1 =	rddreg [dreg:$0x1];
	p0 =	sne.s32 s2, $0x0  }
0x65: {  	s3 =	rddreg [dreg:$0x2];
	[bflag:$0x3] =	sbarrier.arrive $0xFFFF;
	s2 =	simm.s32 @!p0 $0x1C01  }
0x66: {  	[timem:s3], [sflag:s2] =	dma.local @!p0 [hbm:s0], s1  }
0x67: {  	s0 =	simm.s32 @!p0 $0x1  }
0x68: {  	_ =	swait.ge @!p0 [sflag:s0], s1  }
0x69: {  	s1 =	ssub.s32 @!p0 $0x0, s1;
	[sflag:s0] =	ssyncset.done @!p0 $0x0  }
0x6a: {  	[sflag:s0] =	ssyncadd.s32 @!p0 s1  }
0x6b: {  	[bflag:$0x3] =	sbarrier.arrive $0xFFFF  }
0x6c: {  	_ =	shalt  }

// kernel: sparse-core-data-format-call.4.cloned.1.call-start
scs
called_computation.4_lowered:
.L_overlay_start_0:
0x0: {  	s1 =	sld [smem:$0x3FD9]  }
0x1: {  	s2 =	sld [smem:$0x3FFE];
	_ =	sdelay $0x1  }
0x2: {  	s3 =	srdreg.scid  }
0x3: {  	s0 =	sand.u32 $0x1, s3  }
0x4: {  	s17 =	sshll.u32 s0, $0xA;
	s1 =	sadd.s32 s2, s1  }
0x5: {  	s1 =	sadd.s32 s1, s17  }
0x6: {  	[smem:$0x3F8B] =	sst s1  }
0x7: {  	_ = 	snop  }
0x8: {  	(tm) =	ssettm $0x1  }
0x9: {  	s18 =	sld [smem:$0x3FFB];
	_ =	sdelay $0x3  }
0xa: {  	_ =	strace s18  }
0xb: {  	s1 =	sld [smem:$0x3FFC];
	_ =	sdelay $0x3  }
0xc: {  	_ =	strace s1  }
0xd: {  	s1 =	sld [smem:$0x3FFD];
	_ =	sdelay $0x3  }
0xe: {  	_ =	strace s1  }
0xf: {  	_ =	strace $0x8FFFFFFF  }
0x10: {  	s19 =	sld [smem:$0x3FDB];
	_ =	sdelay $0x1  }
0x11: {  	s20 =	simm.s32 $_scs_section_size  }
0x12: {  	s4 =	simm.s32 $_size__tile_overlayer_lowered;
	s5 =	simm.s32 $_tile_overlayer_lowered  }
0x13: {  	s23 =	simm.s32 $0x1BFF;
	s22 =	sshll.u32 s5, $0x1;
	s1 =	sadd.s32 s20, s19  }
0x14: {  	s6 =	simm.s32 $0x0;
	s21 =	sshll.u32 s4, $0x1;
	s4 =	sadd.s32 s22, s1  }
0x15: {  	[timem:s6], [sflag:s23] =	dma.local [hbm:s4], s21  }
0x16: {  	_ =	swait.ge [sflag:s23], s21  }
0x17: {  	s2 =	ssub.s32 $0x0, s21;
	[sflag:s23] =	ssyncset.done $0x0  }
0x18: {  	[sflag:s23] =	ssyncadd.s32 s2;
	_ =	sdelay $0x1  }
0x19: {  	s24 =	simm.s32 $0x1B8B  }
0x1a: {  	_ =	swait.ge [sflag:s24], $0x1  }
0x1b: {  	[sflag:s24] =	ssyncset.done $0x0  }
0x1c: {  	s26 =	simm.s32 $0x1B8E;
	s25 =	sld [smem:$0x3FFE];
	[sflag:s24] =	ssyncadd.s32 $0xFFFFFFFF  }
0x1d: {  	s27 =	simm.s32 $execute0_lowered;
	[smem:$0x3FD2] =	sst s26  }
0x1e: {  	s4 =	sshll.u32 s27, $0x1;
	_ =	strace $0x8000004C;
	[dreg:$0x1] =	wrdreg $0xFFFFFFFF  }
0x1f: {  	s28 =	simm.s32 $_size_execute0_lowered;
	s1 =	sadd.s32 s1, s4;
	[dreg:$0x0] =	wrdreg $0x0  }
0x20: {  	s4 =	sshll.u32 s28, $0x1;
	[dreg:$0x2] =	wrdreg s1  }
0x21: {  	[dreg:$0x3] =	wrdreg s4  }
0x22: {  	[dreg:$0x4] =	wrdreg $0xC0  }
0x23: {  	_ =	task [dreg:s6], $0x5FFFF  }
0x24: {  	[dreg:$0x1] =	wrdreg $0xFFFFFFFF  }
0x25: {  	[dreg:$0x0] =	wrdreg $0x60  }
0x26: {  	[dreg:$0x2] =	wrdreg s25  }
0x27: {  	[dreg:$0x3] =	wrdreg $0xA  }
0x28: {  	_ =	task.clear_ibuf [dreg:s6], $0x4FFFF;
	_ =	strace $0x9000004C  }
0x29: {  	s29 =	simm.s32 $0xA;
	_ =	strace $0x8000004E  }
0x2a: {  	_ =	swait.ge [sflag:s29], $0x1  }
0x2b: {  	[sflag:s29] =	ssyncadd.s32 $0xFFFFFFFF  }
0x2c: {  	_ =	strace $0x9000004E  }
0x2d: {  	_ =	sfence  }
0x2e: {  	s30 =	sld [smem:$0x0];
	_ =	sdelay $0x2  }
0x2f: {  	s31 =	sshll.u32 s3, $0xD;
	s3 =	sshrl.u32 s3, $0x2  }
0x30: {  	s2 =	sand.u32 $0x4000, s31;
	s1 =	sadd.s32 s3, s30  }
0x31: {  	s0 =	sor.u32 s2, s0;
	s1 =	sshll.u32 s1, $0x11  }
0x32: {  	s0 =	sor.u32 s1, s0  }
0x33: {  	s0 =	sadd.s32 $0x8F2B, s0  }
0x34: {  	[sflag:s0] =	ssyncadd.remote.s32 $0x1  }
0x35: {  	_ =	sfence.sel $0xFFFF  }
0x36: {  	[dreg:$0x0] =	wrdreg $0xFFFFFFFF;
	(pc) =	sbr.abs _section_cstart, $3  }
0x37: {  	[dreg:$0x1] =	wrdreg $0xFFFFFFFF  }
0x38: {  	_ =	task.clear_ibuf [dreg:s6], $0x2FFFF;
	_ =	strace $0x9FFFFFFF  }
0x39: {  	(tm) =	ssettm $0x7FFFFFFF  }
tec
execute0_lowered:
.L_overlay_start_1:
0x0: {  	(tag) =	ssettag $0x1  }
0x1: {  	s0 =	stileid.u32  }
0x2: {  	s8 =	rddreg [dreg:$0x0];
	s3 =	srdreg.scid  }
0x3: {  	s31 =	simm.s32 $0x2;
	s17 =	simm.s32 $0x0;
	s10 =	simm.s32 $0x2000  }
0x4: {  	s15 =	simm.s32 $0x0;
	s16 =	simm.s32 $0x0;
	s2 =	sshll.u32 s0, $0x6  }
0x5: {  	s14 =	simm.s32 $0x0;
	s1 =	sand.u32 $0x1, s0;
	s2 =	sand.u32 $0x380, s2  }
0x6: {  	s3 =	sshll.u32 s3, $0x7;
	s4 =	ssub.s32 $0x2, s1;
	s5 =	ssub.s32 $0x400, s2  }
0x7: {  	s3 =	sand.u32 $0x80, s3;
	s13 =	smov.u32 s1;
	s7 =	sand.u32 $0x380, s5  }
0x8: {  	s6 =	sshrl.u32 s4, $0x1;
	p0 =	sne.s32 s7, $0x0;
	s7 =	simm.s32 $0x1  }
0x9: {  	s4 =	sand.u32 $0x1, s4;
	s5 =	sshrl.u32 s5, $0xA;
	s7 =	simm.s32 @!p0 $0x0  }
0xa: {  	s9 =	ssub.s32 $0x1000, s3;
	s4 =	sadd.s32 s4, s6;
	s5 =	sadd.s32 s7, s5  }
0xb: {  	s11 =	smov.u32 s3;
	s28 =	sshrl.u32 s9, $0x7;
	s30 =	smul.u32 s4, s5  }
.Ltmp0:
0xc: {  	s29 =	sshrl.u32 s9, $0x8;
	s6 =	sand.u32 $0x1, s28;
	(pc) =	sbr.rel .LBB1_1-.Ltmp0, $4  }
0xd: {  	s12 =	smov.u32 s2;
	s6 =	sadd.s32 s29, s6;
	s4 =	rddreg [dreg:$0x1]  }
0xe: {  	_ =	strace $0x8000004D;
	s5 =	simm.s32 $0x1;
	s6 =	smul.u32 s6, s30  }
0xf: {  	p0 =	por $0x0, $0x0;
	s7 =	sadd.s32 $0x86BA00, s8;
	[sflag:s5] =	ssyncpa.u1 $0x0  }
0x10: {  	s8 =	sadd.s32 $0x96BA00, s8;
	[sflag:s31] =	ssyncpa.u1 $0x0;
	s9 =	sadd.s32 $0x1, s6  }
.LBB1_4:
0x11: {  	v5 =	vld [tilespmem:s21+$0xFFFFFFD0];
	[tilespmem:s20+$0x2040 ss:$0x81] =	vst.msk $0xffff, v1  }
0x12: {  	v58 =	vld [tilespmem:s21+$0xFFFFFFE0];
	[tilespmem:s20+$0x2850 ss:$0x81] =	vst.msk $0xffff, v2  }
0x13: {  	s22 =	sshra.s32 s22, $0x2;
	v59 =	vld [tilespmem:s21+$0xFFFFFFF0];
	[tilespmem:s20+$0x3060 ss:$0x81] =	vst.msk $0xffff, v3  }
0x14: {  	v60 =	vld [tilespmem:s21+$0x0];
	[tilespmem:s20+$0x0 ss:$0x81] =	vst.msk $0xffff, v0;
	s19 =	sadd.s32 s22, s19  }
0x15: {  	v61 =	vld [tilespmem:s21+$0x10];
	[tilespmem:s19+$0x3870 ss:$0x81] =	vst.msk $0xffff, v4  }
0x16: {  	v62 =	vld [tilespmem:s21+$0x20];
	s26 =	sshll.u32 s17, $0xA;
	s27 =	sshll.u32 s15, $0x3;
	[tilespmem:s19+$0x810 ss:$0x81] =	vst.msk $0xffff, v5  }
0x17: {  	v63 =	vld [tilespmem:s21+$0xFFFFFFC0];
	s29 =	sshll.u32 s17, $0x7;
	s30 =	sand.u32 $0x78, s15;
	s16 =	sshll.u32 s16, $0x13;
	[tilespmem:s19+$0x1020 ss:$0x81] =	vst.msk $0xffff, v58  }
0x18: {  	s20 =	sand.u32 $0x3FE000, s26;
	s28 =	sand.u32 $0x3FFC00, s27;
	s17 =	sand.u32 $0x380, s29;
	[tilespmem:s19+$0x1830 ss:$0x81] =	vst.msk $0xffff, v59  }
0x19: {  	s31 =	sand.u32 $0x7, s15;
	s20 =	sadd.s32 s28, s20;
	s17 =	sor.u32 s30, s17;
	[tilespmem:s19+$0x2040 ss:$0x81] =	vst.msk $0xffff, v60  }
0x1a: {  	s16 =	sadd.s32 s8, s16;
	s20 =	sshrl.u32 s20, $0x3;
	s17 =	sshrl.u32 s17, $0x3;
	[tilespmem:s19+$0x2850 ss:$0x81] =	vst.msk $0xffff, v61  }
0x1b: {  	s15 =	sshll.u32 s31, $0x12;
	s20 =	sand.u32 $0x7FF80, s20;
	s16 =	sadd.s32 s17, s16;
	[tilespmem:s19+$0x3060 ss:$0x81] =	vst.msk $0xffff, v62  }
0x1c: {  	s15 =	sor.u32 $0x400, s15;
	[tilespmem:s19+$0x0 ss:$0x81] =	vst.msk $0xffff, v63;
	s16 =	sadd.s32 s20, s16  }
0x1d: {  	[hbm4b:s16+s15] =	stream.strided.scatter [tilespmem:s18], [sflag:$0x2], $0x4000, s10, s15, $0x20;
	[tilespmem:$0x10100] =	vst v63  }
.LBB1_5:
0x1e: {  	s18 =	sadd.s32 $0x100, s11  }
0x1f: {  	s15 =	sadd.s32 $0x400, s12;
	s19 =	smov.u32 s12;
	p2 =	sgt.s32 s18, $0xFFF  }
0x20: {  	s19 =	smov.u32 @p2 s15  }
0x21: {  	s21 =	smov.u32 s13;
	s15 =	sadd.s32 $0x2, s13;
	p3 =	sgt.s32 s19, $0x3FF  }
0x22: {  	s21 =	smov.u32 @p3 s15  }
0x23: {  	s18 =	smov.u32 @p2 s3;
	p2 =	sgt.s32 s21, $0x1  }
0x24: {  	p1 =	slt.u32 s14, $0x2;
	s21 =	smov.u32 @p2 s1;
	p2 =	sne.s32 s14, s9  }
.Ltmp1:
0x25: {  	s20 =	simm.s32 @!p1 $0x2;
	(pc) =	sbr.rel @!p2 .LBB1_6-.Ltmp1, $4  }
0x26: {  	s17 =	smov.u32 s11;
	s16 =	smov.u32 s13;
	_ =	swait.ge @!p1 [sflag:s20], $0x4000  }
0x27: {  	p0 =	por !p0, !p0;
	[sflag:s20] =	ssyncset.done @!p1 $0x0;
	s11 =	smov.u32 s18  }
0x28: {  	s19 =	smov.u32 @p3 s2;
	s15 =	smov.u32 s12;
	[sflag:s20] =	ssyncadd.s32 @!p1 $0xFFFFC000  }
0x29: {  	s12 =	smov.u32 s19;
	s14 =	sadd.s32 $0x1, s14;
	s13 =	smov.u32 s21  }
.LBB1_1:
0x2a: {  	p1 =	sge.u32 s14, s6;
	s31 =	sadd.s32 $0xFFFFFFFF, s14  }
0x2b: {  	s18 =	sxor.u32 @!p1 $0xFFFFFFFF, s14;
	s19 =	sand.u32 @!p1 $0x78, s11;
	s20 =	sshll.u32 @!p1 s12, $0xC  }
0x2c: {  	s21 =	sshll.u32 @!p1 s12, $0x7;
	s22 =	sshll.u32 @!p1 s11, $0x3;
	s18 =	sshll.u32 @!p1 s18, $0xE  }
0x2d: {  	s20 =	sand.u32 @!p1 $0x3F8000, s20;
	s21 =	sand.u32 @!p1 $0x380, s21;
	s18 =	sand.u32 @!p1 $0x4000, s18  }
0x2e: {  	s20 =	sadd.s32 @!p1 s20, s22;
	s22 =	sand.u32 @!p1 $0xC00, s22;
	s19 =	sor.u32 @!p1 s21, s19  }
0x2f: {  	s21 =	sshll.u32 @!p1 s13, $0x13;
	s19 =	sor.u32 @!p1 s22, s19;
	s20 =	sshrl.u32 @!p1 s20, $0x3  }
0x30: {  	s21 =	sadd.s32 @!p1 s7, s21;
	s22 =	sand.u32 @!p1 $0x7, s11;
	s20 =	sand.u32 @!p1 $0x7FE00, s20  }
0x31: {  	s19 =	sshrl.u32 @!p1 s19, $0x3;
	s20 =	sadd.s32 @!p1 s20, s21;
	s21 =	sshll.u32 @!p1 s22, $0x12  }
0x32: {  	s19 =	sadd.s32 @!p1 s19, s20;
	s20 =	sor.u32 @!p1 $0x400, s21;
	s21 =	simm.s32 @!p1 $0x8000  }
0x33: {  	[tilespmem:s18], [sflag:$0x1] =	stream.strided.gather @!p1 [hbm4b:s19+s20], $0x4000, s21, s20, $0x38;
	[tilespmem:$0x10100] =	vst v63  }
0x34: {  	p1 =	sge.u32 s31, s6  }
.Ltmp2:
0x35: {  	_ = 	snop;
	(pc) =	sbr.rel @p1 .LBB1_5-.Ltmp2, $1  }
0x36: {  	_ =	sdelay $0x3  }
0x37: {  	s18 =	simm.s32 $0x1  }
0x38: {  	_ =	swait.ge [sflag:s5], $0x4000;
	s18 =	simm.s32 @!p0 $0x0  }
0x39: {  	[sflag:s5] =	ssyncset.done $0x0;
	s19 =	sshll.u32 s18, $0xE  }
0x3a: {  	[sflag:s5] =	ssyncadd.s32 $0xFFFFC000;
	s21 =	sor.u32 $0x40, s19  }
0x3b: {  	s18 =	smul.u32 $0x10200, s18;
	v0 =	vld [tilespmem:s21+$0x30]  }
0x3c: {  	v3 =	vld [tilespmem:s21+$0xFFFFFFD0]  }
0x3d: {  	s18 =	sshrl.u32 s18, $0x2;
	v4 =	vld [tilespmem:s21+$0xFFFFFFE0]  }
0x3e: {  	v5 =	vld [tilespmem:s21+$0xFFFFFFF0];
	s19 =	sor.u32 $0x8000, s18  }
0x3f: {  	s31 =	sand.u32 $0x1, s14;
	v1 =	vld [tilespmem:s21+$0x0];
	s20 =	sadd.s32 $0x0, s19  }
0x40: {  	v2 =	vld [tilespmem:s21+$0x10];
	s18 =	smul.u32 $0x10200, s31;
	[tilespmem:s20+$0x3870 ss:$0x81] =	vst.msk $0xffff, v0  }
0x41: {  	[tilespmem:s20+$0x810 ss:$0x81] =	vst.msk $0xffff, v3;
	v3 =	vld [tilespmem:s21+$0x20]  }
0x42: {  	s18 =	sshrl.u32 s18, $0x2;
	v0 =	vld [tilespmem:s21+$0xFFFFFFC0];
	[tilespmem:s20+$0x1020 ss:$0x81] =	vst.msk $0xffff, v4;
	s21 =	sadd.s32 $0x80, s21  }
0x43: {  	s22 =	simm.s32 $0x4;
	s23 =	simm.s32 $0x8;
	s18 =	sor.u32 $0x8000, s18;
	[tilespmem:s20+$0x1830 ss:$0x81] =	vst.msk $0xffff, v5;
	v4 =	vld [tilespmem:s21+$0x30]  }
.LBB1_3:
0x44: {  	p1 =	sne.s32 s23, $0x1FC;
	v5 =	vld [tilespmem:s21+$0xFFFFFFD0];
	[tilespmem:s20+$0x2040 ss:$0x81] =	vst.msk $0xffff, v1  }
0x45: {  	v6 =	vld [tilespmem:s21+$0xFFFFFFE0];
	[tilespmem:s20+$0x2850 ss:$0x81] =	vst.msk $0xffff, v2  }
0x46: {  	s24 =	sshra.s32 s22, $0x2;
	s22 =	smov.u32 s23;
	v7 =	vld [tilespmem:s21+$0xFFFFFFF0];
	[tilespmem:s20+$0x3060 ss:$0x81] =	vst.msk $0xffff, v3  }
.Ltmp3:
0x47: {  	v1 =	vld [tilespmem:s21+$0x0];
	[tilespmem:s20+$0x0 ss:$0x81] =	vst.msk $0xffff, v0;
	s20 =	sadd.s32 s24, s19;
	(pc) =	sbr.rel @p1 .LBB1_3-.Ltmp3, $4  }
0x48: {  	v2 =	vld [tilespmem:s21+$0x10];
	[tilespmem:s20+$0x3870 ss:$0x81] =	vst.msk $0xffff, v4  }
0x49: {  	[tilespmem:s20+$0x810 ss:$0x81] =	vst.msk $0xffff, v5;
	v3 =	vld [tilespmem:s21+$0x20]  }
0x4a: {  	v0 =	vld [tilespmem:s21+$0xFFFFFFC0];
	[tilespmem:s20+$0x1020 ss:$0x81] =	vst.msk $0xffff, v6;
	s21 =	sadd.s32 $0x80, s21  }
0x4b: {  	s23 =	sadd.s32 $0x4, s23;
	v4 =	vld [tilespmem:s21+$0x30];
	[tilespmem:s20+$0x1830 ss:$0x81] =	vst.msk $0xffff, v7  }
.Ltmp4:
0x4c: {  	_ = 	snop;
	(pc) =	sbr.rel .LBB1_4-.Ltmp4, $1  }
0x4d: {  	_ =	sdelay $0x3  }
.LBB1_6:
0x4e: {  	_ =	sfence.sel $0x180000  }
0x4f: {  	s1 =	simm.s32 $0x1;
	[bflag:$0x0] =	sbarrier.arrive $0xFFFF  }
0x50: {  	s31 =	simm.s32 $0x2;
	[sflag:s1] =	ssyncpa.u1 $0x1  }
0x51: {  	[sflag:s31] =	ssyncpa.u1 $0x1  }
0x52: {  	p0 =	sne.s32 s0, $0x0;
	_ =	strace $0x9000004D  }
0x53: {  	s0 =	sadd.s32 @!p0 $0x100000, s4;
	[bflag:$0x2] =	sbarrier.arrive $0xFFFF  }
0x54: {  	[sflag:s0] =	ssyncadd.tile.s32 @!p0 $0x1;
	_ =	shalt  }
.Lfunc_end1:
_tile_overlayer_lowered:
.L_overlay_start_2:
0x55: {  	(tag) =	ssettag $0x2  }
0x56: {  	s0 =	rddreg [dreg:$0x0];
	s2 =	stileid.u32  }
0x57: {  	s1 =	rddreg [dreg:$0x1];
	p0 =	sne.s32 s2, $0x0  }
0x58: {  	s3 =	rddreg [dreg:$0x2];
	[bflag:$0x3] =	sbarrier.arrive $0xFFFF;
	s2 =	simm.s32 @!p0 $0x1C01  }
0x59: {  	[timem:s3], [sflag:s2] =	dma.local @!p0 [hbm:s0], s1  }
0x5a: {  	s0 =	simm.s32 @!p0 $0x1  }
0x5b: {  	_ =	swait.ge @!p0 [sflag:s0], s1  }
0x5c: {  	s1 =	ssub.s32 @!p0 $0x0, s1;
	[sflag:s0] =	ssyncset.done @!p0 $0x0  }
0x5d: {  	[sflag:s0] =	ssyncadd.s32 @!p0 s1  }
0x5e: {  	[bflag:$0x3] =	sbarrier.arrive $0xFFFF  }
0x5f: {  	_ =	shalt  }

// kernel: sparse-core-data-format-call.5.cloned.1.call-start
scs
called_computation.5_lowered:
.L_overlay_start_0:
0x0: {  	s2 =	sld [smem:$0x3FD9]  }
0x1: {  	s3 =	sld [smem:$0x3FFE];
	_ =	sdelay $0x1  }
0x2: {  	s1 =	srdreg.scid  }
0x3: {  	s0 =	sand.u32 $0x1, s1  }
0x4: {  	s18 =	sshll.u32 s0, $0xA;
	s2 =	sadd.s32 s3, s2  }
0x5: {  	s2 =	sadd.s32 s2, s18  }
0x6: {  	[smem:$0x3F8B] =	sst s2  }
0x7: {  	_ = 	snop  }
0x8: {  	(tm) =	ssettm $0x1  }
0x9: {  	s19 =	sld [smem:$0x3FFB];
	_ =	sdelay $0x3  }
0xa: {  	_ =	strace s19  }
0xb: {  	s2 =	sld [smem:$0x3FFC];
	_ =	sdelay $0x3  }
0xc: {  	_ =	strace s2  }
0xd: {  	s2 =	sld [smem:$0x3FFD];
	_ =	sdelay $0x3  }
0xe: {  	_ =	strace s2  }
0xf: {  	_ =	strace $0x8FFFFFFF  }
0x10: {  	s20 =	sld [smem:$0x3FDB];
	_ =	sdelay $0x1  }
0x11: {  	s21 =	simm.s32 $_scs_section_size  }
0x12: {  	s4 =	simm.s32 $_size__tile_overlayer_lowered;
	s5 =	simm.s32 $_tile_overlayer_lowered  }
0x13: {  	s6 =	simm.s32 $0x1BFF;
	s22 =	sshll.u32 s5, $0x1;
	s3 =	sadd.s32 s21, s20  }
0x14: {  	s23 =	simm.s32 $0x0;
	s4 =	sshll.u32 s4, $0x1;
	s5 =	sadd.s32 s22, s3  }
0x15: {  	[timem:s23], [sflag:s6] =	dma.local [hbm:s5], s4  }
0x16: {  	_ =	swait.ge [sflag:s6], s4  }
0x17: {  	s4 =	ssub.s32 $0x0, s4;
	[sflag:s6] =	ssyncset.done $0x0  }
0x18: {  	[sflag:s6] =	ssyncadd.s32 s4;
	_ =	sdelay $0x1  }
0x19: {  	s24 =	simm.s32 $0x1B8B  }
0x1a: {  	_ =	swait.ge [sflag:s24], $0x1  }
0x1b: {  	[sflag:s24] =	ssyncset.done $0x0  }
0x1c: {  	[sflag:s24] =	ssyncadd.s32 $0xFFFFFFFF  }
0x1d: {  	s4 =	sld [smem:$0x0]  }
0x1e: {  	s5 =	sand.u32 $0xFFFFFFFE, s1  }
0x1f: {  	p0 =	sne.s32 s1, s5  }
0x20: {  	s5 =	sshll.u32 @p0 s5, $0xE  }
0x21: {  	s5 =	sadd.s32 @p0 $0x11B8D, s5;
	s6 =	sshll.u32 @p0 s4, $0x11  }
0x22: {  	s5 =	sor.u32 @p0 s6, s5  }
0x23: {  	[sflag:s5] =	ssyncadd.remote.s32 @p0 $0x1;
	_ =	sdelay $0x1  }
0x24: {  	s5 =	simm.s32 @p0 $0x1B8D  }
0x25: {  	_ =	swait.eq @p0 [sflag:s5], $0x1  }
0x26: {  	[sflag:s5] =	ssyncadd.s32 @p0 $0xFFFFFFFF  }
0x27: {  	s6 =	sshll.u32 @!p0 s1, $0xE  }
0x28: {  	s6 =	sor.u32 @!p0 $0x4000, s6;
	s5 =	simm.s32 @!p0 $0x1B8D  }
0x29: {  	s4 =	sshll.u32 @!p0 s4, $0x11;
	s6 =	sadd.s32 @!p0 $0x11B8D, s6;
	_ =	swait.eq @!p0 [sflag:s5], $0x1  }
0x2a: {  	s4 =	sor.u32 @!p0 s4, s6;
	[sflag:s5] =	ssyncadd.s32 @!p0 $0xFFFFFFFF  }
0x2b: {  	s26 =	simm.s32 $0x1B8E;
	s25 =	sld [smem:$0x3FFE];
	[sflag:s4] =	ssyncadd.remote.s32 @!p0 $0x1  }
0x2c: {  	s27 =	simm.s32 $execute0_lowered;
	[smem:$0x3FD2] =	sst s26  }
0x2d: {  	s5 =	sshll.u32 s27, $0x1;
	_ =	strace $0x8000005E;
	[dreg:$0x1] =	wrdreg $0xFFFFFFFF  }
0x2e: {  	s28 =	simm.s32 $_size_execute0_lowered;
	s3 =	sadd.s32 s3, s5;
	[dreg:$0x0] =	wrdreg $0x0  }
0x2f: {  	s5 =	sshll.u32 s28, $0x1;
	[dreg:$0x2] =	wrdreg s3  }
0x30: {  	[dreg:$0x3] =	wrdreg s5  }
0x31: {  	[dreg:$0x4] =	wrdreg $0xC0  }
0x32: {  	_ =	task [dreg:s23], $0x5FFFF  }
0x33: {  	[dreg:$0x1] =	wrdreg $0xFFFFFFFF  }
0x34: {  	[dreg:$0x0] =	wrdreg $0x60  }
0x35: {  	[dreg:$0x2] =	wrdreg s25  }
0x36: {  	[dreg:$0x3] =	wrdreg $0xA  }
0x37: {  	_ =	task.clear_ibuf [dreg:s23], $0x4FFFF;
	_ =	strace $0x9000005E  }
0x38: {  	s29 =	simm.s32 $0xA;
	_ =	strace $0x80000060  }
0x39: {  	_ =	swait.ge [sflag:s29], $0x1  }
0x3a: {  	[sflag:s29] =	ssyncadd.s32 $0xFFFFFFFF  }
0x3b: {  	_ =	strace $0x90000060  }
0x3c: {  	_ =	sfence  }
0x3d: {  	s30 =	sld [smem:$0x0];
	_ =	sdelay $0x2  }
0x3e: {  	s31 =	sshll.u32 s1, $0xD;
	s1 =	sshrl.u32 s1, $0x2  }
0x3f: {  	s4 =	sand.u32 $0x4000, s31;
	s1 =	sadd.s32 s1, s30  }
0x40: {  	s0 =	sor.u32 s4, s0;
	s1 =	sshll.u32 s1, $0x11  }
0x41: {  	s0 =	sor.u32 s1, s0  }
0x42: {  	s0 =	sadd.s32 $0x8F2B, s0  }
0x43: {  	[sflag:s0] =	ssyncadd.remote.s32 $0x1  }
0x44: {  	_ =	sfence.sel $0xFFFF  }
0x45: {  	[dreg:$0x0] =	wrdreg $0xFFFFFFFF;
	(pc) =	sbr.abs _section_cstart, $3  }
0x46: {  	[dreg:$0x1] =	wrdreg $0xFFFFFFFF  }
0x47: {  	_ =	task.clear_ibuf [dreg:s23], $0x2FFFF;
	_ =	strace $0x9FFFFFFF  }
0x48: {  	(tm) =	ssettm $0x7FFFFFFF  }
0x49: {  	_ =	shalt  }
tec
execute0_lowered:
.L_overlay_start_1:
0x0: {  	(tag) =	ssettag $0x1  }
0x1: {  	s0 =	stileid.u32  }
0x2: {  	s1 =	srdreg.scid;
	s5 =	rddreg [dreg:$0x0];
	s31 =	simm.s32 $0x2  }
0x3: {  	s16 =	simm.s32 $0x0;
	s2 =	sshll.u32 s0, $0x6;
	s1 =	sshll.u32 s1, $0xA  }
0x4: {  	s9 =	simm.s32 $0x8000;
	s14 =	simm.s32 $0x0;
	s1 =	sor.u32 s2, s1  }
0x5: {  	s15 =	simm.s32 $0x0;
	s10 =	simm.s32 $0x0;
	s1 =	sand.u32 $0x780, s1  }
0x6: {  	s13 =	simm.s32 $0x0;
	s2 =	sand.u32 $0x1, s0;
	s3 =	ssub.s32 $0x1000, s1  }
0x7: {  	s4 =	ssub.s32 $0x2, s2;
	s12 =	smov.u32 s2;
	s6 =	sand.u32 $0x780, s3  }
0x8: {  	s7 =	sshrl.u32 s4, $0x1;
	p0 =	sne.s32 s6, $0x0;
	s6 =	simm.s32 $0x1  }
0x9: {  	s4 =	sand.u32 $0x1, s4;
	s8 =	sshrl.u32 s3, $0xB;
	s6 =	simm.s32 @!p0 $0x0  }
.Ltmp0:
0xa: {  	s4 =	sadd.s32 s4, s7;
	s6 =	sadd.s32 s6, s8;
	(pc) =	sbr.rel .LBB1_1-.Ltmp0, $4  }
0xb: {  	s11 =	smov.u32 s1;
	s3 =	rddreg [dreg:$0x1];
	s7 =	smul.u32 s6, s4  }
0xc: {  	_ =	strace $0x8000005F;
	p0 =	por $0x0, $0x0;
	s6 =	simm.s32 $0x1  }
0xd: {  	s4 =	sadd.s32 $0x63600, s5;
	[sflag:s6] =	ssyncpa.u1 $0x0;
	s7 =	sshll.u32 s7, $0x6  }
0xe: {  	s5 =	sadd.s32 $0xD23E00, s5;
	[sflag:s31] =	ssyncpa.u1 $0x0;
	s8 =	sor.u32 $0x1, s7  }
.LBB1_4:
0xf: {  	v5 =	vld [tilespmem:s19+$0xFFFFFFD0]  }
0x10: {  	[tilespmem:s20+$0x2040 ss:$0x81] =	vst.msk $0xffff, v1;
	v58 =	vld [tilespmem:s19+$0xFFFFFFE0]  }
0x11: {  	[tilespmem:s20+$0x2850 ss:$0x81] =	vst.msk $0xffff, v2;
	v59 =	vld [tilespmem:s19+$0xFFFFFFF0]  }
0x12: {  	s21 =	sshra.s32 s21, $0x2;
	[tilespmem:s20+$0x3060 ss:$0x81] =	vst.msk $0xffff, v3;
	v60 =	vld [tilespmem:s19+$0x0]  }
0x13: {  	[tilespmem:s20+$0x0 ss:$0x81] =	vst.msk $0xffff, v0;
	v61 =	vld [tilespmem:s19+$0x10];
	s18 =	sadd.s32 s21, s18  }
0x14: {  	s26 =	sshll.u32 s16, $0xC;
	v62 =	vld [tilespmem:s19+$0x20];
	[tilespmem:s18+$0x3870 ss:$0x81] =	vst.msk $0xffff, v4  }
0x15: {  	s27 =	sand.u32 $0x78, s14;
	s22 =	sshll.u32 s14, $0x3;
	v63 =	vld [tilespmem:s19+$0xFFFFFFC0];
	s29 =	sshll.u32 s16, $0x7;
	[tilespmem:s18+$0x810 ss:$0x81] =	vst.msk $0xffff, v5  }
0x16: {  	s15 =	sshll.u32 s15, $0x16;
	s20 =	sand.u32 $0x1FF8000, s26;
	s28 =	sand.u32 $0x1FFFC00, s22;
	[tilespmem:s18+$0x1020 ss:$0x81] =	vst.msk $0xffff, v58  }
0x17: {  	s31 =	sand.u32 $0x7, s14;
	s22 =	sand.u32 $0xC00, s22;
	s19 =	sadd.s32 s28, s20;
	[tilespmem:s18+$0x1830 ss:$0x81] =	vst.msk $0xffff, v59  }
0x18: {  	s16 =	sand.u32 $0x380, s29;
	s30 =	sor.u32 s27, s22;
	s19 =	sshrl.u32 s19, $0x3;
	[tilespmem:s18+$0x2040 ss:$0x81] =	vst.msk $0xffff, v60  }
0x19: {  	s15 =	sadd.s32 s5, s15;
	s16 =	sor.u32 s16, s30;
	s19 =	sand.u32 $0x3FFE00, s19;
	[tilespmem:s18+$0x2850 ss:$0x81] =	vst.msk $0xffff, v61  }
0x1a: {  	s14 =	sshll.u32 s31, $0x12;
	s16 =	sshrl.u32 s16, $0x3;
	[tilespmem:s18+$0x3060 ss:$0x81] =	vst.msk $0xffff, v62;
	s15 =	sadd.s32 s19, s15  }
0x1b: {  	s14 =	sor.u32 $0x400, s14;
	[tilespmem:s18+$0x0 ss:$0x81] =	vst.msk $0xffff, v63;
	s15 =	sadd.s32 s16, s15  }
0x1c: {  	[hbm4b:s15+s14] =	stream.strided.scatter [tilespmem:s17], [sflag:$0x2], $0x4000, s9, s14, $0x20;
	[tilespmem:$0x10100] =	vst v63  }
.LBB1_5:
0x1d: {  	s17 =	sadd.s32 $0x80, s10  }
0x1e: {  	s14 =	sadd.s32 $0x800, s11;
	s18 =	smov.u32 s11;
	p2 =	sgt.s32 s17, $0x1FFF  }
0x1f: {  	s18 =	smov.u32 @p2 s14  }
0x20: {  	s20 =	smov.u32 s12;
	s14 =	sadd.s32 $0x2, s12;
	p3 =	sgt.s32 s18, $0xFFF  }
0x21: {  	s20 =	smov.u32 @p3 s14  }
0x22: {  	s17 =	simm.s32 @p2 $0x0;
	p2 =	sgt.s32 s20, $0x1  }
0x23: {  	p1 =	slt.u32 s13, $0x2;
	s20 =	smov.u32 @p2 s2;
	p2 =	sne.s32 s13, s8  }
.Ltmp1:
0x24: {  	s19 =	simm.s32 @!p1 $0x2;
	(pc) =	sbr.rel @!p2 .LBB1_6-.Ltmp1, $4  }
0x25: {  	s16 =	smov.u32 s10;
	s15 =	smov.u32 s12;
	_ =	swait.ge @!p1 [sflag:s19], $0x4000  }
0x26: {  	p0 =	por !p0, !p0;
	[sflag:s19] =	ssyncset.done @!p1 $0x0;
	s10 =	smov.u32 s17  }
0x27: {  	s18 =	smov.u32 @p3 s1;
	s14 =	smov.u32 s11;
	[sflag:s19] =	ssyncadd.s32 @!p1 $0xFFFFC000  }
0x28: {  	s11 =	smov.u32 s18;
	s13 =	sadd.s32 $0x1, s13;
	s12 =	smov.u32 s20  }
.LBB1_1:
0x29: {  	p1 =	sge.u32 s13, s7;
	s31 =	sadd.s32 $0xFFFFFFFF, s13  }
0x2a: {  	s17 =	sxor.u32 @!p1 $0xFFFFFFFF, s13;
	s18 =	sand.u32 @!p1 $0x78, s10;
	s19 =	sshll.u32 @!p1 s11, $0xD  }
0x2b: {  	s20 =	sshll.u32 @!p1 s11, $0x7;
	s21 =	sshll.u32 @!p1 s10, $0x3;
	s17 =	sshll.u32 @!p1 s17, $0xE  }
0x2c: {  	s19 =	sand.u32 @!p1 $0x1FF0000, s19;
	s20 =	sand.u32 @!p1 $0x380, s20;
	s17 =	sand.u32 @!p1 $0x4000, s17  }
0x2d: {  	s19 =	sadd.s32 @!p1 s19, s21;
	s21 =	sand.u32 @!p1 $0x1C00, s21;
	s18 =	sor.u32 @!p1 s20, s18  }
0x2e: {  	s20 =	sshll.u32 @!p1 s12, $0x16;
	s18 =	sor.u32 @!p1 s21, s18;
	s19 =	sshrl.u32 @!p1 s19, $0x3  }
0x2f: {  	s20 =	sadd.s32 @!p1 s4, s20;
	s21 =	sand.u32 @!p1 $0x7, s10;
	s19 =	sand.u32 @!p1 $0x3FFC00, s19  }
0x30: {  	s18 =	sshrl.u32 @!p1 s18, $0x3;
	s19 =	sadd.s32 @!p1 s19, s20;
	s20 =	sshll.u32 @!p1 s21, $0x12  }
0x31: {  	s18 =	sadd.s32 @!p1 s18, s19;
	s19 =	sor.u32 @!p1 $0x400, s20;
	s20 =	simm.s32 @!p1 $0x10000  }
0x32: {  	[tilespmem:s17], [sflag:$0x1] =	stream.strided.gather @!p1 [hbm4b:s18+s19], $0x4000, s20, s19, $0x38;
	[tilespmem:$0x10100] =	vst v63  }
0x33: {  	p1 =	sge.u32 s31, s7  }
.Ltmp2:
0x34: {  	_ = 	snop;
	(pc) =	sbr.rel @p1 .LBB1_5-.Ltmp2, $1  }
0x35: {  	_ =	sdelay $0x3  }
0x36: {  	s17 =	simm.s32 $0x1  }
0x37: {  	_ =	swait.ge [sflag:s6], $0x4000;
	s17 =	simm.s32 @!p0 $0x0  }
0x38: {  	[sflag:s6] =	ssyncset.done $0x0;
	s18 =	sshll.u32 s17, $0xE  }
0x39: {  	[sflag:s6] =	ssyncadd.s32 $0xFFFFC000;
	s19 =	sor.u32 $0x40, s18  }
0x3a: {  	s17 =	smul.u32 $0x10200, s17;
	v0 =	vld [tilespmem:s19+$0x30]  }
0x3b: {  	v3 =	vld [tilespmem:s19+$0xFFFFFFD0]  }
0x3c: {  	s17 =	sshrl.u32 s17, $0x2;
	v4 =	vld [tilespmem:s19+$0xFFFFFFE0]  }
0x3d: {  	v5 =	vld [tilespmem:s19+$0xFFFFFFF0];
	s18 =	sor.u32 $0x8000, s17  }
0x3e: {  	s31 =	sand.u32 $0x1, s13;
	v1 =	vld [tilespmem:s19+$0x0];
	s20 =	sadd.s32 $0x0, s18  }
0x3f: {  	v2 =	vld [tilespmem:s19+$0x10];
	s17 =	smul.u32 $0x10200, s31;
	[tilespmem:s20+$0x3870 ss:$0x81] =	vst.msk $0xffff, v0  }
0x40: {  	[tilespmem:s20+$0x810 ss:$0x81] =	vst.msk $0xffff, v3;
	v3 =	vld [tilespmem:s19+$0x20]  }
0x41: {  	s17 =	sshrl.u32 s17, $0x2;
	v0 =	vld [tilespmem:s19+$0xFFFFFFC0];
	[tilespmem:s20+$0x1020 ss:$0x81] =	vst.msk $0xffff, v4;
	s19 =	sadd.s32 $0x80, s19  }
0x42: {  	s21 =	simm.s32 $0x4;
	s22 =	simm.s32 $0x8;
	s17 =	sor.u32 $0x8000, s17;
	[tilespmem:s20+$0x1830 ss:$0x81] =	vst.msk $0xffff, v5;
	v4 =	vld [tilespmem:s19+$0x30]  }
.LBB1_3:
0x43: {  	p1 =	sne.s32 s22, $0x1FC;
	v5 =	vld [tilespmem:s19+$0xFFFFFFD0];
	[tilespmem:s20+$0x2040 ss:$0x81] =	vst.msk $0xffff, v1  }
0x44: {  	v6 =	vld [tilespmem:s19+$0xFFFFFFE0];
	[tilespmem:s20+$0x2850 ss:$0x81] =	vst.msk $0xffff, v2  }
0x45: {  	s23 =	sshra.s32 s21, $0x2;
	s21 =	smov.u32 s22;
	v7 =	vld [tilespmem:s19+$0xFFFFFFF0];
	[tilespmem:s20+$0x3060 ss:$0x81] =	vst.msk $0xffff, v3  }
.Ltmp3:
0x46: {  	v1 =	vld [tilespmem:s19+$0x0];
	[tilespmem:s20+$0x0 ss:$0x81] =	vst.msk $0xffff, v0;
	s20 =	sadd.s32 s23, s18;
	(pc) =	sbr.rel @p1 .LBB1_3-.Ltmp3, $4  }
0x47: {  	v2 =	vld [tilespmem:s19+$0x10];
	[tilespmem:s20+$0x3870 ss:$0x81] =	vst.msk $0xffff, v4  }
0x48: {  	[tilespmem:s20+$0x810 ss:$0x81] =	vst.msk $0xffff, v5;
	v3 =	vld [tilespmem:s19+$0x20]  }
0x49: {  	v0 =	vld [tilespmem:s19+$0xFFFFFFC0];
	[tilespmem:s20+$0x1020 ss:$0x81] =	vst.msk $0xffff, v6;
	s19 =	sadd.s32 $0x80, s19  }
0x4a: {  	s22 =	sadd.s32 $0x4, s22;
	v4 =	vld [tilespmem:s19+$0x30];
	[tilespmem:s20+$0x1830 ss:$0x81] =	vst.msk $0xffff, v7  }
.Ltmp4:
0x4b: {  	_ = 	snop;
	(pc) =	sbr.rel .LBB1_4-.Ltmp4, $1  }
0x4c: {  	_ =	sdelay $0x3  }
.LBB1_6:
0x4d: {  	_ =	sfence.sel $0x180000  }
0x4e: {  	s1 =	simm.s32 $0x1;
	[bflag:$0x0] =	sbarrier.arrive $0xFFFF  }
0x4f: {  	s31 =	simm.s32 $0x2;
	[sflag:s1] =	ssyncpa.u1 $0x1  }
0x50: {  	[sflag:s31] =	ssyncpa.u1 $0x1  }
0x51: {  	p0 =	sne.s32 s0, $0x0;
	_ =	strace $0x9000005F  }
0x52: {  	s0 =	sadd.s32 @!p0 $0x100000, s3;
	[bflag:$0x2] =	sbarrier.arrive $0xFFFF  }
0x53: {  	[sflag:s0] =	ssyncadd.tile.s32 @!p0 $0x1;
	_ =	shalt  }
.Lfunc_end1:
_tile_overlayer_lowered:
.L_overlay_start_2:
0x54: {  	(tag) =	ssettag $0x2  }
0x55: {  	s0 =	rddreg [dreg:$0x0];
	s2 =	stileid.u32  }
0x56: {  	s1 =	rddreg [dreg:$0x1];
	p0 =	sne.s32 s2, $0x0  }
0x57: {  	s3 =	rddreg [dreg:$0x2];
	[bflag:$0x3] =	sbarrier.arrive $0xFFFF;
	s2 =	simm.s32 @!p0 $0x1C01  }
0x58: {  	[timem:s3], [sflag:s2] =	dma.local @!p0 [hbm:s0], s1  }
0x59: {  	s0 =	simm.s32 @!p0 $0x1  }
0x5a: {  	_ =	swait.ge @!p0 [sflag:s0], s1  }
0x5b: {  	s1 =	ssub.s32 @!p0 $0x0, s1;
	[sflag:s0] =	ssyncset.done @!p0 $0x0  }
0x5c: {  	[sflag:s0] =	ssyncadd.s32 @!p0 s1  }
0x5d: {  	[bflag:$0x3] =	sbarrier.arrive $0xFFFF  }
0x5e: {  	_ =	shalt  }

// kernel: sparse-core-data-format-call.cloned.1.call-start
scs
called_computation_lowered:
.L_overlay_start_0:
0x0: {  	s2 =	sld [smem:$0x3FD9]  }
0x1: {  	s3 =	sld [smem:$0x3FFE];
	_ =	sdelay $0x1  }
0x2: {  	s1 =	srdreg.scid  }
0x3: {  	s0 =	sand.u32 $0x1, s1  }
0x4: {  	s18 =	sshll.u32 s0, $0xA;
	s2 =	sadd.s32 s3, s2  }
0x5: {  	s2 =	sadd.s32 s2, s18  }
0x6: {  	[smem:$0x3F8B] =	sst s2  }
0x7: {  	_ = 	snop  }
0x8: {  	(tm) =	ssettm $0x1  }
0x9: {  	s19 =	sld [smem:$0x3FFB];
	_ =	sdelay $0x3  }
0xa: {  	_ =	strace s19  }
0xb: {  	s2 =	sld [smem:$0x3FFC];
	_ =	sdelay $0x3  }
0xc: {  	_ =	strace s2  }
0xd: {  	s2 =	sld [smem:$0x3FFD];
	_ =	sdelay $0x3  }
0xe: {  	_ =	strace s2  }
0xf: {  	_ =	strace $0x8FFFFFFF  }
0x10: {  	s20 =	sld [smem:$0x3FDB];
	_ =	sdelay $0x1  }
0x11: {  	s21 =	simm.s32 $_scs_section_size  }
0x12: {  	s4 =	simm.s32 $_size__tile_overlayer_lowered;
	s5 =	simm.s32 $_tile_overlayer_lowered  }
0x13: {  	s6 =	simm.s32 $0x1BFF;
	s22 =	sshll.u32 s5, $0x1;
	s3 =	sadd.s32 s21, s20  }
0x14: {  	s23 =	simm.s32 $0x0;
	s4 =	sshll.u32 s4, $0x1;
	s5 =	sadd.s32 s22, s3  }
0x15: {  	[timem:s23], [sflag:s6] =	dma.local [hbm:s5], s4  }
0x16: {  	_ =	swait.ge [sflag:s6], s4  }
0x17: {  	s4 =	ssub.s32 $0x0, s4;
	[sflag:s6] =	ssyncset.done $0x0  }
0x18: {  	[sflag:s6] =	ssyncadd.s32 s4;
	_ =	sdelay $0x1  }
0x19: {  	s24 =	simm.s32 $0x1B8B  }
0x1a: {  	_ =	swait.ge [sflag:s24], $0x1  }
0x1b: {  	[sflag:s24] =	ssyncset.done $0x0  }
0x1c: {  	[sflag:s24] =	ssyncadd.s32 $0xFFFFFFFF  }
0x1d: {  	s4 =	sld [smem:$0x0]  }
0x1e: {  	s5 =	sand.u32 $0xFFFFFFFE, s1  }
0x1f: {  	p0 =	sne.s32 s1, s5  }
0x20: {  	s5 =	sshll.u32 @p0 s5, $0xE  }
0x21: {  	s5 =	sadd.s32 @p0 $0x11B8D, s5;
	s6 =	sshll.u32 @p0 s4, $0x11  }
0x22: {  	s5 =	sor.u32 @p0 s6, s5  }
0x23: {  	[sflag:s5] =	ssyncadd.remote.s32 @p0 $0x1;
	_ =	sdelay $0x1  }
0x24: {  	s5 =	simm.s32 @p0 $0x1B8D  }
0x25: {  	_ =	swait.eq @p0 [sflag:s5], $0x1  }
0x26: {  	[sflag:s5] =	ssyncadd.s32 @p0 $0xFFFFFFFF  }
0x27: {  	s6 =	sshll.u32 @!p0 s1, $0xE  }
0x28: {  	s6 =	sor.u32 @!p0 $0x4000, s6;
	s5 =	simm.s32 @!p0 $0x1B8D  }
0x29: {  	s4 =	sshll.u32 @!p0 s4, $0x11;
	s6 =	sadd.s32 @!p0 $0x11B8D, s6;
	_ =	swait.eq @!p0 [sflag:s5], $0x1  }
0x2a: {  	s4 =	sor.u32 @!p0 s4, s6;
	[sflag:s5] =	ssyncadd.s32 @!p0 $0xFFFFFFFF  }
0x2b: {  	s26 =	simm.s32 $0x1B8E;
	s25 =	sld [smem:$0x3FFE];
	[sflag:s4] =	ssyncadd.remote.s32 @!p0 $0x1  }
0x2c: {  	s27 =	simm.s32 $execute0_lowered;
	[smem:$0x3FD2] =	sst s26  }
0x2d: {  	s5 =	sshll.u32 s27, $0x1;
	_ =	strace $0x80000061;
	[dreg:$0x1] =	wrdreg $0xFFFFFFFF  }
0x2e: {  	s28 =	simm.s32 $_size_execute0_lowered;
	s3 =	sadd.s32 s3, s5;
	[dreg:$0x0] =	wrdreg $0x0  }
0x2f: {  	s5 =	sshll.u32 s28, $0x1;
	[dreg:$0x2] =	wrdreg s3  }
0x30: {  	[dreg:$0x3] =	wrdreg s5  }
0x31: {  	[dreg:$0x4] =	wrdreg $0xC0  }
0x32: {  	_ =	task [dreg:s23], $0x5FFFF  }
0x33: {  	[dreg:$0x1] =	wrdreg $0xFFFFFFFF  }
0x34: {  	[dreg:$0x0] =	wrdreg $0x60  }
0x35: {  	[dreg:$0x2] =	wrdreg s25  }
0x36: {  	[dreg:$0x3] =	wrdreg $0x9  }
0x37: {  	_ =	task.clear_ibuf [dreg:s23], $0x4FFFF;
	_ =	strace $0x90000061  }
0x38: {  	s29 =	simm.s32 $0x9;
	_ =	strace $0x80000063  }
0x39: {  	_ =	swait.ge [sflag:s29], $0x1  }
0x3a: {  	[sflag:s29] =	ssyncadd.s32 $0xFFFFFFFF  }
0x3b: {  	_ =	strace $0x90000063  }
0x3c: {  	_ =	sfence  }
0x3d: {  	s30 =	sld [smem:$0x0];
	_ =	sdelay $0x2  }
0x3e: {  	s31 =	sshll.u32 s1, $0xD;
	s1 =	sshrl.u32 s1, $0x2  }
0x3f: {  	s4 =	sand.u32 $0x4000, s31;
	s1 =	sadd.s32 s1, s30  }
0x40: {  	s0 =	sor.u32 s4, s0;
	s1 =	sshll.u32 s1, $0x11  }
0x41: {  	s0 =	sor.u32 s1, s0  }
0x42: {  	s0 =	sadd.s32 $0x8F2B, s0  }
0x43: {  	[sflag:s0] =	ssyncadd.remote.s32 $0x1  }
0x44: {  	_ =	sfence.sel $0xFFFF  }
0x45: {  	[dreg:$0x0] =	wrdreg $0xFFFFFFFF;
	(pc) =	sbr.abs _section_cstart, $3  }
0x46: {  	[dreg:$0x1] =	wrdreg $0xFFFFFFFF  }
0x47: {  	_ =	task.clear_ibuf [dreg:s23], $0x2FFFF;
	_ =	strace $0x9FFFFFFF  }
0x48: {  	(tm) =	ssettm $0x7FFFFFFF  }
0x49: {  	_ =	shalt  }
tec
execute0_lowered:
.L_overlay_start_1:
0x0: {  	(tag) =	ssettag $0x1  }
0x1: {  	s0 =	stileid.u32  }
0x2: {  	s1 =	srdreg.scid;
	s5 =	rddreg [dreg:$0x0];
	s31 =	simm.s32 $0x2  }
0x3: {  	s16 =	simm.s32 $0x0;
	s2 =	sshll.u32 s0, $0x6;
	s1 =	sshll.u32 s1, $0xA  }
0x4: {  	s9 =	simm.s32 $0x10000;
	s14 =	simm.s32 $0x0;
	s1 =	sor.u32 s2, s1  }
0x5: {  	s15 =	simm.s32 $0x0;
	s10 =	simm.s32 $0x0;
	s1 =	sand.u32 $0x780, s1  }
0x6: {  	s13 =	simm.s32 $0x0;
	s2 =	sand.u32 $0x1, s0;
	s3 =	ssub.s32 $0x2000, s1  }
0x7: {  	s4 =	ssub.s32 $0x2, s2;
	s12 =	smov.u32 s2;
	s6 =	sand.u32 $0x780, s3  }
0x8: {  	s7 =	sshrl.u32 s4, $0x1;
	p0 =	sne.s32 s6, $0x0;
	s6 =	simm.s32 $0x1  }
0x9: {  	s4 =	sand.u32 $0x1, s4;
	s8 =	sshrl.u32 s3, $0xB;
	s6 =	simm.s32 @!p0 $0x0  }
.Ltmp0:
0xa: {  	s4 =	sadd.s32 s4, s7;
	s6 =	sadd.s32 s6, s8;
	(pc) =	sbr.rel .LBB1_1-.Ltmp0, $4  }
0xb: {  	s11 =	smov.u32 s1;
	s3 =	rddreg [dreg:$0x1];
	s7 =	smul.u32 s6, s4  }
0xc: {  	_ =	strace $0x80000062;
	p0 =	por $0x0, $0x0;
	s6 =	simm.s32 $0x1  }
0xd: {  	s4 =	sadd.s32 $0x1523E00, s5;
	[sflag:s6] =	ssyncpa.u1 $0x0;
	s7 =	sshll.u32 s7, $0x5  }
0xe: {  	s5 =	sadd.s32 $0x1D23E00, s5;
	[sflag:s31] =	ssyncpa.u1 $0x0;
	s8 =	sor.u32 $0x1, s7  }
.LBB1_4:
0xf: {  	v5 =	vld [tilespmem:s19+$0xFFFFFFD0]  }
0x10: {  	[tilespmem:s20+$0x2040 ss:$0x81] =	vst.msk $0xffff, v1;
	v58 =	vld [tilespmem:s19+$0xFFFFFFE0]  }
0x11: {  	[tilespmem:s20+$0x2850 ss:$0x81] =	vst.msk $0xffff, v2;
	v59 =	vld [tilespmem:s19+$0xFFFFFFF0]  }
0x12: {  	s21 =	sshra.s32 s21, $0x2;
	[tilespmem:s20+$0x3060 ss:$0x81] =	vst.msk $0xffff, v3;
	v60 =	vld [tilespmem:s19+$0x0]  }
0x13: {  	[tilespmem:s20+$0x0 ss:$0x81] =	vst.msk $0xffff, v0;
	v61 =	vld [tilespmem:s19+$0x10];
	s18 =	sadd.s32 s21, s18  }
0x14: {  	s26 =	sshll.u32 s16, $0xD;
	v62 =	vld [tilespmem:s19+$0x20];
	[tilespmem:s18+$0x3870 ss:$0x81] =	vst.msk $0xffff, v4  }
0x15: {  	s27 =	sand.u32 $0x78, s14;
	s22 =	sshll.u32 s14, $0x3;
	v63 =	vld [tilespmem:s19+$0xFFFFFFC0];
	s29 =	sshll.u32 s16, $0x7;
	[tilespmem:s18+$0x810 ss:$0x81] =	vst.msk $0xffff, v5  }
0x16: {  	s15 =	sshll.u32 s15, $0x16;
	s20 =	sand.u32 $0x1FF0000, s26;
	s28 =	sand.u32 $0x1FFFC00, s22;
	[tilespmem:s18+$0x1020 ss:$0x81] =	vst.msk $0xffff, v58  }
0x17: {  	s31 =	sand.u32 $0x7, s14;
	s22 =	sand.u32 $0x1C00, s22;
	s19 =	sadd.s32 s28, s20;
	[tilespmem:s18+$0x1830 ss:$0x81] =	vst.msk $0xffff, v59  }
0x18: {  	s16 =	sand.u32 $0x380, s29;
	s30 =	sor.u32 s27, s22;
	s19 =	sshrl.u32 s19, $0x3;
	[tilespmem:s18+$0x2040 ss:$0x81] =	vst.msk $0xffff, v60  }
0x19: {  	s15 =	sadd.s32 s5, s15;
	s16 =	sor.u32 s16, s30;
	s19 =	sand.u32 $0x3FFC00, s19;
	[tilespmem:s18+$0x2850 ss:$0x81] =	vst.msk $0xffff, v61  }
0x1a: {  	s14 =	sshll.u32 s31, $0x12;
	s16 =	sshrl.u32 s16, $0x3;
	[tilespmem:s18+$0x3060 ss:$0x81] =	vst.msk $0xffff, v62;
	s15 =	sadd.s32 s19, s15  }
0x1b: {  	s14 =	sor.u32 $0x400, s14;
	[tilespmem:s18+$0x0 ss:$0x81] =	vst.msk $0xffff, v63;
	s15 =	sadd.s32 s16, s15  }
0x1c: {  	[hbm4b:s15+s14] =	stream.strided.scatter [tilespmem:s17], [sflag:$0x2], $0x4000, s9, s14, $0x20;
	[tilespmem:$0x10100] =	vst v63  }
.LBB1_5:
0x1d: {  	s17 =	sadd.s32 $0x80, s10  }
0x1e: {  	s14 =	sadd.s32 $0x800, s11;
	s18 =	smov.u32 s11;
	p2 =	sgt.s32 s17, $0xFFF  }
0x1f: {  	s18 =	smov.u32 @p2 s14  }
0x20: {  	s20 =	smov.u32 s12;
	s14 =	sadd.s32 $0x2, s12;
	p3 =	sgt.s32 s18, $0x1FFF  }
0x21: {  	s20 =	smov.u32 @p3 s14  }
0x22: {  	s17 =	simm.s32 @p2 $0x0;
	p2 =	sgt.s32 s20, $0x1  }
0x23: {  	p1 =	slt.u32 s13, $0x2;
	s20 =	smov.u32 @p2 s2;
	p2 =	sne.s32 s13, s8  }
.Ltmp1:
0x24: {  	s19 =	simm.s32 @!p1 $0x2;
	(pc) =	sbr.rel @!p2 .LBB1_6-.Ltmp1, $4  }
0x25: {  	s16 =	smov.u32 s10;
	s15 =	smov.u32 s12;
	_ =	swait.ge @!p1 [sflag:s19], $0x4000  }
0x26: {  	p0 =	por !p0, !p0;
	[sflag:s19] =	ssyncset.done @!p1 $0x0;
	s10 =	smov.u32 s17  }
0x27: {  	s18 =	smov.u32 @p3 s1;
	s14 =	smov.u32 s11;
	[sflag:s19] =	ssyncadd.s32 @!p1 $0xFFFFC000  }
0x28: {  	s11 =	smov.u32 s18;
	s13 =	sadd.s32 $0x1, s13;
	s12 =	smov.u32 s20  }
.LBB1_1:
0x29: {  	p1 =	sge.u32 s13, s7;
	s31 =	sadd.s32 $0xFFFFFFFF, s13  }
0x2a: {  	s17 =	sxor.u32 @!p1 $0xFFFFFFFF, s13;
	s18 =	sand.u32 @!p1 $0x78, s10;
	s19 =	sshll.u32 @!p1 s11, $0xC  }
0x2b: {  	s20 =	sshll.u32 @!p1 s11, $0x7;
	s21 =	sshll.u32 @!p1 s10, $0x3;
	s17 =	sshll.u32 @!p1 s17, $0xE  }
0x2c: {  	s19 =	sand.u32 @!p1 $0x1FF8000, s19;
	s20 =	sand.u32 @!p1 $0x380, s20;
	s17 =	sand.u32 @!p1 $0x4000, s17  }
0x2d: {  	s19 =	sadd.s32 @!p1 s19, s21;
	s21 =	sand.u32 @!p1 $0xC00, s21;
	s18 =	sor.u32 @!p1 s20, s18  }
0x2e: {  	s20 =	sshll.u32 @!p1 s12, $0x16;
	s18 =	sor.u32 @!p1 s21, s18;
	s19 =	sshrl.u32 @!p1 s19, $0x3  }
0x2f: {  	s20 =	sadd.s32 @!p1 s4, s20;
	s21 =	sand.u32 @!p1 $0x7, s10;
	s19 =	sand.u32 @!p1 $0x3FFE00, s19  }
0x30: {  	s18 =	sshrl.u32 @!p1 s18, $0x3;
	s19 =	sadd.s32 @!p1 s19, s20;
	s20 =	sshll.u32 @!p1 s21, $0x12  }
0x31: {  	s18 =	sadd.s32 @!p1 s18, s19;
	s19 =	sor.u32 @!p1 $0x400, s20;
	s20 =	simm.s32 @!p1 $0x8000  }
0x32: {  	[tilespmem:s17], [sflag:$0x1] =	stream.strided.gather @!p1 [hbm4b:s18+s19], $0x4000, s20, s19, $0x38;
	[tilespmem:$0x10100] =	vst v63  }
0x33: {  	p1 =	sge.u32 s31, s7  }
.Ltmp2:
0x34: {  	_ = 	snop;
	(pc) =	sbr.rel @p1 .LBB1_5-.Ltmp2, $1  }
0x35: {  	_ =	sdelay $0x3  }
0x36: {  	s17 =	simm.s32 $0x1  }
0x37: {  	_ =	swait.ge [sflag:s6], $0x4000;
	s17 =	simm.s32 @!p0 $0x0  }
0x38: {  	[sflag:s6] =	ssyncset.done $0x0;
	s18 =	sshll.u32 s17, $0xE  }
0x39: {  	[sflag:s6] =	ssyncadd.s32 $0xFFFFC000;
	s19 =	sor.u32 $0x40, s18  }
0x3a: {  	s17 =	smul.u32 $0x10200, s17;
	v0 =	vld [tilespmem:s19+$0x30]  }
0x3b: {  	v3 =	vld [tilespmem:s19+$0xFFFFFFD0]  }
0x3c: {  	s17 =	sshrl.u32 s17, $0x2;
	v4 =	vld [tilespmem:s19+$0xFFFFFFE0]  }
0x3d: {  	v5 =	vld [tilespmem:s19+$0xFFFFFFF0];
	s18 =	sor.u32 $0x8000, s17  }
0x3e: {  	s31 =	sand.u32 $0x1, s13;
	v1 =	vld [tilespmem:s19+$0x0];
	s20 =	sadd.s32 $0x0, s18  }
0x3f: {  	v2 =	vld [tilespmem:s19+$0x10];
	s17 =	smul.u32 $0x10200, s31;
	[tilespmem:s20+$0x3870 ss:$0x81] =	vst.msk $0xffff, v0  }
0x40: {  	[tilespmem:s20+$0x810 ss:$0x81] =	vst.msk $0xffff, v3;
	v3 =	vld [tilespmem:s19+$0x20]  }
0x41: {  	s17 =	sshrl.u32 s17, $0x2;
	v0 =	vld [tilespmem:s19+$0xFFFFFFC0];
	[tilespmem:s20+$0x1020 ss:$0x81] =	vst.msk $0xffff, v4;
	s19 =	sadd.s32 $0x80, s19  }
0x42: {  	s21 =	simm.s32 $0x4;
	s22 =	simm.s32 $0x8;
	s17 =	sor.u32 $0x8000, s17;
	[tilespmem:s20+$0x1830 ss:$0x81] =	vst.msk $0xffff, v5;
	v4 =	vld [tilespmem:s19+$0x30]  }
.LBB1_3:
0x43: {  	p1 =	sne.s32 s22, $0x1FC;
	v5 =	vld [tilespmem:s19+$0xFFFFFFD0];
	[tilespmem:s20+$0x2040 ss:$0x81] =	vst.msk $0xffff, v1  }
0x44: {  	v6 =	vld [tilespmem:s19+$0xFFFFFFE0];
	[tilespmem:s20+$0x2850 ss:$0x81] =	vst.msk $0xffff, v2  }
0x45: {  	s23 =	sshra.s32 s21, $0x2;
	s21 =	smov.u32 s22;
	v7 =	vld [tilespmem:s19+$0xFFFFFFF0];
	[tilespmem:s20+$0x3060 ss:$0x81] =	vst.msk $0xffff, v3  }
.Ltmp3:
0x46: {  	v1 =	vld [tilespmem:s19+$0x0];
	[tilespmem:s20+$0x0 ss:$0x81] =	vst.msk $0xffff, v0;
	s20 =	sadd.s32 s23, s18;
	(pc) =	sbr.rel @p1 .LBB1_3-.Ltmp3, $4  }
0x47: {  	v2 =	vld [tilespmem:s19+$0x10];
	[tilespmem:s20+$0x3870 ss:$0x81] =	vst.msk $0xffff, v4  }
0x48: {  	[tilespmem:s20+$0x810 ss:$0x81] =	vst.msk $0xffff, v5;
	v3 =	vld [tilespmem:s19+$0x20]  }
0x49: {  	v0 =	vld [tilespmem:s19+$0xFFFFFFC0];
	[tilespmem:s20+$0x1020 ss:$0x81] =	vst.msk $0xffff, v6;
	s19 =	sadd.s32 $0x80, s19  }
0x4a: {  	s22 =	sadd.s32 $0x4, s22;
	v4 =	vld [tilespmem:s19+$0x30];
	[tilespmem:s20+$0x1830 ss:$0x81] =	vst.msk $0xffff, v7  }
.Ltmp4:
0x4b: {  	_ = 	snop;
	(pc) =	sbr.rel .LBB1_4-.Ltmp4, $1  }
0x4c: {  	_ =	sdelay $0x3  }
.LBB1_6:
0x4d: {  	_ =	sfence.sel $0x180000  }
0x4e: {  	s1 =	simm.s32 $0x1;
	[bflag:$0x0] =	sbarrier.arrive $0xFFFF  }
0x4f: {  	s31 =	simm.s32 $0x2;
	[sflag:s1] =	ssyncpa.u1 $0x1  }
0x50: {  	[sflag:s31] =	ssyncpa.u1 $0x1  }
0x51: {  	p0 =	sne.s32 s0, $0x0;
	_ =	strace $0x90000062  }
0x52: {  	s0 =	sadd.s32 @!p0 $0x100000, s3;
	[bflag:$0x2] =	sbarrier.arrive $0xFFFF  }
0x53: {  	[sflag:s0] =	ssyncadd.tile.s32 @!p0 $0x1;
	_ =	shalt  }
.Lfunc_end1:
_tile_overlayer_lowered:
.L_overlay_start_2:
0x54: {  	(tag) =	ssettag $0x2  }
0x55: {  	s0 =	rddreg [dreg:$0x0];
	s2 =	stileid.u32  }
0x56: {  	s1 =	rddreg [dreg:$0x1];
	p0 =	sne.s32 s2, $0x0  }
0x57: {  	s3 =	rddreg [dreg:$0x2];
	[bflag:$0x3] =	sbarrier.arrive $0xFFFF;
	s2 =	simm.s32 @!p0 $0x1C01  }
0x58: {  	[timem:s3], [sflag:s2] =	dma.local @!p0 [hbm:s0], s1  }
0x59: {  	s0 =	simm.s32 @!p0 $0x1  }
0x5a: {  	_ =	swait.ge @!p0 [sflag:s0], s1  }
0x5b: {  	s1 =	ssub.s32 @!p0 $0x0, s1;
	[sflag:s0] =	ssyncset.done @!p0 $0x0  }
0x5c: {  	[sflag:s0] =	ssyncadd.s32 @!p0 s1  }
0x5d: {  	[bflag:$0x3] =	sbarrier.arrive $0xFFFF  }
0x5e: {  	_ =	shalt  }

</sc_bundles>
